<compile_context>
chip_gen: v7x
topology: tpu7x:2x2x1
jax: 0.10.2.dev20260603
libtpu: 0.0.44.dev20260713+nightly
codegen_flags: <defaults>
</compile_context>

<pallas_src>
import functools
import jax
import jax.numpy as jnp
from jax import lax
from jax.experimental import pallas as pl
from jax.experimental.pallas import tpu as pltpu
from jax.experimental.pallas import tpu_sc as plsc

_D = 64
_C = 4
_E = 8
_NOISE_EPS = 0.01
_BN = 4096
_SQRT1_2 = 0.7071067811865476

_N_TC = 16384
_NW = 32
_CH = 128


def _softplus_vec(x):
    u = jnp.exp(-jnp.abs(x))
    s = u / (2.0 + u)
    s2 = s * s
    ln1p = 2.0 * s * (1.0 + s2 * (1.0 / 3.0 + s2 * (0.2 + s2 * (1.0 / 7.0 + s2 / 9.0))))
    return jnp.maximum(x, 0.0) + ln1p


def _ncdf_vec(z):
    xa = jnp.abs(z) * _SQRT1_2
    t = 1.0 / (1.0 + 0.3275911 * xa)
    poly = t * (0.254829592 + t * (-0.284496736 + t * (1.421413741
               + t * (-1.453152027 + t * 1.061405429))))
    erfa = 1.0 - poly * jnp.exp(-xa * xa)
    erf = jnp.where(z < 0.0, -erfa, erfa)
    return 0.5 * (1.0 + erf)


def _sc_moe(x, noise, wcat, a2, prelu16, n_tc):
    n_sc = x.shape[0] - n_tc
    tpw = n_sc // _NW
    nch = tpw // _CH
    ngr = _CH // 16
    mesh = plsc.VectorSubcoreMesh(core_axis_name="c", subcore_axis_name="s",
                                  num_cores=2, num_subcores=16)

    @functools.partial(
        pl.kernel, mesh=mesh,
        compiler_params=pltpu.CompilerParams(needs_layout_passes=False),
        out_type=[
            jax.ShapeDtypeStruct((n_sc, _C), jnp.float32),
            jax.ShapeDtypeStruct((_NW, _E, 16), jnp.float32),
            jax.ShapeDtypeStruct((_NW, _E, 16), jnp.float32),
        ],
        scratch_types=[
            pltpu.VMEM((_CH, _D * _C), jnp.float32),
            pltpu.VMEM((_CH, _E), jnp.float32),
            pltpu.VMEM((_CH, _C), jnp.float32),
            pltpu.VMEM((_E, 16), jnp.float32),
            pltpu.VMEM((_E, 16), jnp.float32),
            pltpu.VMEM((_D * _C, 16), jnp.float32),
            pltpu.VMEM((_E, _D), jnp.float32),
            pltpu.VMEM((16,), jnp.float32),
            pltpu.VMEM((_D, 16), jnp.float32),
        ],
    )
    def k(x_hbm, nz_hbm, w_hbm, a_hbm, prelu_hbm,
          out_hbm, imp_hbm, load_hbm,
          xbuf, nzbuf, outbuf, impbuf, loadbuf, wv, av, pv, pwt):
        cid = lax.axis_index("c")
        sid = lax.axis_index("s")
        wid = sid * 2 + cid
        base = n_tc + wid * tpw

        iota = lax.iota(jnp.int32, 16)

        pltpu.sync_copy(w_hbm, wv)
        pltpu.sync_copy(a_hbm, av)
        pltpu.sync_copy(prelu_hbm, pv)

        pvec = pv[...]
        for e in range(_E):
            pe = pvec[e]
            for db in range(_D // 16):
                vec = av[e, pl.ds(db * 16, 16)]
                pwv = jnp.where(vec >= 0.0, vec, pe * vec)
                plsc.store_scatter(pwt, [db * 16 + iota,
                                         jnp.full((16,), e, jnp.int32)], pwv)

        zrow = jnp.zeros((16,), jnp.float32)
        for e in range(_E):
            impbuf[e, :] = zrow
            loadbuf[e, :] = zrow

        def chunk_body(ch, carry0):
            row0 = base + ch * _CH
            pltpu.sync_copy(x_hbm.at[pl.ds(row0, _CH)], xbuf)
            pltpu.sync_copy(nz_hbm.at[pl.ds(row0, _CH)], nzbuf)

            def grp(g, carry1):
                ridx = g * 16 + iota

                def j_body(j, accs):
                    cidx = jnp.full((16,), j, jnp.int32)
                    xv = plsc.load_gather(xbuf, [ridx, cidx])
                    u = plsc.bitcast(xv, jnp.int32)
                    u = u + 32767 + ((u >> 16) & 1)
                    xr = plsc.bitcast(u & jnp.int32(-65536), jnp.float32)
                    wrow = wv[j, :]
                    return tuple(accs[e] + xr * wrow[e] for e in range(16))

                accs = lax.fori_loop(
                    0, _D * _C, j_body,
                    tuple(jnp.zeros((16,), jnp.float32) for _ in range(16)))
                clean = accs[:_E]
                raw = accs[_E:]

                nz = [plsc.load_gather(nzbuf, [ridx, jnp.full((16,), e, jnp.int32)])
                      for e in range(_E)]
                std = [_softplus_vec(raw[e]) + _NOISE_EPS for e in range(_E)]
                lg = [clean[e] + nz[e] * std[e] for e in range(_E)]

                neg = jnp.float32(-1e30)

                t1 = lg[0]
                for e in range(1, _E):
                    t1 = jnp.maximum(t1, lg[e])
                oh1 = []
                taken = None
                for e in range(_E):
                    eq = lg[e] == t1
                    if taken is None:
                        oh1.append(eq)
                        taken = eq
                    else:
                        oh1.append(eq & (~taken))
                        taken = taken | eq
                lg2 = [jnp.where(oh1[e], neg, lg[e]) for e in range(_E)]
                t2 = lg2[0]
                for e in range(1, _E):
                    t2 = jnp.maximum(t2, lg2[e])
                oh2 = []
                taken = None
                for e in range(_E):
                    eq = lg2[e] == t2
                    if taken is None:
                        oh2.append(eq)
                        taken = eq
                    else:
                        oh2.append(eq & (~taken))
                        taken = taken | eq
                lg3 = [jnp.where(oh2[e], neg, lg2[e]) for e in range(_E)]
                t3 = lg3[0]
                for e in range(1, _E):
                    t3 = jnp.maximum(t3, lg3[e])

                e2 = jnp.exp(t2 - t1)
                denom = 1.0 + e2
                g1 = 1.0 / denom
                g2 = e2 / denom
                zero = jnp.zeros((16,), jnp.float32)
                gates = [jnp.where(oh1[e], g1, zero) + jnp.where(oh2[e], g2, zero)
                         for e in range(_E)]

                for e in range(_E):
                    impbuf[e, :] = impbuf[e, :] + gates[e]
                    thr = jnp.where(lg[e] > t3, t3, t2)
                    prob = _ncdf_vec((clean[e] - thr) / std[e])
                    loadbuf[e, :] = loadbuf[e, :] + prob

                def d_body(d, outs):
                    pwrow = pwt[d, :]
                    gpw = gates[0] * pwrow[0]
                    for e in range(1, _E):
                        gpw = gpw + gates[e] * pwrow[e]
                    new = []
                    for c in range(_C):
                        cidx = jnp.full((16,), d * _C + c, jnp.int32)
                        xv = plsc.load_gather(xbuf, [ridx, cidx])
                        new.append(outs[c] + xv * gpw)
                    return tuple(new)

                outs = lax.fori_loop(
                    0, _D, d_body,
                    tuple(jnp.zeros((16,), jnp.float32) for _ in range(_C)))
                for c in range(_C):
                    plsc.store_scatter(outbuf, [ridx, jnp.full((16,), c, jnp.int32)],
                                       outs[c])
                return carry1

            lax.fori_loop(0, ngr, grp, 0)

            pltpu.sync_copy(outbuf, out_hbm.at[pl.ds(row0 - n_tc, _CH)])
            return carry0

        lax.fori_loop(0, nch, chunk_body, 0)

        pltpu.sync_copy(impbuf, imp_hbm.at[wid])
        pltpu.sync_copy(loadbuf, load_hbm.at[wid])

    return k(x, noise, wcat, a2, prelu16)


def _moe_block_kernel(x_ref, noise_ref, wg_ref, wn_ref, a_ref, pwv_ref,
                      out_ref, imp_ref, load_ref):
    i = pl.program_id(0)
    bn = x_ref.shape[0]

    x = x_ref[...]
    nz = noise_ref[...]
    clean = jnp.dot(x, wg_ref[...], preferred_element_type=jnp.float32)
    raw = jnp.dot(x, wn_ref[...], preferred_element_type=jnp.float32)
    std = jax.nn.softplus(raw) + _NOISE_EPS
    lg = clean + nz * std

    col = jax.lax.broadcasted_iota(jnp.int32, (bn, _E), 1)
    neg_inf = jnp.float32(-jnp.inf)

    i1 = jnp.argmax(lg, axis=1)[:, None]
    t1 = jnp.max(lg, axis=1, keepdims=True)
    oh1 = col == i1
    lg2 = jnp.where(oh1, neg_inf, lg)
    i2 = jnp.argmax(lg2, axis=1)[:, None]
    t2 = jnp.max(lg2, axis=1, keepdims=True)
    oh2 = col == i2
    lg3 = jnp.where(oh2, neg_inf, lg2)
    t3 = jnp.max(lg3, axis=1, keepdims=True)

    e2 = jnp.exp(t2 - t1)
    denom = 1.0 + e2
    gates = jnp.where(oh1, 1.0 / denom, 0.0) + jnp.where(oh2, e2 / denom, 0.0)

    inv_std = 1.0 / std
    pin = 0.5 * (1.0 + jax.lax.erf((clean - t3) * inv_std * _SQRT1_2))
    pout = 0.5 * (1.0 + jax.lax.erf((clean - t2) * inv_std * _SQRT1_2))
    prob = jnp.where(lg > t3, pin, pout)

    a = a_ref[...]
    pw = jnp.where(a >= 0, a, pwv_ref[...] * a)
    dj = jax.lax.broadcasted_iota(jnp.int32, (_D, _D * _C), 0)
    jj = jax.lax.broadcasted_iota(jnp.int32, (_D, _D * _C), 1)
    rep = (jj // _C == dj).astype(jnp.float32)
    pw_exp = jnp.dot(pw, rep, preferred_element_type=jnp.float32)
    gpw = jnp.dot(gates, pw_exp, preferred_element_type=jnp.float32)
    z = x * gpw
    jc = jax.lax.broadcasted_iota(jnp.int32, (_D * _C, _C), 0)
    cc = jax.lax.broadcasted_iota(jnp.int32, (_D * _C, _C), 1)
    sel = (jc % _C == cc).astype(jnp.float32)
    out_ref[...] = jnp.dot(z, sel, preferred_element_type=jnp.float32)

    @pl.when(i == 0)
    def _init():
        imp_ref[...] = jnp.zeros_like(imp_ref)
        load_ref[...] = jnp.zeros_like(load_ref)

    imp_ref[...] += jnp.sum(gates, axis=0, keepdims=True)
    load_ref[...] += jnp.sum(prob, axis=0, keepdims=True)


def _loss_kernel(tcimp_ref, tcload_ref, scimp_ref, scload_ref, loss_ref):
    rows = scimp_ref.shape[0]
    riota = jax.lax.broadcasted_iota(jnp.int32, (rows, 16), 0) % _E
    liota = jax.lax.broadcasted_iota(jnp.int32, (1, _E), 1)
    m_imp = scimp_ref[...]
    m_load = scload_ref[...]
    tci = tcimp_ref[...]
    tcl = tcload_ref[...]

    def cv2(vals):
        mean = sum(vals) / _E
        var = sum((v - mean) ** 2 for v in vals) / (_E - 1)
        return var / (mean * mean + 1e-10)

    imp = [jnp.sum(jnp.where(riota == e, m_imp, 0.0))
           + jnp.sum(jnp.where(liota == e, tci, 0.0)) for e in range(_E)]
    load = [jnp.sum(jnp.where(riota == e, m_load, 0.0))
            + jnp.sum(jnp.where(liota == e, tcl, 0.0)) for e in range(_E)]
    loss_ref[...] = jnp.broadcast_to(cv2(imp) + cv2(load), (1, 1))


def kernel(muti_int, noise, w_gate, w_noise, a_experts, prelu_w):
    n = muti_int.shape[0]
    x = muti_int.reshape(n, _D * _C)
    a = a_experts.reshape(_E, _D)
    pwv = prelu_w.reshape(_E, 1)
    wcat = jnp.concatenate([w_gate, w_noise], axis=1)

    prelu16 = jnp.pad(prelu_w, (0, 8))
    wcat_r = wcat.astype(jnp.bfloat16).astype(jnp.float32)
    sc_out, sc_imp, sc_load = _sc_moe(x, noise, wcat_r, a, prelu16, _N_TC)

    grid = _N_TC // _BN
    tc_out, tc_imp, tc_load = pl.pallas_call(
        _moe_block_kernel,
        grid=(grid,),
        in_specs=[
            pl.BlockSpec((_BN, _D * _C), lambda i: (i, 0)),
            pl.BlockSpec((_BN, _E), lambda i: (i, 0)),
            pl.BlockSpec((_D * _C, _E), lambda i: (0, 0)),
            pl.BlockSpec((_D * _C, _E), lambda i: (0, 0)),
            pl.BlockSpec((_E, _D), lambda i: (0, 0)),
            pl.BlockSpec((_E, 1), lambda i: (0, 0)),
        ],
        out_specs=[
            pl.BlockSpec((_BN, _C), lambda i: (i, 0)),
            pl.BlockSpec((1, _E), lambda i: (0, 0)),
            pl.BlockSpec((1, _E), lambda i: (0, 0)),
        ],
        out_shape=[
            jax.ShapeDtypeStruct((_N_TC, _C), jnp.float32),
            jax.ShapeDtypeStruct((1, _E), jnp.float32),
            jax.ShapeDtypeStruct((1, _E), jnp.float32),
        ],
    )(x, noise, w_gate, w_noise, a, pwv)

    loss = pl.pallas_call(
        _loss_kernel,
        out_shape=jax.ShapeDtypeStruct((1, 1), jnp.float32),
    )(tc_imp, tc_load,
      sc_imp.reshape(_NW * _E, 16), sc_load.reshape(_NW * _E, 16))

    out = jnp.concatenate([tc_out, sc_out], axis=0)
    return out, loss[0, 0]

# --- scband reference (transcript-rebuilt; emitter-appended) ---
"""Pipeline reference for scband-moerec-20607253086259 (READ-ONLY COPY).

The authoritative reference and input builder live on the scoring server;
editing this copy changes nothing except your own understanding.
"""

import jax, jax.numpy as jnp
import numpy as np
from jax.scipy.stats import norm

N = 32768
D = 64
C = 4
E = 8
K = 2
NOISE_EPS = 0.01


def setup_inputs(seed: int = 0):
    key = jax.random.key(seed)
    k0, k1, k2, k3, k4 = jax.random.split(key, 5)
    return {
        "muti_int": jax.random.normal(k0, (N, D, C), dtype=jnp.float32),
        "noise": jax.random.normal(k1, (N, E), dtype=jnp.float32),
        "w_gate": jax.random.normal(k2, (D * C, E), dtype=jnp.float32) * 0.02,
        "w_noise": jax.random.normal(k3, (D * C, E), dtype=jnp.float32) * 0.02,
        "a_experts": jax.random.normal(k4, (E, D, 1), dtype=jnp.float32),
        "prelu_w": jnp.full((E,), 0.25, dtype=jnp.float32),
    }


def _cv_squared(x):
    eps = 1e-10
    return jnp.var(x, ddof=1) / (jnp.mean(x) ** 2 + eps)


def reference(muti_int, noise, w_gate, w_noise, a_experts, prelu_w):
    n = muti_int.shape[0]
    x = muti_int.reshape(n, -1)
    # noisy_top_k_gating (train=True)
    clean_logits = x @ w_gate
    raw_noise_stddev = x @ w_noise
    noise_stddev = jax.nn.softplus(raw_noise_stddev) + NOISE_EPS
    noisy_logits = clean_logits + noise * noise_stddev
    logits = noisy_logits
    kk = min(K + 1, E)
    top_logits, top_indices = jax.lax.top_k(logits, kk)
    top_k_logits = top_logits[:, :K]
    top_k_indices = top_indices[:, :K]
    top_k_gates = jax.nn.softmax(top_k_logits, axis=1)
    gates = jnp.zeros_like(logits).at[jnp.arange(n)[:, None], top_k_indices].set(top_k_gates)
    # _prob_in_top_k load estimate
    m = top_logits.shape[1]
    flat = top_logits.reshape(-1)
    pos_in = jnp.arange(n) * m + K
    thr_in = flat[pos_in][:, None]
    is_in = noisy_logits > thr_in
    thr_out = flat[pos_in - 1][:, None]
    prob_if_in = norm.cdf((clean_logits - thr_in) / noise_stddev)
    prob_if_out = norm.cdf((clean_logits - thr_out) / noise_stddev)
    prob = jnp.where(is_in, prob_if_in, prob_if_out)
    load = prob.sum(0)
    importance = gates.sum(0)
    loss = _cv_squared(importance) + _cv_squared(load)
    # TargetAttention experts; dense equivalent of SparseDispatcher dispatch/combine
    # (tokens with gate==0 contribute 0, matching combine's weighted scatter-add)
    # dropout omitted (eval behavior)
    pw = jnp.where(a_experts >= 0, a_experts, prelu_w[:, None, None] * a_experts)[:, :, 0]  # [E, D]
    expert_out = jnp.einsum('ndc,ed->nec', muti_int, pw)  # sum over D: [N, E, C]
    output = jnp.sum(gates[:, :, None] * expert_out, axis=1)  # [N, C]
    return output, loss

if __name__ == "__main__":
    import jax
    _d = setup_inputs()
    print(jax.jit(kernel)(*tuple(_d.values())))

</pallas_src>

<mosaic_0001>
#map = affine_map<(d0, d1) -> (0, 0)>
#map1 = affine_map<(d0, d1) -> (0)>
#map2 = affine_map<(d0, d1) -> (0, 0, 0)>
module attributes {stable_mosaic.version = 14 : i64} {
  func.func @k(%arg0: i32, %arg1: i32, %arg2: memref<32768x256xf32, #tpu.memory_space<hbm>>, %arg3: memref<32768x8xf32, #tpu.memory_space<hbm>>, %arg4: memref<256x16xf32, #tpu.memory_space<hbm>>, %arg5: memref<8x64xf32, #tpu.memory_space<hbm>>, %arg6: memref<16xf32, #tpu.memory_space<hbm>>, %arg7: memref<16384x4xf32, #tpu.memory_space<hbm>>, %arg8: memref<32x8x16xf32, #tpu.memory_space<hbm>>, %arg9: memref<32x8x16xf32, #tpu.memory_space<hbm>>, %arg10: memref<128x256xf32, #tpu.memory_space<vmem>>, %arg11: memref<128x8xf32, #tpu.memory_space<vmem>>, %arg12: memref<128x4xf32, #tpu.memory_space<vmem>>, %arg13: memref<8x16xf32, #tpu.memory_space<vmem>>, %arg14: memref<8x16xf32, #tpu.memory_space<vmem>>, %arg15: memref<256x16xf32, #tpu.memory_space<vmem>>, %arg16: memref<8x64xf32, #tpu.memory_space<vmem>>, %arg17: memref<16xf32, #tpu.memory_space<vmem>>, %arg18: memref<64x16xf32, #tpu.memory_space<vmem>>) attributes {dimension_semantics = [#tpu.dimension_semantics<core_parallel>, #tpu.dimension_semantics<subcore_parallel>], iteration_bounds = array<i64: 2, 16>, scalar_prefetch = 0 : i64, scratch_operands = 9 : i64, tpu.core_type = #tpu.core_type<sc_vector_subcore>, window_params = [{transform_indices = #map}, {transform_indices = #map}, {transform_indices = #map}, {transform_indices = #map}, {transform_indices = #map1}, {transform_indices = #map}, {transform_indices = #map2}, {transform_indices = #map2}]} {
    %mul3A = arith.constant 2 : i32
    %mul3A_0 = arith.muli %arg1, %mul3A : i32
    %add3A = arith.addi %mul3A_0, %arg0 : i32
    %mul3A_1 = arith.constant 512 : i32
    %mul3A_2 = arith.muli %add3A, %mul3A_1 : i32
    %add3A_3 = arith.constant 16384 : i32
    %add3A_4 = arith.addi %add3A_3, %mul3A_2 : i32
    %iota3A = tpu.iota {dimensions = array<i32: 0>} : vector<16xi32>
    "tpu.region"() ({
      %run_scoped3A = tpu.sem_alloc : memref<!tpu.dma_semaphore, #tpu.memory_space<semaphore_mem>>
      tpu.enqueue_dma source(%arg4 : memref<256x16xf32, #tpu.memory_space<hbm>>) target(%arg15 : memref<256x16xf32, #tpu.memory_space<vmem>>) target_semaphore(%run_scoped3A : memref<!tpu.dma_semaphore, #tpu.memory_space<semaphore_mem>>)
      tpu.wait_dma2 semaphore(%run_scoped3A : memref<!tpu.dma_semaphore, #tpu.memory_space<semaphore_mem>>) src(%arg4 : memref<256x16xf32, #tpu.memory_space<hbm>>) dst(%arg15 : memref<256x16xf32, #tpu.memory_space<vmem>>)
      tpu.yield
    }) : () -> ()
    "tpu.region"() ({
      %run_scoped3A = tpu.sem_alloc : memref<!tpu.dma_semaphore, #tpu.memory_space<semaphore_mem>>
      tpu.enqueue_dma source(%arg5 : memref<8x64xf32, #tpu.memory_space<hbm>>) target(%arg16 : memref<8x64xf32, #tpu.memory_space<vmem>>) target_semaphore(%run_scoped3A : memref<!tpu.dma_semaphore, #tpu.memory_space<semaphore_mem>>)
      tpu.wait_dma2 semaphore(%run_scoped3A : memref<!tpu.dma_semaphore, #tpu.memory_space<semaphore_mem>>) src(%arg5 : memref<8x64xf32, #tpu.memory_space<hbm>>) dst(%arg16 : memref<8x64xf32, #tpu.memory_space<vmem>>)
      tpu.yield
    }) : () -> ()
    "tpu.region"() ({
      %run_scoped3A = tpu.sem_alloc : memref<!tpu.dma_semaphore, #tpu.memory_space<semaphore_mem>>
      tpu.enqueue_dma source(%arg6 : memref<16xf32, #tpu.memory_space<hbm>>) target(%arg17 : memref<16xf32, #tpu.memory_space<vmem>>) target_semaphore(%run_scoped3A : memref<!tpu.dma_semaphore, #tpu.memory_space<semaphore_mem>>)
      tpu.wait_dma2 semaphore(%run_scoped3A : memref<!tpu.dma_semaphore, #tpu.memory_space<semaphore_mem>>) src(%arg6 : memref<16xf32, #tpu.memory_space<hbm>>) dst(%arg17 : memref<16xf32, #tpu.memory_space<vmem>>)
      tpu.yield
    }) : () -> ()
    %get3A = arith.constant 0 : index
    %get3A_5 = tpu.vector_load %arg17[%get3A] {strides = array<i32>} : memref<16xf32, #tpu.memory_space<vmem>>, vector<16xf32>,
    %slice3A = vector.extract_strided_slice %get3A_5 {offsets = [0], sizes = [1], strides = [1]} : vector<16xf32> to vector<1xf32>
    %squeeze3A = vector.extract %slice3A[0] : f32 from vector<1xf32>
    %get3A_6 = arith.constant 0 : i32
    %get3A_7 = arith.index_cast %get3A_6 : i32 to index
    %get3A_8 = arith.constant 0 : index
    %get3A_9 = tpu.vector_load %arg16[%get3A_7, %get3A_8] {strides = array<i32>} : memref<8x64xf32, #tpu.memory_space<vmem>>, vector<16xf32>,
    %ge3A = arith.constant 0.000000e+00 : f32
    %ge3A_10 = vector.broadcast %ge3A : f32 to vector<16xf32>
    %ge3A_11 = arith.cmpf oge, %get3A_9, %ge3A_10 : vector<16xf32>
    %mul3A_12 = vector.broadcast %squeeze3A : f32 to vector<16xf32>
    %mul3A_13 = arith.mulf %mul3A_12, %get3A_9 : vector<16xf32>
    %select_n3A = arith.select %ge3A_11, %get3A_9, %mul3A_13 : vector<16xi1>, vector<16xf32>
    %add3A_14 = arith.constant 0 : i32
    %add3A_15 = vector.broadcast %add3A_14 : i32 to vector<16xi32>
    %add3A_16 = arith.addi %add3A_15, %iota3A : vector<16xi32>
    %broadcast_in_dim3A = arith.constant 0 : i32
    %broadcast_in_dim3A_17 = vector.broadcast %broadcast_in_dim3A : i32 to vector<16xi32>
    tpu.vector_store_idx %arg18[%add3A_16, %broadcast_in_dim3A_17], %select_n3A : memref<64x16xf32, #tpu.memory_space<vmem>>[vector<16xi32>, vector<16xi32>], vector<16xf32>,
    %get3A_18 = arith.constant 0 : i32
    %get3A_19 = arith.index_cast %get3A_18 : i32 to index
    %get3A_20 = arith.constant 16 : index
    %get3A_21 = tpu.vector_load %arg16[%get3A_19, %get3A_20] {strides = array<i32>} : memref<8x64xf32, #tpu.memory_space<vmem>>, vector<16xf32>,
    %ge3A_22 = arith.constant 0.000000e+00 : f32
    %ge3A_23 = vector.broadcast %ge3A_22 : f32 to vector<16xf32>
    %ge3A_24 = arith.cmpf oge, %get3A_21, %ge3A_23 : vector<16xf32>
    %mul3A_25 = vector.broadcast %squeeze3A : f32 to vector<16xf32>
    %mul3A_26 = arith.mulf %mul3A_25, %get3A_21 : vector<16xf32>
    %select_n3A_27 = arith.select %ge3A_24, %get3A_21, %mul3A_26 : vector<16xi1>, vector<16xf32>
    %add3A_28 = arith.constant 16 : i32
    %add3A_29 = vector.broadcast %add3A_28 : i32 to vector<16xi32>
    %add3A_30 = arith.addi %add3A_29, %iota3A : vector<16xi32>
    %broadcast_in_dim3A_31 = arith.constant 0 : i32
    %broadcast_in_dim3A_32 = vector.broadcast %broadcast_in_dim3A_31 : i32 to vector<16xi32>
    tpu.vector_store_idx %arg18[%add3A_30, %broadcast_in_dim3A_32], %select_n3A_27 : memref<64x16xf32, #tpu.memory_space<vmem>>[vector<16xi32>, vector<16xi32>], vector<16xf32>,
    %get3A_33 = arith.constant 0 : i32
    %get3A_34 = arith.index_cast %get3A_33 : i32 to index
    %get3A_35 = arith.constant 32 : index
    %get3A_36 = tpu.vector_load %arg16[%get3A_34, %get3A_35] {strides = array<i32>} : memref<8x64xf32, #tpu.memory_space<vmem>>, vector<16xf32>,
    %ge3A_37 = arith.constant 0.000000e+00 : f32
    %ge3A_38 = vector.broadcast %ge3A_37 : f32 to vector<16xf32>
    %ge3A_39 = arith.cmpf oge, %get3A_36, %ge3A_38 : vector<16xf32>
    %mul3A_40 = vector.broadcast %squeeze3A : f32 to vector<16xf32>
    %mul3A_41 = arith.mulf %mul3A_40, %get3A_36 : vector<16xf32>
    %select_n3A_42 = arith.select %ge3A_39, %get3A_36, %mul3A_41 : vector<16xi1>, vector<16xf32>
    %add3A_43 = arith.constant 32 : i32
    %add3A_44 = vector.broadcast %add3A_43 : i32 to vector<16xi32>
    %add3A_45 = arith.addi %add3A_44, %iota3A : vector<16xi32>
    %broadcast_in_dim3A_46 = arith.constant 0 : i32
    %broadcast_in_dim3A_47 = vector.broadcast %broadcast_in_dim3A_46 : i32 to vector<16xi32>
    tpu.vector_store_idx %arg18[%add3A_45, %broadcast_in_dim3A_47], %select_n3A_42 : memref<64x16xf32, #tpu.memory_space<vmem>>[vector<16xi32>, vector<16xi32>], vector<16xf32>,
    %get3A_48 = arith.constant 0 : i32
    %get3A_49 = arith.index_cast %get3A_48 : i32 to index
    %get3A_50 = arith.constant 48 : index
    %get3A_51 = tpu.vector_load %arg16[%get3A_49, %get3A_50] {strides = array<i32>} : memref<8x64xf32, #tpu.memory_space<vmem>>, vector<16xf32>,
    %ge3A_52 = arith.constant 0.000000e+00 : f32
    %ge3A_53 = vector.broadcast %ge3A_52 : f32 to vector<16xf32>
    %ge3A_54 = arith.cmpf oge, %get3A_51, %ge3A_53 : vector<16xf32>
    %mul3A_55 = vector.broadcast %squeeze3A : f32 to vector<16xf32>
    %mul3A_56 = arith.mulf %mul3A_55, %get3A_51 : vector<16xf32>
    %select_n3A_57 = arith.select %ge3A_54, %get3A_51, %mul3A_56 : vector<16xi1>, vector<16xf32>
    %add3A_58 = arith.constant 48 : i32
    %add3A_59 = vector.broadcast %add3A_58 : i32 to vector<16xi32>
    %add3A_60 = arith.addi %add3A_59, %iota3A : vector<16xi32>
    %broadcast_in_dim3A_61 = arith.constant 0 : i32
    %broadcast_in_dim3A_62 = vector.broadcast %broadcast_in_dim3A_61 : i32 to vector<16xi32>
    tpu.vector_store_idx %arg18[%add3A_60, %broadcast_in_dim3A_62], %select_n3A_57 : memref<64x16xf32, #tpu.memory_space<vmem>>[vector<16xi32>, vector<16xi32>], vector<16xf32>,
    %slice3A_63 = vector.extract_strided_slice %get3A_5 {offsets = [1], sizes = [1], strides = [1]} : vector<16xf32> to vector<1xf32>
    %squeeze3A_64 = vector.extract %slice3A_63[0] : f32 from vector<1xf32>
    %get3A_65 = arith.constant 1 : i32
    %get3A_66 = arith.index_cast %get3A_65 : i32 to index
    %get3A_67 = arith.constant 0 : index
    %get3A_68 = tpu.vector_load %arg16[%get3A_66, %get3A_67] {strides = array<i32>} : memref<8x64xf32, #tpu.memory_space<vmem>>, vector<16xf32>,
    %ge3A_69 = arith.constant 0.000000e+00 : f32
    %ge3A_70 = vector.broadcast %ge3A_69 : f32 to vector<16xf32>
    %ge3A_71 = arith.cmpf oge, %get3A_68, %ge3A_70 : vector<16xf32>
    %mul3A_72 = vector.broadcast %squeeze3A_64 : f32 to vector<16xf32>
    %mul3A_73 = arith.mulf %mul3A_72, %get3A_68 : vector<16xf32>
    %select_n3A_74 = arith.select %ge3A_71, %get3A_68, %mul3A_73 : vector<16xi1>, vector<16xf32>
    %add3A_75 = arith.constant 0 : i32
    %add3A_76 = vector.broadcast %add3A_75 : i32 to vector<16xi32>
    %add3A_77 = arith.addi %add3A_76, %iota3A : vector<16xi32>
    %broadcast_in_dim3A_78 = arith.constant 1 : i32
    %broadcast_in_dim3A_79 = vector.broadcast %broadcast_in_dim3A_78 : i32 to vector<16xi32>
    tpu.vector_store_idx %arg18[%add3A_77, %broadcast_in_dim3A_79], %select_n3A_74 : memref<64x16xf32, #tpu.memory_space<vmem>>[vector<16xi32>, vector<16xi32>], vector<16xf32>,
    %get3A_80 = arith.constant 1 : i32
    %get3A_81 = arith.index_cast %get3A_80 : i32 to index
    %get3A_82 = arith.constant 16 : index
    %get3A_83 = tpu.vector_load %arg16[%get3A_81, %get3A_82] {strides = array<i32>} : memref<8x64xf32, #tpu.memory_space<vmem>>, vector<16xf32>,
    %ge3A_84 = arith.constant 0.000000e+00 : f32
    %ge3A_85 = vector.broadcast %ge3A_84 : f32 to vector<16xf32>
    %ge3A_86 = arith.cmpf oge, %get3A_83, %ge3A_85 : vector<16xf32>
    %mul3A_87 = vector.broadcast %squeeze3A_64 : f32 to vector<16xf32>
    %mul3A_88 = arith.mulf %mul3A_87, %get3A_83 : vector<16xf32>
    %select_n3A_89 = arith.select %ge3A_86, %get3A_83, %mul3A_88 : vector<16xi1>, vector<16xf32>
    %add3A_90 = arith.constant 16 : i32
    %add3A_91 = vector.broadcast %add3A_90 : i32 to vector<16xi32>
    %add3A_92 = arith.addi %add3A_91, %iota3A : vector<16xi32>
    %broadcast_in_dim3A_93 = arith.constant 1 : i32
    %broadcast_in_dim3A_94 = vector.broadcast %broadcast_in_dim3A_93 : i32 to vector<16xi32>
    tpu.vector_store_idx %arg18[%add3A_92, %broadcast_in_dim3A_94], %select_n3A_89 : memref<64x16xf32, #tpu.memory_space<vmem>>[vector<16xi32>, vector<16xi32>], vector<16xf32>,
    %get3A_95 = arith.constant 1 : i32
    %get3A_96 = arith.index_cast %get3A_95 : i32 to index
    %get3A_97 = arith.constant 32 : index
    %get3A_98 = tpu.vector_load %arg16[%get3A_96, %get3A_97] {strides = array<i32>} : memref<8x64xf32, #tpu.memory_space<vmem>>, vector<16xf32>,
    %ge3A_99 = arith.constant 0.000000e+00 : f32
    %ge3A_100 = vector.broadcast %ge3A_99 : f32 to vector<16xf32>
    %ge3A_101 = arith.cmpf oge, %get3A_98, %ge3A_100 : vector<16xf32>
    %mul3A_102 = vector.broadcast %squeeze3A_64 : f32 to vector<16xf32>
    %mul3A_103 = arith.mulf %mul3A_102, %get3A_98 : vector<16xf32>
    %select_n3A_104 = arith.select %ge3A_101, %get3A_98, %mul3A_103 : vector<16xi1>, vector<16xf32>
    %add3A_105 = arith.constant 32 : i32
    %add3A_106 = vector.broadcast %add3A_105 : i32 to vector<16xi32>
    %add3A_107 = arith.addi %add3A_106, %iota3A : vector<16xi32>
    %broadcast_in_dim3A_108 = arith.constant 1 : i32
    %broadcast_in_dim3A_109 = vector.broadcast %broadcast_in_dim3A_108 : i32 to vector<16xi32>
    tpu.vector_store_idx %arg18[%add3A_107, %broadcast_in_dim3A_109], %select_n3A_104 : memref<64x16xf32, #tpu.memory_space<vmem>>[vector<16xi32>, vector<16xi32>], vector<16xf32>,
    %get3A_110 = arith.constant 1 : i32
    %get3A_111 = arith.index_cast %get3A_110 : i32 to index
    %get3A_112 = arith.constant 48 : index
    %get3A_113 = tpu.vector_load %arg16[%get3A_111, %get3A_112] {strides = array<i32>} : memref<8x64xf32, #tpu.memory_space<vmem>>, vector<16xf32>,
    %ge3A_114 = arith.constant 0.000000e+00 : f32
    %ge3A_115 = vector.broadcast %ge3A_114 : f32 to vector<16xf32>
    %ge3A_116 = arith.cmpf oge, %get3A_113, %ge3A_115 : vector<16xf32>
    %mul3A_117 = vector.broadcast %squeeze3A_64 : f32 to vector<16xf32>
    %mul3A_118 = arith.mulf %mul3A_117, %get3A_113 : vector<16xf32>
    %select_n3A_119 = arith.select %ge3A_116, %get3A_113, %mul3A_118 : vector<16xi1>, vector<16xf32>
    %add3A_120 = arith.constant 48 : i32
    %add3A_121 = vector.broadcast %add3A_120 : i32 to vector<16xi32>
    %add3A_122 = arith.addi %add3A_121, %iota3A : vector<16xi32>
    %broadcast_in_dim3A_123 = arith.constant 1 : i32
    %broadcast_in_dim3A_124 = vector.broadcast %broadcast_in_dim3A_123 : i32 to vector<16xi32>
    tpu.vector_store_idx %arg18[%add3A_122, %broadcast_in_dim3A_124], %select_n3A_119 : memref<64x16xf32, #tpu.memory_space<vmem>>[vector<16xi32>, vector<16xi32>], vector<16xf32>,
    %slice3A_125 = vector.extract_strided_slice %get3A_5 {offsets = [2], sizes = [1], strides = [1]} : vector<16xf32> to vector<1xf32>
    %squeeze3A_126 = vector.extract %slice3A_125[0] : f32 from vector<1xf32>
    %get3A_127 = arith.constant 2 : i32
    %get3A_128 = arith.index_cast %get3A_127 : i32 to index
    %get3A_129 = arith.constant 0 : index
    %get3A_130 = tpu.vector_load %arg16[%get3A_128, %get3A_129] {strides = array<i32>} : memref<8x64xf32, #tpu.memory_space<vmem>>, vector<16xf32>,
    %ge3A_131 = arith.constant 0.000000e+00 : f32
    %ge3A_132 = vector.broadcast %ge3A_131 : f32 to vector<16xf32>
    %ge3A_133 = arith.cmpf oge, %get3A_130, %ge3A_132 : vector<16xf32>
    %mul3A_134 = vector.broadcast %squeeze3A_126 : f32 to vector<16xf32>
    %mul3A_135 = arith.mulf %mul3A_134, %get3A_130 : vector<16xf32>
    %select_n3A_136 = arith.select %ge3A_133, %get3A_130, %mul3A_135 : vector<16xi1>, vector<16xf32>
    %add3A_137 = arith.constant 0 : i32
    %add3A_138 = vector.broadcast %add3A_137 : i32 to vector<16xi32>
    %add3A_139 = arith.addi %add3A_138, %iota3A : vector<16xi32>
    %broadcast_in_dim3A_140 = arith.constant 2 : i32
    %broadcast_in_dim3A_141 = vector.broadcast %broadcast_in_dim3A_140 : i32 to vector<16xi32>
    tpu.vector_store_idx %arg18[%add3A_139, %broadcast_in_dim3A_141], %select_n3A_136 : memref<64x16xf32, #tpu.memory_space<vmem>>[vector<16xi32>, vector<16xi32>], vector<16xf32>,
    %get3A_142 = arith.constant 2 : i32
    %get3A_143 = arith.index_cast %get3A_142 : i32 to index
    %get3A_144 = arith.constant 16 : index
    %get3A_145 = tpu.vector_load %arg16[%get3A_143, %get3A_144] {strides = array<i32>} : memref<8x64xf32, #tpu.memory_space<vmem>>, vector<16xf32>,
    %ge3A_146 = arith.constant 0.000000e+00 : f32
    %ge3A_147 = vector.broadcast %ge3A_146 : f32 to vector<16xf32>
    %ge3A_148 = arith.cmpf oge, %get3A_145, %ge3A_147 : vector<16xf32>
    %mul3A_149 = vector.broadcast %squeeze3A_126 : f32 to vector<16xf32>
    %mul3A_150 = arith.mulf %mul3A_149, %get3A_145 : vector<16xf32>
    %select_n3A_151 = arith.select %ge3A_148, %get3A_145, %mul3A_150 : vector<16xi1>, vector<16xf32>
    %add3A_152 = arith.constant 16 : i32
    %add3A_153 = vector.broadcast %add3A_152 : i32 to vector<16xi32>
    %add3A_154 = arith.addi %add3A_153, %iota3A : vector<16xi32>
    %broadcast_in_dim3A_155 = arith.constant 2 : i32
    %broadcast_in_dim3A_156 = vector.broadcast %broadcast_in_dim3A_155 : i32 to vector<16xi32>
    tpu.vector_store_idx %arg18[%add3A_154, %broadcast_in_dim3A_156], %select_n3A_151 : memref<64x16xf32, #tpu.memory_space<vmem>>[vector<16xi32>, vector<16xi32>], vector<16xf32>,
    %get3A_157 = arith.constant 2 : i32
    %get3A_158 = arith.index_cast %get3A_157 : i32 to index
    %get3A_159 = arith.constant 32 : index
    %get3A_160 = tpu.vector_load %arg16[%get3A_158, %get3A_159] {strides = array<i32>} : memref<8x64xf32, #tpu.memory_space<vmem>>, vector<16xf32>,
    %ge3A_161 = arith.constant 0.000000e+00 : f32
    %ge3A_162 = vector.broadcast %ge3A_161 : f32 to vector<16xf32>
    %ge3A_163 = arith.cmpf oge, %get3A_160, %ge3A_162 : vector<16xf32>
    %mul3A_164 = vector.broadcast %squeeze3A_126 : f32 to vector<16xf32>
    %mul3A_165 = arith.mulf %mul3A_164, %get3A_160 : vector<16xf32>
    %select_n3A_166 = arith.select %ge3A_163, %get3A_160, %mul3A_165 : vector<16xi1>, vector<16xf32>
    %add3A_167 = arith.constant 32 : i32
    %add3A_168 = vector.broadcast %add3A_167 : i32 to vector<16xi32>
    %add3A_169 = arith.addi %add3A_168, %iota3A : vector<16xi32>
    %broadcast_in_dim3A_170 = arith.constant 2 : i32
    %broadcast_in_dim3A_171 = vector.broadcast %broadcast_in_dim3A_170 : i32 to vector<16xi32>
    tpu.vector_store_idx %arg18[%add3A_169, %broadcast_in_dim3A_171], %select_n3A_166 : memref<64x16xf32, #tpu.memory_space<vmem>>[vector<16xi32>, vector<16xi32>], vector<16xf32>,
    %get3A_172 = arith.constant 2 : i32
    %get3A_173 = arith.index_cast %get3A_172 : i32 to index
    %get3A_174 = arith.constant 48 : index
    %get3A_175 = tpu.vector_load %arg16[%get3A_173, %get3A_174] {strides = array<i32>} : memref<8x64xf32, #tpu.memory_space<vmem>>, vector<16xf32>,
    %ge3A_176 = arith.constant 0.000000e+00 : f32
    %ge3A_177 = vector.broadcast %ge3A_176 : f32 to vector<16xf32>
    %ge3A_178 = arith.cmpf oge, %get3A_175, %ge3A_177 : vector<16xf32>
    %mul3A_179 = vector.broadcast %squeeze3A_126 : f32 to vector<16xf32>
    %mul3A_180 = arith.mulf %mul3A_179, %get3A_175 : vector<16xf32>
    %select_n3A_181 = arith.select %ge3A_178, %get3A_175, %mul3A_180 : vector<16xi1>, vector<16xf32>
    %add3A_182 = arith.constant 48 : i32
    %add3A_183 = vector.broadcast %add3A_182 : i32 to vector<16xi32>
    %add3A_184 = arith.addi %add3A_183, %iota3A : vector<16xi32>
    %broadcast_in_dim3A_185 = arith.constant 2 : i32
    %broadcast_in_dim3A_186 = vector.broadcast %broadcast_in_dim3A_185 : i32 to vector<16xi32>
    tpu.vector_store_idx %arg18[%add3A_184, %broadcast_in_dim3A_186], %select_n3A_181 : memref<64x16xf32, #tpu.memory_space<vmem>>[vector<16xi32>, vector<16xi32>], vector<16xf32>,
    %slice3A_187 = vector.extract_strided_slice %get3A_5 {offsets = [3], sizes = [1], strides = [1]} : vector<16xf32> to vector<1xf32>
    %squeeze3A_188 = vector.extract %slice3A_187[0] : f32 from vector<1xf32>
    %get3A_189 = arith.constant 3 : i32
    %get3A_190 = arith.index_cast %get3A_189 : i32 to index
    %get3A_191 = arith.constant 0 : index
    %get3A_192 = tpu.vector_load %arg16[%get3A_190, %get3A_191] {strides = array<i32>} : memref<8x64xf32, #tpu.memory_space<vmem>>, vector<16xf32>,
    %ge3A_193 = arith.constant 0.000000e+00 : f32
    %ge3A_194 = vector.broadcast %ge3A_193 : f32 to vector<16xf32>
    %ge3A_195 = arith.cmpf oge, %get3A_192, %ge3A_194 : vector<16xf32>
    %mul3A_196 = vector.broadcast %squeeze3A_188 : f32 to vector<16xf32>
    %mul3A_197 = arith.mulf %mul3A_196, %get3A_192 : vector<16xf32>
    %select_n3A_198 = arith.select %ge3A_195, %get3A_192, %mul3A_197 : vector<16xi1>, vector<16xf32>
    %add3A_199 = arith.constant 0 : i32
    %add3A_200 = vector.broadcast %add3A_199 : i32 to vector<16xi32>
    %add3A_201 = arith.addi %add3A_200, %iota3A : vector<16xi32>
    %broadcast_in_dim3A_202 = arith.constant 3 : i32
    %broadcast_in_dim3A_203 = vector.broadcast %broadcast_in_dim3A_202 : i32 to vector<16xi32>
    tpu.vector_store_idx %arg18[%add3A_201, %broadcast_in_dim3A_203], %select_n3A_198 : memref<64x16xf32, #tpu.memory_space<vmem>>[vector<16xi32>, vector<16xi32>], vector<16xf32>,
    %get3A_204 = arith.constant 3 : i32
    %get3A_205 = arith.index_cast %get3A_204 : i32 to index
    %get3A_206 = arith.constant 16 : index
    %get3A_207 = tpu.vector_load %arg16[%get3A_205, %get3A_206] {strides = array<i32>} : memref<8x64xf32, #tpu.memory_space<vmem>>, vector<16xf32>,
    %ge3A_208 = arith.constant 0.000000e+00 : f32
    %ge3A_209 = vector.broadcast %ge3A_208 : f32 to vector<16xf32>
    %ge3A_210 = arith.cmpf oge, %get3A_207, %ge3A_209 : vector<16xf32>
    %mul3A_211 = vector.broadcast %squeeze3A_188 : f32 to vector<16xf32>
    %mul3A_212 = arith.mulf %mul3A_211, %get3A_207 : vector<16xf32>
    %select_n3A_213 = arith.select %ge3A_210, %get3A_207, %mul3A_212 : vector<16xi1>, vector<16xf32>
    %add3A_214 = arith.constant 16 : i32
    %add3A_215 = vector.broadcast %add3A_214 : i32 to vector<16xi32>
    %add3A_216 = arith.addi %add3A_215, %iota3A : vector<16xi32>
    %broadcast_in_dim3A_217 = arith.constant 3 : i32
    %broadcast_in_dim3A_218 = vector.broadcast %broadcast_in_dim3A_217 : i32 to vector<16xi32>
    tpu.vector_store_idx %arg18[%add3A_216, %broadcast_in_dim3A_218], %select_n3A_213 : memref<64x16xf32, #tpu.memory_space<vmem>>[vector<16xi32>, vector<16xi32>], vector<16xf32>,
    %get3A_219 = arith.constant 3 : i32
    %get3A_220 = arith.index_cast %get3A_219 : i32 to index
    %get3A_221 = arith.constant 32 : index
    %get3A_222 = tpu.vector_load %arg16[%get3A_220, %get3A_221] {strides = array<i32>} : memref<8x64xf32, #tpu.memory_space<vmem>>, vector<16xf32>,
    %ge3A_223 = arith.constant 0.000000e+00 : f32
    %ge3A_224 = vector.broadcast %ge3A_223 : f32 to vector<16xf32>
    %ge3A_225 = arith.cmpf oge, %get3A_222, %ge3A_224 : vector<16xf32>
    %mul3A_226 = vector.broadcast %squeeze3A_188 : f32 to vector<16xf32>
    %mul3A_227 = arith.mulf %mul3A_226, %get3A_222 : vector<16xf32>
    %select_n3A_228 = arith.select %ge3A_225, %get3A_222, %mul3A_227 : vector<16xi1>, vector<16xf32>
    %add3A_229 = arith.constant 32 : i32
    %add3A_230 = vector.broadcast %add3A_229 : i32 to vector<16xi32>
    %add3A_231 = arith.addi %add3A_230, %iota3A : vector<16xi32>
    %broadcast_in_dim3A_232 = arith.constant 3 : i32
    %broadcast_in_dim3A_233 = vector.broadcast %broadcast_in_dim3A_232 : i32 to vector<16xi32>
    tpu.vector_store_idx %arg18[%add3A_231, %broadcast_in_dim3A_233], %select_n3A_228 : memref<64x16xf32, #tpu.memory_space<vmem>>[vector<16xi32>, vector<16xi32>], vector<16xf32>,
    %get3A_234 = arith.constant 3 : i32
    %get3A_235 = arith.index_cast %get3A_234 : i32 to index
    %get3A_236 = arith.constant 48 : index
    %get3A_237 = tpu.vector_load %arg16[%get3A_235, %get3A_236] {strides = array<i32>} : memref<8x64xf32, #tpu.memory_space<vmem>>, vector<16xf32>,
    %ge3A_238 = arith.constant 0.000000e+00 : f32
    %ge3A_239 = vector.broadcast %ge3A_238 : f32 to vector<16xf32>
    %ge3A_240 = arith.cmpf oge, %get3A_237, %ge3A_239 : vector<16xf32>
    %mul3A_241 = vector.broadcast %squeeze3A_188 : f32 to vector<16xf32>
    %mul3A_242 = arith.mulf %mul3A_241, %get3A_237 : vector<16xf32>
    %select_n3A_243 = arith.select %ge3A_240, %get3A_237, %mul3A_242 : vector<16xi1>, vector<16xf32>
    %add3A_244 = arith.constant 48 : i32
    %add3A_245 = vector.broadcast %add3A_244 : i32 to vector<16xi32>
    %add3A_246 = arith.addi %add3A_245, %iota3A : vector<16xi32>
    %broadcast_in_dim3A_247 = arith.constant 3 : i32
    %broadcast_in_dim3A_248 = vector.broadcast %broadcast_in_dim3A_247 : i32 to vector<16xi32>
    tpu.vector_store_idx %arg18[%add3A_246, %broadcast_in_dim3A_248], %select_n3A_243 : memref<64x16xf32, #tpu.memory_space<vmem>>[vector<16xi32>, vector<16xi32>], vector<16xf32>,
    %slice3A_249 = vector.extract_strided_slice %get3A_5 {offsets = [4], sizes = [1], strides = [1]} : vector<16xf32> to vector<1xf32>
    %squeeze3A_250 = vector.extract %slice3A_249[0] : f32 from vector<1xf32>
    %get3A_251 = arith.constant 4 : i32
    %get3A_252 = arith.index_cast %get3A_251 : i32 to index
    %get3A_253 = arith.constant 0 : index
    %get3A_254 = tpu.vector_load %arg16[%get3A_252, %get3A_253] {strides = array<i32>} : memref<8x64xf32, #tpu.memory_space<vmem>>, vector<16xf32>,
    %ge3A_255 = arith.constant 0.000000e+00 : f32
    %ge3A_256 = vector.broadcast %ge3A_255 : f32 to vector<16xf32>
    %ge3A_257 = arith.cmpf oge, %get3A_254, %ge3A_256 : vector<16xf32>
    %mul3A_258 = vector.broadcast %squeeze3A_250 : f32 to vector<16xf32>
    %mul3A_259 = arith.mulf %mul3A_258, %get3A_254 : vector<16xf32>
    %select_n3A_260 = arith.select %ge3A_257, %get3A_254, %mul3A_259 : vector<16xi1>, vector<16xf32>
    %add3A_261 = arith.constant 0 : i32
    %add3A_262 = vector.broadcast %add3A_261 : i32 to vector<16xi32>
    %add3A_263 = arith.addi %add3A_262, %iota3A : vector<16xi32>
    %broadcast_in_dim3A_264 = arith.constant 4 : i32
    %broadcast_in_dim3A_265 = vector.broadcast %broadcast_in_dim3A_264 : i32 to vector<16xi32>
    tpu.vector_store_idx %arg18[%add3A_263, %broadcast_in_dim3A_265], %select_n3A_260 : memref<64x16xf32, #tpu.memory_space<vmem>>[vector<16xi32>, vector<16xi32>], vector<16xf32>,
    %get3A_266 = arith.constant 4 : i32
    %get3A_267 = arith.index_cast %get3A_266 : i32 to index
    %get3A_268 = arith.constant 16 : index
    %get3A_269 = tpu.vector_load %arg16[%get3A_267, %get3A_268] {strides = array<i32>} : memref<8x64xf32, #tpu.memory_space<vmem>>, vector<16xf32>,
    %ge3A_270 = arith.constant 0.000000e+00 : f32
    %ge3A_271 = vector.broadcast %ge3A_270 : f32 to vector<16xf32>
    %ge3A_272 = arith.cmpf oge, %get3A_269, %ge3A_271 : vector<16xf32>
    %mul3A_273 = vector.broadcast %squeeze3A_250 : f32 to vector<16xf32>
    %mul3A_274 = arith.mulf %mul3A_273, %get3A_269 : vector<16xf32>
    %select_n3A_275 = arith.select %ge3A_272, %get3A_269, %mul3A_274 : vector<16xi1>, vector<16xf32>
    %add3A_276 = arith.constant 16 : i32
    %add3A_277 = vector.broadcast %add3A_276 : i32 to vector<16xi32>
    %add3A_278 = arith.addi %add3A_277, %iota3A : vector<16xi32>
    %broadcast_in_dim3A_279 = arith.constant 4 : i32
    %broadcast_in_dim3A_280 = vector.broadcast %broadcast_in_dim3A_279 : i32 to vector<16xi32>
    tpu.vector_store_idx %arg18[%add3A_278, %broadcast_in_dim3A_280], %select_n3A_275 : memref<64x16xf32, #tpu.memory_space<vmem>>[vector<16xi32>, vector<16xi32>], vector<16xf32>,
    %get3A_281 = arith.constant 4 : i32
    %get3A_282 = arith.index_cast %get3A_281 : i32 to index
    %get3A_283 = arith.constant 32 : index
    %get3A_284 = tpu.vector_load %arg16[%get3A_282, %get3A_283] {strides = array<i32>} : memref<8x64xf32, #tpu.memory_space<vmem>>, vector<16xf32>,
    %ge3A_285 = arith.constant 0.000000e+00 : f32
    %ge3A_286 = vector.broadcast %ge3A_285 : f32 to vector<16xf32>
    %ge3A_287 = arith.cmpf oge, %get3A_284, %ge3A_286 : vector<16xf32>
    %mul3A_288 = vector.broadcast %squeeze3A_250 : f32 to vector<16xf32>
    %mul3A_289 = arith.mulf %mul3A_288, %get3A_284 : vector<16xf32>
    %select_n3A_290 = arith.select %ge3A_287, %get3A_284, %mul3A_289 : vector<16xi1>, vector<16xf32>
    %add3A_291 = arith.constant 32 : i32
    %add3A_292 = vector.broadcast %add3A_291 : i32 to vector<16xi32>
    %add3A_293 = arith.addi %add3A_292, %iota3A : vector<16xi32>
    %broadcast_in_dim3A_294 = arith.constant 4 : i32
    %broadcast_in_dim3A_295 = vector.broadcast %broadcast_in_dim3A_294 : i32 to vector<16xi32>
    tpu.vector_store_idx %arg18[%add3A_293, %broadcast_in_dim3A_295], %select_n3A_290 : memref<64x16xf32, #tpu.memory_space<vmem>>[vector<16xi32>, vector<16xi32>], vector<16xf32>,
    %get3A_296 = arith.constant 4 : i32
    %get3A_297 = arith.index_cast %get3A_296 : i32 to index
    %get3A_298 = arith.constant 48 : index
    %get3A_299 = tpu.vector_load %arg16[%get3A_297, %get3A_298] {strides = array<i32>} : memref<8x64xf32, #tpu.memory_space<vmem>>, vector<16xf32>,
    %ge3A_300 = arith.constant 0.000000e+00 : f32
    %ge3A_301 = vector.broadcast %ge3A_300 : f32 to vector<16xf32>
    %ge3A_302 = arith.cmpf oge, %get3A_299, %ge3A_301 : vector<16xf32>
    %mul3A_303 = vector.broadcast %squeeze3A_250 : f32 to vector<16xf32>
    %mul3A_304 = arith.mulf %mul3A_303, %get3A_299 : vector<16xf32>
    %select_n3A_305 = arith.select %ge3A_302, %get3A_299, %mul3A_304 : vector<16xi1>, vector<16xf32>
    %add3A_306 = arith.constant 48 : i32
    %add3A_307 = vector.broadcast %add3A_306 : i32 to vector<16xi32>
    %add3A_308 = arith.addi %add3A_307, %iota3A : vector<16xi32>
    %broadcast_in_dim3A_309 = arith.constant 4 : i32
    %broadcast_in_dim3A_310 = vector.broadcast %broadcast_in_dim3A_309 : i32 to vector<16xi32>
    tpu.vector_store_idx %arg18[%add3A_308, %broadcast_in_dim3A_310], %select_n3A_305 : memref<64x16xf32, #tpu.memory_space<vmem>>[vector<16xi32>, vector<16xi32>], vector<16xf32>,
    %slice3A_311 = vector.extract_strided_slice %get3A_5 {offsets = [5], sizes = [1], strides = [1]} : vector<16xf32> to vector<1xf32>
    %squeeze3A_312 = vector.extract %slice3A_311[0] : f32 from vector<1xf32>
    %get3A_313 = arith.constant 5 : i32
    %get3A_314 = arith.index_cast %get3A_313 : i32 to index
    %get3A_315 = arith.constant 0 : index
    %get3A_316 = tpu.vector_load %arg16[%get3A_314, %get3A_315] {strides = array<i32>} : memref<8x64xf32, #tpu.memory_space<vmem>>, vector<16xf32>,
    %ge3A_317 = arith.constant 0.000000e+00 : f32
    %ge3A_318 = vector.broadcast %ge3A_317 : f32 to vector<16xf32>
    %ge3A_319 = arith.cmpf oge, %get3A_316, %ge3A_318 : vector<16xf32>
    %mul3A_320 = vector.broadcast %squeeze3A_312 : f32 to vector<16xf32>
    %mul3A_321 = arith.mulf %mul3A_320, %get3A_316 : vector<16xf32>
    %select_n3A_322 = arith.select %ge3A_319, %get3A_316, %mul3A_321 : vector<16xi1>, vector<16xf32>
    %add3A_323 = arith.constant 0 : i32
    %add3A_324 = vector.broadcast %add3A_323 : i32 to vector<16xi32>
    %add3A_325 = arith.addi %add3A_324, %iota3A : vector<16xi32>
    %broadcast_in_dim3A_326 = arith.constant 5 : i32
    %broadcast_in_dim3A_327 = vector.broadcast %broadcast_in_dim3A_326 : i32 to vector<16xi32>
    tpu.vector_store_idx %arg18[%add3A_325, %broadcast_in_dim3A_327], %select_n3A_322 : memref<64x16xf32, #tpu.memory_space<vmem>>[vector<16xi32>, vector<16xi32>], vector<16xf32>,
    %get3A_328 = arith.constant 5 : i32
    %get3A_329 = arith.index_cast %get3A_328 : i32 to index
    %get3A_330 = arith.constant 16 : index
    %get3A_331 = tpu.vector_load %arg16[%get3A_329, %get3A_330] {strides = array<i32>} : memref<8x64xf32, #tpu.memory_space<vmem>>, vector<16xf32>,
    %ge3A_332 = arith.constant 0.000000e+00 : f32
    %ge3A_333 = vector.broadcast %ge3A_332 : f32 to vector<16xf32>
    %ge3A_334 = arith.cmpf oge, %get3A_331, %ge3A_333 : vector<16xf32>
    %mul3A_335 = vector.broadcast %squeeze3A_312 : f32 to vector<16xf32>
    %mul3A_336 = arith.mulf %mul3A_335, %get3A_331 : vector<16xf32>
    %select_n3A_337 = arith.select %ge3A_334, %get3A_331, %mul3A_336 : vector<16xi1>, vector<16xf32>
    %add3A_338 = arith.constant 16 : i32
    %add3A_339 = vector.broadcast %add3A_338 : i32 to vector<16xi32>
    %add3A_340 = arith.addi %add3A_339, %iota3A : vector<16xi32>
    %broadcast_in_dim3A_341 = arith.constant 5 : i32
    %broadcast_in_dim3A_342 = vector.broadcast %broadcast_in_dim3A_341 : i32 to vector<16xi32>
    tpu.vector_store_idx %arg18[%add3A_340, %broadcast_in_dim3A_342], %select_n3A_337 : memref<64x16xf32, #tpu.memory_space<vmem>>[vector<16xi32>, vector<16xi32>], vector<16xf32>,
    %get3A_343 = arith.constant 5 : i32
    %get3A_344 = arith.index_cast %get3A_343 : i32 to index
    %get3A_345 = arith.constant 32 : index
    %get3A_346 = tpu.vector_load %arg16[%get3A_344, %get3A_345] {strides = array<i32>} : memref<8x64xf32, #tpu.memory_space<vmem>>, vector<16xf32>,
    %ge3A_347 = arith.constant 0.000000e+00 : f32
    %ge3A_348 = vector.broadcast %ge3A_347 : f32 to vector<16xf32>
    %ge3A_349 = arith.cmpf oge, %get3A_346, %ge3A_348 : vector<16xf32>
    %mul3A_350 = vector.broadcast %squeeze3A_312 : f32 to vector<16xf32>
    %mul3A_351 = arith.mulf %mul3A_350, %get3A_346 : vector<16xf32>
    %select_n3A_352 = arith.select %ge3A_349, %get3A_346, %mul3A_351 : vector<16xi1>, vector<16xf32>
    %add3A_353 = arith.constant 32 : i32
    %add3A_354 = vector.broadcast %add3A_353 : i32 to vector<16xi32>
    %add3A_355 = arith.addi %add3A_354, %iota3A : vector<16xi32>
    %broadcast_in_dim3A_356 = arith.constant 5 : i32
    %broadcast_in_dim3A_357 = vector.broadcast %broadcast_in_dim3A_356 : i32 to vector<16xi32>
    tpu.vector_store_idx %arg18[%add3A_355, %broadcast_in_dim3A_357], %select_n3A_352 : memref<64x16xf32, #tpu.memory_space<vmem>>[vector<16xi32>, vector<16xi32>], vector<16xf32>,
    %get3A_358 = arith.constant 5 : i32
    %get3A_359 = arith.index_cast %get3A_358 : i32 to index
    %get3A_360 = arith.constant 48 : index
    %get3A_361 = tpu.vector_load %arg16[%get3A_359, %get3A_360] {strides = array<i32>} : memref<8x64xf32, #tpu.memory_space<vmem>>, vector<16xf32>,
    %ge3A_362 = arith.constant 0.000000e+00 : f32
    %ge3A_363 = vector.broadcast %ge3A_362 : f32 to vector<16xf32>
    %ge3A_364 = arith.cmpf oge, %get3A_361, %ge3A_363 : vector<16xf32>
    %mul3A_365 = vector.broadcast %squeeze3A_312 : f32 to vector<16xf32>
    %mul3A_366 = arith.mulf %mul3A_365, %get3A_361 : vector<16xf32>
    %select_n3A_367 = arith.select %ge3A_364, %get3A_361, %mul3A_366 : vector<16xi1>, vector<16xf32>
    %add3A_368 = arith.constant 48 : i32
    %add3A_369 = vector.broadcast %add3A_368 : i32 to vector<16xi32>
    %add3A_370 = arith.addi %add3A_369, %iota3A : vector<16xi32>
    %broadcast_in_dim3A_371 = arith.constant 5 : i32
    %broadcast_in_dim3A_372 = vector.broadcast %broadcast_in_dim3A_371 : i32 to vector<16xi32>
    tpu.vector_store_idx %arg18[%add3A_370, %broadcast_in_dim3A_372], %select_n3A_367 : memref<64x16xf32, #tpu.memory_space<vmem>>[vector<16xi32>, vector<16xi32>], vector<16xf32>,
    %slice3A_373 = vector.extract_strided_slice %get3A_5 {offsets = [6], sizes = [1], strides = [1]} : vector<16xf32> to vector<1xf32>
    %squeeze3A_374 = vector.extract %slice3A_373[0] : f32 from vector<1xf32>
    %get3A_375 = arith.constant 6 : i32
    %get3A_376 = arith.index_cast %get3A_375 : i32 to index
    %get3A_377 = arith.constant 0 : index
    %get3A_378 = tpu.vector_load %arg16[%get3A_376, %get3A_377] {strides = array<i32>} : memref<8x64xf32, #tpu.memory_space<vmem>>, vector<16xf32>,
    %ge3A_379 = arith.constant 0.000000e+00 : f32
    %ge3A_380 = vector.broadcast %ge3A_379 : f32 to vector<16xf32>
    %ge3A_381 = arith.cmpf oge, %get3A_378, %ge3A_380 : vector<16xf32>
    %mul3A_382 = vector.broadcast %squeeze3A_374 : f32 to vector<16xf32>
    %mul3A_383 = arith.mulf %mul3A_382, %get3A_378 : vector<16xf32>
    %select_n3A_384 = arith.select %ge3A_381, %get3A_378, %mul3A_383 : vector<16xi1>, vector<16xf32>
    %add3A_385 = arith.constant 0 : i32
    %add3A_386 = vector.broadcast %add3A_385 : i32 to vector<16xi32>
    %add3A_387 = arith.addi %add3A_386, %iota3A : vector<16xi32>
    %broadcast_in_dim3A_388 = arith.constant 6 : i32
    %broadcast_in_dim3A_389 = vector.broadcast %broadcast_in_dim3A_388 : i32 to vector<16xi32>
    tpu.vector_store_idx %arg18[%add3A_387, %broadcast_in_dim3A_389], %select_n3A_384 : memref<64x16xf32, #tpu.memory_space<vmem>>[vector<16xi32>, vector<16xi32>], vector<16xf32>,
    %get3A_390 = arith.constant 6 : i32
    %get3A_391 = arith.index_cast %get3A_390 : i32 to index
    %get3A_392 = arith.constant 16 : index
    %get3A_393 = tpu.vector_load %arg16[%get3A_391, %get3A_392] {strides = array<i32>} : memref<8x64xf32, #tpu.memory_space<vmem>>, vector<16xf32>,
    %ge3A_394 = arith.constant 0.000000e+00 : f32
    %ge3A_395 = vector.broadcast %ge3A_394 : f32 to vector<16xf32>
    %ge3A_396 = arith.cmpf oge, %get3A_393, %ge3A_395 : vector<16xf32>
    %mul3A_397 = vector.broadcast %squeeze3A_374 : f32 to vector<16xf32>
    %mul3A_398 = arith.mulf %mul3A_397, %get3A_393 : vector<16xf32>
    %select_n3A_399 = arith.select %ge3A_396, %get3A_393, %mul3A_398 : vector<16xi1>, vector<16xf32>
    %add3A_400 = arith.constant 16 : i32
    %add3A_401 = vector.broadcast %add3A_400 : i32 to vector<16xi32>
    %add3A_402 = arith.addi %add3A_401, %iota3A : vector<16xi32>
    %broadcast_in_dim3A_403 = arith.constant 6 : i32
    %broadcast_in_dim3A_404 = vector.broadcast %broadcast_in_dim3A_403 : i32 to vector<16xi32>
    tpu.vector_store_idx %arg18[%add3A_402, %broadcast_in_dim3A_404], %select_n3A_399 : memref<64x16xf32, #tpu.memory_space<vmem>>[vector<16xi32>, vector<16xi32>], vector<16xf32>,
    %get3A_405 = arith.constant 6 : i32
    %get3A_406 = arith.index_cast %get3A_405 : i32 to index
    %get3A_407 = arith.constant 32 : index
    %get3A_408 = tpu.vector_load %arg16[%get3A_406, %get3A_407] {strides = array<i32>} : memref<8x64xf32, #tpu.memory_space<vmem>>, vector<16xf32>,
    %ge3A_409 = arith.constant 0.000000e+00 : f32
    %ge3A_410 = vector.broadcast %ge3A_409 : f32 to vector<16xf32>
    %ge3A_411 = arith.cmpf oge, %get3A_408, %ge3A_410 : vector<16xf32>
    %mul3A_412 = vector.broadcast %squeeze3A_374 : f32 to vector<16xf32>
    %mul3A_413 = arith.mulf %mul3A_412, %get3A_408 : vector<16xf32>
    %select_n3A_414 = arith.select %ge3A_411, %get3A_408, %mul3A_413 : vector<16xi1>, vector<16xf32>
    %add3A_415 = arith.constant 32 : i32
    %add3A_416 = vector.broadcast %add3A_415 : i32 to vector<16xi32>
    %add3A_417 = arith.addi %add3A_416, %iota3A : vector<16xi32>
    %broadcast_in_dim3A_418 = arith.constant 6 : i32
    %broadcast_in_dim3A_419 = vector.broadcast %broadcast_in_dim3A_418 : i32 to vector<16xi32>
    tpu.vector_store_idx %arg18[%add3A_417, %broadcast_in_dim3A_419], %select_n3A_414 : memref<64x16xf32, #tpu.memory_space<vmem>>[vector<16xi32>, vector<16xi32>], vector<16xf32>,
    %get3A_420 = arith.constant 6 : i32
    %get3A_421 = arith.index_cast %get3A_420 : i32 to index
    %get3A_422 = arith.constant 48 : index
    %get3A_423 = tpu.vector_load %arg16[%get3A_421, %get3A_422] {strides = array<i32>} : memref<8x64xf32, #tpu.memory_space<vmem>>, vector<16xf32>,
    %ge3A_424 = arith.constant 0.000000e+00 : f32
    %ge3A_425 = vector.broadcast %ge3A_424 : f32 to vector<16xf32>
    %ge3A_426 = arith.cmpf oge, %get3A_423, %ge3A_425 : vector<16xf32>
    %mul3A_427 = vector.broadcast %squeeze3A_374 : f32 to vector<16xf32>
    %mul3A_428 = arith.mulf %mul3A_427, %get3A_423 : vector<16xf32>
    %select_n3A_429 = arith.select %ge3A_426, %get3A_423, %mul3A_428 : vector<16xi1>, vector<16xf32>
    %add3A_430 = arith.constant 48 : i32
    %add3A_431 = vector.broadcast %add3A_430 : i32 to vector<16xi32>
    %add3A_432 = arith.addi %add3A_431, %iota3A : vector<16xi32>
    %broadcast_in_dim3A_433 = arith.constant 6 : i32
    %broadcast_in_dim3A_434 = vector.broadcast %broadcast_in_dim3A_433 : i32 to vector<16xi32>
    tpu.vector_store_idx %arg18[%add3A_432, %broadcast_in_dim3A_434], %select_n3A_429 : memref<64x16xf32, #tpu.memory_space<vmem>>[vector<16xi32>, vector<16xi32>], vector<16xf32>,
    %slice3A_435 = vector.extract_strided_slice %get3A_5 {offsets = [7], sizes = [1], strides = [1]} : vector<16xf32> to vector<1xf32>
    %squeeze3A_436 = vector.extract %slice3A_435[0] : f32 from vector<1xf32>
    %get3A_437 = arith.constant 7 : i32
    %get3A_438 = arith.index_cast %get3A_437 : i32 to index
    %get3A_439 = arith.constant 0 : index
    %get3A_440 = tpu.vector_load %arg16[%get3A_438, %get3A_439] {strides = array<i32>} : memref<8x64xf32, #tpu.memory_space<vmem>>, vector<16xf32>,
    %ge3A_441 = arith.constant 0.000000e+00 : f32
    %ge3A_442 = vector.broadcast %ge3A_441 : f32 to vector<16xf32>
    %ge3A_443 = arith.cmpf oge, %get3A_440, %ge3A_442 : vector<16xf32>
    %mul3A_444 = vector.broadcast %squeeze3A_436 : f32 to vector<16xf32>
    %mul3A_445 = arith.mulf %mul3A_444, %get3A_440 : vector<16xf32>
    %select_n3A_446 = arith.select %ge3A_443, %get3A_440, %mul3A_445 : vector<16xi1>, vector<16xf32>
    %add3A_447 = arith.constant 0 : i32
    %add3A_448 = vector.broadcast %add3A_447 : i32 to vector<16xi32>
    %add3A_449 = arith.addi %add3A_448, %iota3A : vector<16xi32>
    %broadcast_in_dim3A_450 = arith.constant 7 : i32
    %broadcast_in_dim3A_451 = vector.broadcast %broadcast_in_dim3A_450 : i32 to vector<16xi32>
    tpu.vector_store_idx %arg18[%add3A_449, %broadcast_in_dim3A_451], %select_n3A_446 : memref<64x16xf32, #tpu.memory_space<vmem>>[vector<16xi32>, vector<16xi32>], vector<16xf32>,
    %get3A_452 = arith.constant 7 : i32
    %get3A_453 = arith.index_cast %get3A_452 : i32 to index
    %get3A_454 = arith.constant 16 : index
    %get3A_455 = tpu.vector_load %arg16[%get3A_453, %get3A_454] {strides = array<i32>} : memref<8x64xf32, #tpu.memory_space<vmem>>, vector<16xf32>,
    %ge3A_456 = arith.constant 0.000000e+00 : f32
    %ge3A_457 = vector.broadcast %ge3A_456 : f32 to vector<16xf32>
    %ge3A_458 = arith.cmpf oge, %get3A_455, %ge3A_457 : vector<16xf32>
    %mul3A_459 = vector.broadcast %squeeze3A_436 : f32 to vector<16xf32>
    %mul3A_460 = arith.mulf %mul3A_459, %get3A_455 : vector<16xf32>
    %select_n3A_461 = arith.select %ge3A_458, %get3A_455, %mul3A_460 : vector<16xi1>, vector<16xf32>
    %add3A_462 = arith.constant 16 : i32
    %add3A_463 = vector.broadcast %add3A_462 : i32 to vector<16xi32>
    %add3A_464 = arith.addi %add3A_463, %iota3A : vector<16xi32>
    %broadcast_in_dim3A_465 = arith.constant 7 : i32
    %broadcast_in_dim3A_466 = vector.broadcast %broadcast_in_dim3A_465 : i32 to vector<16xi32>
    tpu.vector_store_idx %arg18[%add3A_464, %broadcast_in_dim3A_466], %select_n3A_461 : memref<64x16xf32, #tpu.memory_space<vmem>>[vector<16xi32>, vector<16xi32>], vector<16xf32>,
    %get3A_467 = arith.constant 7 : i32
    %get3A_468 = arith.index_cast %get3A_467 : i32 to index
    %get3A_469 = arith.constant 32 : index
    %get3A_470 = tpu.vector_load %arg16[%get3A_468, %get3A_469] {strides = array<i32>} : memref<8x64xf32, #tpu.memory_space<vmem>>, vector<16xf32>,
    %ge3A_471 = arith.constant 0.000000e+00 : f32
    %ge3A_472 = vector.broadcast %ge3A_471 : f32 to vector<16xf32>
    %ge3A_473 = arith.cmpf oge, %get3A_470, %ge3A_472 : vector<16xf32>
    %mul3A_474 = vector.broadcast %squeeze3A_436 : f32 to vector<16xf32>
    %mul3A_475 = arith.mulf %mul3A_474, %get3A_470 : vector<16xf32>
    %select_n3A_476 = arith.select %ge3A_473, %get3A_470, %mul3A_475 : vector<16xi1>, vector<16xf32>
    %add3A_477 = arith.constant 32 : i32
    %add3A_478 = vector.broadcast %add3A_477 : i32 to vector<16xi32>
    %add3A_479 = arith.addi %add3A_478, %iota3A : vector<16xi32>
    %broadcast_in_dim3A_480 = arith.constant 7 : i32
    %broadcast_in_dim3A_481 = vector.broadcast %broadcast_in_dim3A_480 : i32 to vector<16xi32>
    tpu.vector_store_idx %arg18[%add3A_479, %broadcast_in_dim3A_481], %select_n3A_476 : memref<64x16xf32, #tpu.memory_space<vmem>>[vector<16xi32>, vector<16xi32>], vector<16xf32>,
    %get3A_482 = arith.constant 7 : i32
    %get3A_483 = arith.index_cast %get3A_482 : i32 to index
    %get3A_484 = arith.constant 48 : index
    %get3A_485 = tpu.vector_load %arg16[%get3A_483, %get3A_484] {strides = array<i32>} : memref<8x64xf32, #tpu.memory_space<vmem>>, vector<16xf32>,
    %ge3A_486 = arith.constant 0.000000e+00 : f32
    %ge3A_487 = vector.broadcast %ge3A_486 : f32 to vector<16xf32>
    %ge3A_488 = arith.cmpf oge, %get3A_485, %ge3A_487 : vector<16xf32>
    %mul3A_489 = vector.broadcast %squeeze3A_436 : f32 to vector<16xf32>
    %mul3A_490 = arith.mulf %mul3A_489, %get3A_485 : vector<16xf32>
    %select_n3A_491 = arith.select %ge3A_488, %get3A_485, %mul3A_490 : vector<16xi1>, vector<16xf32>
    %add3A_492 = arith.constant 48 : i32
    %add3A_493 = vector.broadcast %add3A_492 : i32 to vector<16xi32>
    %add3A_494 = arith.addi %add3A_493, %iota3A : vector<16xi32>
    %broadcast_in_dim3A_495 = arith.constant 7 : i32
    %broadcast_in_dim3A_496 = vector.broadcast %broadcast_in_dim3A_495 : i32 to vector<16xi32>
    tpu.vector_store_idx %arg18[%add3A_494, %broadcast_in_dim3A_496], %select_n3A_491 : memref<64x16xf32, #tpu.memory_space<vmem>>[vector<16xi32>, vector<16xi32>], vector<16xf32>,
    %broadcast_in_dim3A_497 = arith.constant 0.000000e+00 : f32
    %broadcast_in_dim3A_498 = vector.broadcast %broadcast_in_dim3A_497 : f32 to vector<16xf32>
    %swap3A = arith.constant 0 : i32
    %swap3A_499 = arith.index_cast %swap3A : i32 to index
    %swap3A_500 = arith.constant 0 : index
    %swap3A_501 = tpu.vector_load %arg13[%swap3A_499, %swap3A_500] {strides = array<i32>} : memref<8x16xf32, #tpu.memory_space<vmem>>, vector<16xf32>,
    tpu.vector_store %arg13[%swap3A_499, %swap3A_500], %broadcast_in_dim3A_498 {strides = array<i32>} : memref<8x16xf32, #tpu.memory_space<vmem>>, vector<16xf32>,
    %swap3A_502 = arith.constant 0 : i32
    %swap3A_503 = arith.index_cast %swap3A_502 : i32 to index
    %swap3A_504 = arith.constant 0 : index
    %swap3A_505 = tpu.vector_load %arg14[%swap3A_503, %swap3A_504] {strides = array<i32>} : memref<8x16xf32, #tpu.memory_space<vmem>>, vector<16xf32>,
    tpu.vector_store %arg14[%swap3A_503, %swap3A_504], %broadcast_in_dim3A_498 {strides = array<i32>} : memref<8x16xf32, #tpu.memory_space<vmem>>, vector<16xf32>,
    %swap3A_506 = arith.constant 1 : i32
    %swap3A_507 = arith.index_cast %swap3A_506 : i32 to index
    %swap3A_508 = arith.constant 0 : index
    %swap3A_509 = tpu.vector_load %arg13[%swap3A_507, %swap3A_508] {strides = array<i32>} : memref<8x16xf32, #tpu.memory_space<vmem>>, vector<16xf32>,
    tpu.vector_store %arg13[%swap3A_507, %swap3A_508], %broadcast_in_dim3A_498 {strides = array<i32>} : memref<8x16xf32, #tpu.memory_space<vmem>>, vector<16xf32>,
    %swap3A_510 = arith.constant 1 : i32
    %swap3A_511 = arith.index_cast %swap3A_510 : i32 to index
    %swap3A_512 = arith.constant 0 : index
    %swap3A_513 = tpu.vector_load %arg14[%swap3A_511, %swap3A_512] {strides = array<i32>} : memref<8x16xf32, #tpu.memory_space<vmem>>, vector<16xf32>,
    tpu.vector_store %arg14[%swap3A_511, %swap3A_512], %broadcast_in_dim3A_498 {strides = array<i32>} : memref<8x16xf32, #tpu.memory_space<vmem>>, vector<16xf32>,
    %swap3A_514 = arith.constant 2 : i32
    %swap3A_515 = arith.index_cast %swap3A_514 : i32 to index
    %swap3A_516 = arith.constant 0 : index
    %swap3A_517 = tpu.vector_load %arg13[%swap3A_515, %swap3A_516] {strides = array<i32>} : memref<8x16xf32, #tpu.memory_space<vmem>>, vector<16xf32>,
    tpu.vector_store %arg13[%swap3A_515, %swap3A_516], %broadcast_in_dim3A_498 {strides = array<i32>} : memref<8x16xf32, #tpu.memory_space<vmem>>, vector<16xf32>,
    %swap3A_518 = arith.constant 2 : i32
    %swap3A_519 = arith.index_cast %swap3A_518 : i32 to index
    %swap3A_520 = arith.constant 0 : index
    %swap3A_521 = tpu.vector_load %arg14[%swap3A_519, %swap3A_520] {strides = array<i32>} : memref<8x16xf32, #tpu.memory_space<vmem>>, vector<16xf32>,
    tpu.vector_store %arg14[%swap3A_519, %swap3A_520], %broadcast_in_dim3A_498 {strides = array<i32>} : memref<8x16xf32, #tpu.memory_space<vmem>>, vector<16xf32>,
    %swap3A_522 = arith.constant 3 : i32
    %swap3A_523 = arith.index_cast %swap3A_522 : i32 to index
    %swap3A_524 = arith.constant 0 : index
    %swap3A_525 = tpu.vector_load %arg13[%swap3A_523, %swap3A_524] {strides = array<i32>} : memref<8x16xf32, #tpu.memory_space<vmem>>, vector<16xf32>,
    tpu.vector_store %arg13[%swap3A_523, %swap3A_524], %broadcast_in_dim3A_498 {strides = array<i32>} : memref<8x16xf32, #tpu.memory_space<vmem>>, vector<16xf32>,
    %swap3A_526 = arith.constant 3 : i32
    %swap3A_527 = arith.index_cast %swap3A_526 : i32 to index
    %swap3A_528 = arith.constant 0 : index
    %swap3A_529 = tpu.vector_load %arg14[%swap3A_527, %swap3A_528] {strides = array<i32>} : memref<8x16xf32, #tpu.memory_space<vmem>>, vector<16xf32>,
    tpu.vector_store %arg14[%swap3A_527, %swap3A_528], %broadcast_in_dim3A_498 {strides = array<i32>} : memref<8x16xf32, #tpu.memory_space<vmem>>, vector<16xf32>,
    %swap3A_530 = arith.constant 4 : i32
    %swap3A_531 = arith.index_cast %swap3A_530 : i32 to index
    %swap3A_532 = arith.constant 0 : index
    %swap3A_533 = tpu.vector_load %arg13[%swap3A_531, %swap3A_532] {strides = array<i32>} : memref<8x16xf32, #tpu.memory_space<vmem>>, vector<16xf32>,
    tpu.vector_store %arg13[%swap3A_531, %swap3A_532], %broadcast_in_dim3A_498 {strides = array<i32>} : memref<8x16xf32, #tpu.memory_space<vmem>>, vector<16xf32>,
    %swap3A_534 = arith.constant 4 : i32
    %swap3A_535 = arith.index_cast %swap3A_534 : i32 to index
    %swap3A_536 = arith.constant 0 : index
    %swap3A_537 = tpu.vector_load %arg14[%swap3A_535, %swap3A_536] {strides = array<i32>} : memref<8x16xf32, #tpu.memory_space<vmem>>, vector<16xf32>,
    tpu.vector_store %arg14[%swap3A_535, %swap3A_536], %broadcast_in_dim3A_498 {strides = array<i32>} : memref<8x16xf32, #tpu.memory_space<vmem>>, vector<16xf32>,
    %swap3A_538 = arith.constant 5 : i32
    %swap3A_539 = arith.index_cast %swap3A_538 : i32 to index
    %swap3A_540 = arith.constant 0 : index
    %swap3A_541 = tpu.vector_load %arg13[%swap3A_539, %swap3A_540] {strides = array<i32>} : memref<8x16xf32, #tpu.memory_space<vmem>>, vector<16xf32>,
    tpu.vector_store %arg13[%swap3A_539, %swap3A_540], %broadcast_in_dim3A_498 {strides = array<i32>} : memref<8x16xf32, #tpu.memory_space<vmem>>, vector<16xf32>,
    %swap3A_542 = arith.constant 5 : i32
    %swap3A_543 = arith.index_cast %swap3A_542 : i32 to index
    %swap3A_544 = arith.constant 0 : index
    %swap3A_545 = tpu.vector_load %arg14[%swap3A_543, %swap3A_544] {strides = array<i32>} : memref<8x16xf32, #tpu.memory_space<vmem>>, vector<16xf32>,
    tpu.vector_store %arg14[%swap3A_543, %swap3A_544], %broadcast_in_dim3A_498 {strides = array<i32>} : memref<8x16xf32, #tpu.memory_space<vmem>>, vector<16xf32>,
    %swap3A_546 = arith.constant 6 : i32
    %swap3A_547 = arith.index_cast %swap3A_546 : i32 to index
    %swap3A_548 = arith.constant 0 : index
    %swap3A_549 = tpu.vector_load %arg13[%swap3A_547, %swap3A_548] {strides = array<i32>} : memref<8x16xf32, #tpu.memory_space<vmem>>, vector<16xf32>,
    tpu.vector_store %arg13[%swap3A_547, %swap3A_548], %broadcast_in_dim3A_498 {strides = array<i32>} : memref<8x16xf32, #tpu.memory_space<vmem>>, vector<16xf32>,
    %swap3A_550 = arith.constant 6 : i32
    %swap3A_551 = arith.index_cast %swap3A_550 : i32 to index
    %swap3A_552 = arith.constant 0 : index
    %swap3A_553 = tpu.vector_load %arg14[%swap3A_551, %swap3A_552] {strides = array<i32>} : memref<8x16xf32, #tpu.memory_space<vmem>>, vector<16xf32>,
    tpu.vector_store %arg14[%swap3A_551, %swap3A_552], %broadcast_in_dim3A_498 {strides = array<i32>} : memref<8x16xf32, #tpu.memory_space<vmem>>, vector<16xf32>,
    %swap3A_554 = arith.constant 7 : i32
    %swap3A_555 = arith.index_cast %swap3A_554 : i32 to index
    %swap3A_556 = arith.constant 0 : index
    %swap3A_557 = tpu.vector_load %arg13[%swap3A_555, %swap3A_556] {strides = array<i32>} : memref<8x16xf32, #tpu.memory_space<vmem>>, vector<16xf32>,
    tpu.vector_store %arg13[%swap3A_555, %swap3A_556], %broadcast_in_dim3A_498 {strides = array<i32>} : memref<8x16xf32, #tpu.memory_space<vmem>>, vector<16xf32>,
    %swap3A_558 = arith.constant 7 : i32
    %swap3A_559 = arith.index_cast %swap3A_558 : i32 to index
    %swap3A_560 = arith.constant 0 : index
    %swap3A_561 = tpu.vector_load %arg14[%swap3A_559, %swap3A_560] {strides = array<i32>} : memref<8x16xf32, #tpu.memory_space<vmem>>, vector<16xf32>,
    tpu.vector_store %arg14[%swap3A_559, %swap3A_560], %broadcast_in_dim3A_498 {strides = array<i32>} : memref<8x16xf32, #tpu.memory_space<vmem>>, vector<16xf32>,
    %scan3A = arith.constant 0 : i32
    %scan3A_562 = arith.constant 0 : i32
    %scan3A_563 = arith.constant 4 : i32
    %scan3A_564 = arith.addi %scan3A_562, %scan3A_563 : i32
    %scan3A_565 = arith.constant 1 : i32
    scf.for %scan3A_567 = %scan3A_562 to %scan3A_564 step %scan3A_565  : i32 {
      %mul3A_568 = arith.constant 128 : i32
      %mul3A_569 = arith.muli %scan3A_567, %mul3A_568 : i32
      %add3A_570 = arith.addi %add3A_4, %mul3A_569 : i32
      "tpu.region"() ({
        %run_scoped3A = tpu.sem_alloc : memref<!tpu.dma_semaphore, #tpu.memory_space<semaphore_mem>>
        %dma_start3A = arith.constant 0 : i32
        %dma_start3A_578 = tpu.memref_slice %arg2[%add3A_570, %dma_start3A] : memref<32768x256xf32, #tpu.memory_space<hbm>> -> memref<128x256xf32, #tpu.memory_space<hbm>>
        %dma_start3A_579 = arith.constant 0 : i32
        %dma_start3A_580 = tpu.memref_slice %arg2[%add3A_570, %dma_start3A_579] : memref<32768x256xf32, #tpu.memory_space<hbm>> -> memref<128x256xf32, #tpu.memory_space<hbm>>
        tpu.enqueue_dma source(%dma_start3A_580 : memref<128x256xf32, #tpu.memory_space<hbm>>) target(%arg10 : memref<128x256xf32, #tpu.memory_space<vmem>>) target_semaphore(%run_scoped3A : memref<!tpu.dma_semaphore, #tpu.memory_space<semaphore_mem>>)
        %dma_wait3A = arith.constant 0 : i32
        %dma_wait3A_581 = tpu.memref_slice %arg2[%add3A_570, %dma_wait3A] : memref<32768x256xf32, #tpu.memory_space<hbm>> -> memref<128x256xf32, #tpu.memory_space<hbm>>
        %dma_wait3A_582 = arith.constant 0 : i32
        %dma_wait3A_583 = tpu.memref_slice %arg2[%add3A_570, %dma_wait3A_582] : memref<32768x256xf32, #tpu.memory_space<hbm>> -> memref<128x256xf32, #tpu.memory_space<hbm>>
        tpu.wait_dma2 semaphore(%run_scoped3A : memref<!tpu.dma_semaphore, #tpu.memory_space<semaphore_mem>>) src(%dma_wait3A_583 : memref<128x256xf32, #tpu.memory_space<hbm>>) dst(%arg10 : memref<128x256xf32, #tpu.memory_space<vmem>>)
        tpu.yield
      }) : () -> ()
      "tpu.region"() ({
        %run_scoped3A = tpu.sem_alloc : memref<!tpu.dma_semaphore, #tpu.memory_space<semaphore_mem>>
        %dma_start3A = arith.constant 0 : i32
        %dma_start3A_578 = tpu.memref_slice %arg3[%add3A_570, %dma_start3A] : memref<32768x8xf32, #tpu.memory_space<hbm>> -> memref<128x8xf32, #tpu.memory_space<hbm>>
        %dma_start3A_579 = arith.constant 0 : i32
        %dma_start3A_580 = tpu.memref_slice %arg3[%add3A_570, %dma_start3A_579] : memref<32768x8xf32, #tpu.memory_space<hbm>> -> memref<128x8xf32, #tpu.memory_space<hbm>>
        tpu.enqueue_dma source(%dma_start3A_580 : memref<128x8xf32, #tpu.memory_space<hbm>>) target(%arg11 : memref<128x8xf32, #tpu.memory_space<vmem>>) target_semaphore(%run_scoped3A : memref<!tpu.dma_semaphore, #tpu.memory_space<semaphore_mem>>)
        %dma_wait3A = arith.constant 0 : i32
        %dma_wait3A_581 = tpu.memref_slice %arg3[%add3A_570, %dma_wait3A] : memref<32768x8xf32, #tpu.memory_space<hbm>> -> memref<128x8xf32, #tpu.memory_space<hbm>>
        %dma_wait3A_582 = arith.constant 0 : i32
        %dma_wait3A_583 = tpu.memref_slice %arg3[%add3A_570, %dma_wait3A_582] : memref<32768x8xf32, #tpu.memory_space<hbm>> -> memref<128x8xf32, #tpu.memory_space<hbm>>
        tpu.wait_dma2 semaphore(%run_scoped3A : memref<!tpu.dma_semaphore, #tpu.memory_space<semaphore_mem>>) src(%dma_wait3A_583 : memref<128x8xf32, #tpu.memory_space<hbm>>) dst(%arg11 : memref<128x8xf32, #tpu.memory_space<vmem>>)
        tpu.yield
      }) : () -> ()
      %scan3A_571 = arith.constant 0 : i32
      %scan3A_572 = arith.constant 0 : i32
      %scan3A_573 = arith.constant 8 : i32
      %scan3A_574 = arith.addi %scan3A_572, %scan3A_573 : i32
      %scan3A_575 = arith.constant 1 : i32
      scf.for %scan3A_578 = %scan3A_572 to %scan3A_574 step %scan3A_575  : i32 {
        %mul3A_579 = arith.constant 16 : i32
        %mul3A_580 = arith.muli %scan3A_578, %mul3A_579 : i32
        %add3A_581 = vector.broadcast %mul3A_580 : i32 to vector<16xi32>
        %add3A_582 = arith.addi %add3A_581, %iota3A : vector<16xi32>
        %broadcast_in_dim3A_583 = arith.constant 0.000000e+00 : f32
        %broadcast_in_dim3A_584 = vector.broadcast %broadcast_in_dim3A_583 : f32 to vector<16xf32>
        %broadcast_in_dim3A_585 = arith.constant 0.000000e+00 : f32
        %broadcast_in_dim3A_586 = vector.broadcast %broadcast_in_dim3A_585 : f32 to vector<16xf32>
        %broadcast_in_dim3A_587 = arith.constant 0.000000e+00 : f32
        %broadcast_in_dim3A_588 = vector.broadcast %broadcast_in_dim3A_587 : f32 to vector<16xf32>
        %broadcast_in_dim3A_589 = arith.constant 0.000000e+00 : f32
        %broadcast_in_dim3A_590 = vector.broadcast %broadcast_in_dim3A_589 : f32 to vector<16xf32>
        %broadcast_in_dim3A_591 = arith.constant 0.000000e+00 : f32
        %broadcast_in_dim3A_592 = vector.broadcast %broadcast_in_dim3A_591 : f32 to vector<16xf32>
        %broadcast_in_dim3A_593 = arith.constant 0.000000e+00 : f32
        %broadcast_in_dim3A_594 = vector.broadcast %broadcast_in_dim3A_593 : f32 to vector<16xf32>
        %broadcast_in_dim3A_595 = arith.constant 0.000000e+00 : f32
        %broadcast_in_dim3A_596 = vector.broadcast %broadcast_in_dim3A_595 : f32 to vector<16xf32>
        %broadcast_in_dim3A_597 = arith.constant 0.000000e+00 : f32
        %broadcast_in_dim3A_598 = vector.broadcast %broadcast_in_dim3A_597 : f32 to vector<16xf32>
        %broadcast_in_dim3A_599 = arith.constant 0.000000e+00 : f32
        %broadcast_in_dim3A_600 = vector.broadcast %broadcast_in_dim3A_599 : f32 to vector<16xf32>
        %broadcast_in_dim3A_601 = arith.constant 0.000000e+00 : f32
        %broadcast_in_dim3A_602 = vector.broadcast %broadcast_in_dim3A_601 : f32 to vector<16xf32>
        %broadcast_in_dim3A_603 = arith.constant 0.000000e+00 : f32
        %broadcast_in_dim3A_604 = vector.broadcast %broadcast_in_dim3A_603 : f32 to vector<16xf32>
        %broadcast_in_dim3A_605 = arith.constant 0.000000e+00 : f32
        %broadcast_in_dim3A_606 = vector.broadcast %broadcast_in_dim3A_605 : f32 to vector<16xf32>
        %broadcast_in_dim3A_607 = arith.constant 0.000000e+00 : f32
        %broadcast_in_dim3A_608 = vector.broadcast %broadcast_in_dim3A_607 : f32 to vector<16xf32>
        %broadcast_in_dim3A_609 = arith.constant 0.000000e+00 : f32
        %broadcast_in_dim3A_610 = vector.broadcast %broadcast_in_dim3A_609 : f32 to vector<16xf32>
        %broadcast_in_dim3A_611 = arith.constant 0.000000e+00 : f32
        %broadcast_in_dim3A_612 = vector.broadcast %broadcast_in_dim3A_611 : f32 to vector<16xf32>
        %broadcast_in_dim3A_613 = arith.constant 0.000000e+00 : f32
        %broadcast_in_dim3A_614 = vector.broadcast %broadcast_in_dim3A_613 : f32 to vector<16xf32>
        %scan3A_615 = arith.constant 0 : i32
        %scan3A_616 = arith.constant 256 : i32
        %scan3A_617 = arith.addi %scan3A_615, %scan3A_616 : i32
        %scan3A_618 = arith.constant 1 : i32
        %scan3A_619:16 = scf.for %scan3A_1766 = %scan3A_615 to %scan3A_617 step %scan3A_618 iter_args(%scan3A_1767 = %broadcast_in_dim3A_584, %scan3A_1768 = %broadcast_in_dim3A_586, %scan3A_1769 = %broadcast_in_dim3A_588, %scan3A_1770 = %broadcast_in_dim3A_590, %scan3A_1771 = %broadcast_in_dim3A_592, %scan3A_1772 = %broadcast_in_dim3A_594, %scan3A_1773 = %broadcast_in_dim3A_596, %scan3A_1774 = %broadcast_in_dim3A_598, %scan3A_1775 = %broadcast_in_dim3A_600, %scan3A_1776 = %broadcast_in_dim3A_602, %scan3A_1777 = %broadcast_in_dim3A_604, %scan3A_1778 = %broadcast_in_dim3A_606, %scan3A_1779 = %broadcast_in_dim3A_608, %scan3A_1780 = %broadcast_in_dim3A_610, %scan3A_1781 = %broadcast_in_dim3A_612, %scan3A_1782 = %broadcast_in_dim3A_614) -> (vector<16xf32>, vector<16xf32>, vector<16xf32>, vector<16xf32>, vector<16xf32>, vector<16xf32>, vector<16xf32>, vector<16xf32>, vector<16xf32>, vector<16xf32>, vector<16xf32>, vector<16xf32>, vector<16xf32>, vector<16xf32>, vector<16xf32>, vector<16xf32>)  : i32 {
          %broadcast_in_dim3A_1783 = vector.broadcast %scan3A_1766 : i32 to vector<16xi32>
          %gather3A_1784 = tpu.vector_load_idx %arg10[%add3A_582, %broadcast_in_dim3A_1783] : memref<128x256xf32, #tpu.memory_space<vmem>>[vector<16xi32>, vector<16xi32>], vector<16xf32>,
          %bitcast3A = vector.bitcast %gather3A_1784 : vector<16xf32> to vector<16xi32>
          %add3A_1785 = arith.constant 32767 : i32
          %add3A_1786 = vector.broadcast %add3A_1785 : i32 to vector<16xi32>
          %add3A_1787 = arith.addi %bitcast3A, %add3A_1786 : vector<16xi32>
          %shift_right_arithmetic3A = arith.constant 16 : i32
          %shift_right_arithmetic3A_1788 = vector.broadcast %shift_right_arithmetic3A : i32 to vector<16xi32>
          %shift_right_arithmetic3A_1789 = arith.shrsi %bitcast3A, %shift_right_arithmetic3A_1788 : vector<16xi32>
          %and3A_1790 = arith.constant 1 : i32
          %and3A_1791 = vector.broadcast %and3A_1790 : i32 to vector<16xi32>
          %and3A_1792 = arith.andi %shift_right_arithmetic3A_1789, %and3A_1791 : vector<16xi32>
          %add3A_1793 = arith.addi %add3A_1787, %and3A_1792 : vector<16xi32>
          %and3A_1794 = arith.constant -65536 : i32
          %and3A_1795 = vector.broadcast %and3A_1794 : i32 to vector<16xi32>
          %and3A_1796 = arith.andi %add3A_1793, %and3A_1795 : vector<16xi32>
          %bitcast3A_1797 = vector.bitcast %and3A_1796 : vector<16xi32> to vector<16xf32>
          %get3A_1798 = arith.index_cast %scan3A_1766 : i32 to index
          %get3A_1799 = arith.constant 0 : index
          %get3A_1800 = tpu.vector_load %arg15[%get3A_1798, %get3A_1799] {strides = array<i32>} : memref<256x16xf32, #tpu.memory_space<vmem>>, vector<16xf32>,
          %slice3A_1801 = vector.extract_strided_slice %get3A_1800 {offsets = [0], sizes = [1], strides = [1]} : vector<16xf32> to vector<1xf32>
          %squeeze3A_1802 = vector.extract %slice3A_1801[0] : f32 from vector<1xf32>
          %mul3A_1803 = vector.broadcast %squeeze3A_1802 : f32 to vector<16xf32>
          %mul3A_1804 = arith.mulf %bitcast3A_1797, %mul3A_1803 : vector<16xf32>
          %add3A_1805 = arith.addf %scan3A_1767, %mul3A_1804 : vector<16xf32>
          %slice3A_1806 = vector.extract_strided_slice %get3A_1800 {offsets = [1], sizes = [1], strides = [1]} : vector<16xf32> to vector<1xf32>
          %squeeze3A_1807 = vector.extract %slice3A_1806[0] : f32 from vector<1xf32>
          %mul3A_1808 = vector.broadcast %squeeze3A_1807 : f32 to vector<16xf32>
          %mul3A_1809 = arith.mulf %bitcast3A_1797, %mul3A_1808 : vector<16xf32>
          %add3A_1810 = arith.addf %scan3A_1768, %mul3A_1809 : vector<16xf32>
          %slice3A_1811 = vector.extract_strided_slice %get3A_1800 {offsets = [2], sizes = [1], strides = [1]} : vector<16xf32> to vector<1xf32>
          %squeeze3A_1812 = vector.extract %slice3A_1811[0] : f32 from vector<1xf32>
          %mul3A_1813 = vector.broadcast %squeeze3A_1812 : f32 to vector<16xf32>
          %mul3A_1814 = arith.mulf %bitcast3A_1797, %mul3A_1813 : vector<16xf32>
          %add3A_1815 = arith.addf %scan3A_1769, %mul3A_1814 : vector<16xf32>
          %slice3A_1816 = vector.extract_strided_slice %get3A_1800 {offsets = [3], sizes = [1], strides = [1]} : vector<16xf32> to vector<1xf32>
          %squeeze3A_1817 = vector.extract %slice3A_1816[0] : f32 from vector<1xf32>
          %mul3A_1818 = vector.broadcast %squeeze3A_1817 : f32 to vector<16xf32>
          %mul3A_1819 = arith.mulf %bitcast3A_1797, %mul3A_1818 : vector<16xf32>
          %add3A_1820 = arith.addf %scan3A_1770, %mul3A_1819 : vector<16xf32>
          %slice3A_1821 = vector.extract_strided_slice %get3A_1800 {offsets = [4], sizes = [1], strides = [1]} : vector<16xf32> to vector<1xf32>
          %squeeze3A_1822 = vector.extract %slice3A_1821[0] : f32 from vector<1xf32>
          %mul3A_1823 = vector.broadcast %squeeze3A_1822 : f32 to vector<16xf32>
          %mul3A_1824 = arith.mulf %bitcast3A_1797, %mul3A_1823 : vector<16xf32>
          %add3A_1825 = arith.addf %scan3A_1771, %mul3A_1824 : vector<16xf32>
          %slice3A_1826 = vector.extract_strided_slice %get3A_1800 {offsets = [5], sizes = [1], strides = [1]} : vector<16xf32> to vector<1xf32>
          %squeeze3A_1827 = vector.extract %slice3A_1826[0] : f32 from vector<1xf32>
          %mul3A_1828 = vector.broadcast %squeeze3A_1827 : f32 to vector<16xf32>
          %mul3A_1829 = arith.mulf %bitcast3A_1797, %mul3A_1828 : vector<16xf32>
          %add3A_1830 = arith.addf %scan3A_1772, %mul3A_1829 : vector<16xf32>
          %slice3A_1831 = vector.extract_strided_slice %get3A_1800 {offsets = [6], sizes = [1], strides = [1]} : vector<16xf32> to vector<1xf32>
          %squeeze3A_1832 = vector.extract %slice3A_1831[0] : f32 from vector<1xf32>
          %mul3A_1833 = vector.broadcast %squeeze3A_1832 : f32 to vector<16xf32>
          %mul3A_1834 = arith.mulf %bitcast3A_1797, %mul3A_1833 : vector<16xf32>
          %add3A_1835 = arith.addf %scan3A_1773, %mul3A_1834 : vector<16xf32>
          %slice3A_1836 = vector.extract_strided_slice %get3A_1800 {offsets = [7], sizes = [1], strides = [1]} : vector<16xf32> to vector<1xf32>
          %squeeze3A_1837 = vector.extract %slice3A_1836[0] : f32 from vector<1xf32>
          %mul3A_1838 = vector.broadcast %squeeze3A_1837 : f32 to vector<16xf32>
          %mul3A_1839 = arith.mulf %bitcast3A_1797, %mul3A_1838 : vector<16xf32>
          %add3A_1840 = arith.addf %scan3A_1774, %mul3A_1839 : vector<16xf32>
          %slice3A_1841 = vector.extract_strided_slice %get3A_1800 {offsets = [8], sizes = [1], strides = [1]} : vector<16xf32> to vector<1xf32>
          %squeeze3A_1842 = vector.extract %slice3A_1841[0] : f32 from vector<1xf32>
          %mul3A_1843 = vector.broadcast %squeeze3A_1842 : f32 to vector<16xf32>
          %mul3A_1844 = arith.mulf %bitcast3A_1797, %mul3A_1843 : vector<16xf32>
          %add3A_1845 = arith.addf %scan3A_1775, %mul3A_1844 : vector<16xf32>
          %slice3A_1846 = vector.extract_strided_slice %get3A_1800 {offsets = [9], sizes = [1], strides = [1]} : vector<16xf32> to vector<1xf32>
          %squeeze3A_1847 = vector.extract %slice3A_1846[0] : f32 from vector<1xf32>
          %mul3A_1848 = vector.broadcast %squeeze3A_1847 : f32 to vector<16xf32>
          %mul3A_1849 = arith.mulf %bitcast3A_1797, %mul3A_1848 : vector<16xf32>
          %add3A_1850 = arith.addf %scan3A_1776, %mul3A_1849 : vector<16xf32>
          %slice3A_1851 = vector.extract_strided_slice %get3A_1800 {offsets = [10], sizes = [1], strides = [1]} : vector<16xf32> to vector<1xf32>
          %squeeze3A_1852 = vector.extract %slice3A_1851[0] : f32 from vector<1xf32>
          %mul3A_1853 = vector.broadcast %squeeze3A_1852 : f32 to vector<16xf32>
          %mul3A_1854 = arith.mulf %bitcast3A_1797, %mul3A_1853 : vector<16xf32>
          %add3A_1855 = arith.addf %scan3A_1777, %mul3A_1854 : vector<16xf32>
          %slice3A_1856 = vector.extract_strided_slice %get3A_1800 {offsets = [11], sizes = [1], strides = [1]} : vector<16xf32> to vector<1xf32>
          %squeeze3A_1857 = vector.extract %slice3A_1856[0] : f32 from vector<1xf32>
          %mul3A_1858 = vector.broadcast %squeeze3A_1857 : f32 to vector<16xf32>
          %mul3A_1859 = arith.mulf %bitcast3A_1797, %mul3A_1858 : vector<16xf32>
          %add3A_1860 = arith.addf %scan3A_1778, %mul3A_1859 : vector<16xf32>
          %slice3A_1861 = vector.extract_strided_slice %get3A_1800 {offsets = [12], sizes = [1], strides = [1]} : vector<16xf32> to vector<1xf32>
          %squeeze3A_1862 = vector.extract %slice3A_1861[0] : f32 from vector<1xf32>
          %mul3A_1863 = vector.broadcast %squeeze3A_1862 : f32 to vector<16xf32>
          %mul3A_1864 = arith.mulf %bitcast3A_1797, %mul3A_1863 : vector<16xf32>
          %add3A_1865 = arith.addf %scan3A_1779, %mul3A_1864 : vector<16xf32>
          %slice3A_1866 = vector.extract_strided_slice %get3A_1800 {offsets = [13], sizes = [1], strides = [1]} : vector<16xf32> to vector<1xf32>
          %squeeze3A_1867 = vector.extract %slice3A_1866[0] : f32 from vector<1xf32>
          %mul3A_1868 = vector.broadcast %squeeze3A_1867 : f32 to vector<16xf32>
          %mul3A_1869 = arith.mulf %bitcast3A_1797, %mul3A_1868 : vector<16xf32>
          %add3A_1870 = arith.addf %scan3A_1780, %mul3A_1869 : vector<16xf32>
          %slice3A_1871 = vector.extract_strided_slice %get3A_1800 {offsets = [14], sizes = [1], strides = [1]} : vector<16xf32> to vector<1xf32>
          %squeeze3A_1872 = vector.extract %slice3A_1871[0] : f32 from vector<1xf32>
          %mul3A_1873 = vector.broadcast %squeeze3A_1872 : f32 to vector<16xf32>
          %mul3A_1874 = arith.mulf %bitcast3A_1797, %mul3A_1873 : vector<16xf32>
          %add3A_1875 = arith.addf %scan3A_1781, %mul3A_1874 : vector<16xf32>
          %slice3A_1876 = vector.extract_strided_slice %get3A_1800 {offsets = [15], sizes = [1], strides = [1]} : vector<16xf32> to vector<1xf32>
          %squeeze3A_1877 = vector.extract %slice3A_1876[0] : f32 from vector<1xf32>
          %mul3A_1878 = vector.broadcast %squeeze3A_1877 : f32 to vector<16xf32>
          %mul3A_1879 = arith.mulf %bitcast3A_1797, %mul3A_1878 : vector<16xf32>
          %add3A_1880 = arith.addf %scan3A_1782, %mul3A_1879 : vector<16xf32>
          scf.yield %add3A_1805, %add3A_1810, %add3A_1815, %add3A_1820, %add3A_1825, %add3A_1830, %add3A_1835, %add3A_1840, %add3A_1845, %add3A_1850, %add3A_1855, %add3A_1860, %add3A_1865, %add3A_1870, %add3A_1875, %add3A_1880 : vector<16xf32>, vector<16xf32>, vector<16xf32>, vector<16xf32>, vector<16xf32>, vector<16xf32>, vector<16xf32>, vector<16xf32>, vector<16xf32>, vector<16xf32>, vector<16xf32>, vector<16xf32>, vector<16xf32>, vector<16xf32>, vector<16xf32>, vector<16xf32>
        }
        %scan3A_620 = arith.constant 256 : i32
        %broadcast_in_dim3A_621 = arith.constant 0 : i32
        %broadcast_in_dim3A_622 = vector.broadcast %broadcast_in_dim3A_621 : i32 to vector<16xi32>
        %gather3A = tpu.vector_load_idx %arg11[%add3A_582, %broadcast_in_dim3A_622] : memref<128x8xf32, #tpu.memory_space<vmem>>[vector<16xi32>, vector<16xi32>], vector<16xf32>,
        %broadcast_in_dim3A_623 = arith.constant 1 : i32
        %broadcast_in_dim3A_624 = vector.broadcast %broadcast_in_dim3A_623 : i32 to vector<16xi32>
        %gather3A_625 = tpu.vector_load_idx %arg11[%add3A_582, %broadcast_in_dim3A_624] : memref<128x8xf32, #tpu.memory_space<vmem>>[vector<16xi32>, vector<16xi32>], vector<16xf32>,
        %broadcast_in_dim3A_626 = arith.constant 2 : i32
        %broadcast_in_dim3A_627 = vector.broadcast %broadcast_in_dim3A_626 : i32 to vector<16xi32>
        %gather3A_628 = tpu.vector_load_idx %arg11[%add3A_582, %broadcast_in_dim3A_627] : memref<128x8xf32, #tpu.memory_space<vmem>>[vector<16xi32>, vector<16xi32>], vector<16xf32>,
        %broadcast_in_dim3A_629 = arith.constant 3 : i32
        %broadcast_in_dim3A_630 = vector.broadcast %broadcast_in_dim3A_629 : i32 to vector<16xi32>
        %gather3A_631 = tpu.vector_load_idx %arg11[%add3A_582, %broadcast_in_dim3A_630] : memref<128x8xf32, #tpu.memory_space<vmem>>[vector<16xi32>, vector<16xi32>], vector<16xf32>,
        %broadcast_in_dim3A_632 = arith.constant 4 : i32
        %broadcast_in_dim3A_633 = vector.broadcast %broadcast_in_dim3A_632 : i32 to vector<16xi32>
        %gather3A_634 = tpu.vector_load_idx %arg11[%add3A_582, %broadcast_in_dim3A_633] : memref<128x8xf32, #tpu.memory_space<vmem>>[vector<16xi32>, vector<16xi32>], vector<16xf32>,
        %broadcast_in_dim3A_635 = arith.constant 5 : i32
        %broadcast_in_dim3A_636 = vector.broadcast %broadcast_in_dim3A_635 : i32 to vector<16xi32>
        %gather3A_637 = tpu.vector_load_idx %arg11[%add3A_582, %broadcast_in_dim3A_636] : memref<128x8xf32, #tpu.memory_space<vmem>>[vector<16xi32>, vector<16xi32>], vector<16xf32>,
        %broadcast_in_dim3A_638 = arith.constant 6 : i32
        %broadcast_in_dim3A_639 = vector.broadcast %broadcast_in_dim3A_638 : i32 to vector<16xi32>
        %gather3A_640 = tpu.vector_load_idx %arg11[%add3A_582, %broadcast_in_dim3A_639] : memref<128x8xf32, #tpu.memory_space<vmem>>[vector<16xi32>, vector<16xi32>], vector<16xf32>,
        %broadcast_in_dim3A_641 = arith.constant 7 : i32
        %broadcast_in_dim3A_642 = vector.broadcast %broadcast_in_dim3A_641 : i32 to vector<16xi32>
        %gather3A_643 = tpu.vector_load_idx %arg11[%add3A_582, %broadcast_in_dim3A_642] : memref<128x8xf32, #tpu.memory_space<vmem>>[vector<16xi32>, vector<16xi32>], vector<16xf32>,
        %abs3A = math.absf %scan3A_619#8 : vector<16xf32>
        %neg3A = arith.constant 0.000000e+00 : f32
        %neg3A_644 = vector.broadcast %neg3A : f32 to vector<16xf32>
        %neg3A_645 = arith.subf %neg3A_644, %abs3A : vector<16xf32>
        %exp3A = math.exp %neg3A_645 : vector<16xf32>
        %add3A_646 = arith.constant 2.000000e+00 : f32
        %add3A_647 = vector.broadcast %add3A_646 : f32 to vector<16xf32>
        %add3A_648 = arith.addf %add3A_647, %exp3A : vector<16xf32>
        %div3A = arith.divf %exp3A, %add3A_648 : vector<16xf32>
        %mul3A_649 = arith.mulf %div3A, %div3A : vector<16xf32>
        %mul3A_650 = arith.constant 2.000000e+00 : f32
        %mul3A_651 = vector.broadcast %mul3A_650 : f32 to vector<16xf32>
        %mul3A_652 = arith.mulf %mul3A_651, %div3A : vector<16xf32>
        %div3A_653 = arith.constant 9.000000e+00 : f32
        %div3A_654 = vector.broadcast %div3A_653 : f32 to vector<16xf32>
        %div3A_655 = arith.divf %mul3A_649, %div3A_654 : vector<16xf32>
        %add3A_656 = arith.constant 0.142857149 : f32
        %add3A_657 = vector.broadcast %add3A_656 : f32 to vector<16xf32>
        %add3A_658 = arith.addf %add3A_657, %div3A_655 : vector<16xf32>
        %mul3A_659 = arith.mulf %mul3A_649, %add3A_658 : vector<16xf32>
        %add3A_660 = arith.constant 2.000000e-01 : f32
        %add3A_661 = vector.broadcast %add3A_660 : f32 to vector<16xf32>
        %add3A_662 = arith.addf %add3A_661, %mul3A_659 : vector<16xf32>
        %mul3A_663 = arith.mulf %mul3A_649, %add3A_662 : vector<16xf32>
        %add3A_664 = arith.constant 0.333333343 : f32
        %add3A_665 = vector.broadcast %add3A_664 : f32 to vector<16xf32>
        %add3A_666 = arith.addf %add3A_665, %mul3A_663 : vector<16xf32>
        %mul3A_667 = arith.mulf %mul3A_649, %add3A_666 : vector<16xf32>
        %add3A_668 = arith.constant 1.000000e+00 : f32
        %add3A_669 = vector.broadcast %add3A_668 : f32 to vector<16xf32>
        %add3A_670 = arith.addf %add3A_669, %mul3A_667 : vector<16xf32>
        %mul3A_671 = arith.mulf %mul3A_652, %add3A_670 : vector<16xf32>
        %max3A = arith.constant 0.000000e+00 : f32
        %max3A_672 = vector.broadcast %max3A : f32 to vector<16xf32>
        %max3A_673 = arith.maximumf %scan3A_619#8, %max3A_672 : vector<16xf32>
        %add3A_674 = arith.addf %max3A_673, %mul3A_671 : vector<16xf32>
        %add3A_675 = arith.constant 0.00999999977 : f32
        %add3A_676 = vector.broadcast %add3A_675 : f32 to vector<16xf32>
        %add3A_677 = arith.addf %add3A_674, %add3A_676 : vector<16xf32>
        %abs3A_678 = math.absf %scan3A_619#9 : vector<16xf32>
        %neg3A_679 = arith.constant 0.000000e+00 : f32
        %neg3A_680 = vector.broadcast %neg3A_679 : f32 to vector<16xf32>
        %neg3A_681 = arith.subf %neg3A_680, %abs3A_678 : vector<16xf32>
        %exp3A_682 = math.exp %neg3A_681 : vector<16xf32>
        %add3A_683 = arith.constant 2.000000e+00 : f32
        %add3A_684 = vector.broadcast %add3A_683 : f32 to vector<16xf32>
        %add3A_685 = arith.addf %add3A_684, %exp3A_682 : vector<16xf32>
        %div3A_686 = arith.divf %exp3A_682, %add3A_685 : vector<16xf32>
        %mul3A_687 = arith.mulf %div3A_686, %div3A_686 : vector<16xf32>
        %mul3A_688 = arith.constant 2.000000e+00 : f32
        %mul3A_689 = vector.broadcast %mul3A_688 : f32 to vector<16xf32>
        %mul3A_690 = arith.mulf %mul3A_689, %div3A_686 : vector<16xf32>
        %div3A_691 = arith.constant 9.000000e+00 : f32
        %div3A_692 = vector.broadcast %div3A_691 : f32 to vector<16xf32>
        %div3A_693 = arith.divf %mul3A_687, %div3A_692 : vector<16xf32>
        %add3A_694 = arith.constant 0.142857149 : f32
        %add3A_695 = vector.broadcast %add3A_694 : f32 to vector<16xf32>
        %add3A_696 = arith.addf %add3A_695, %div3A_693 : vector<16xf32>
        %mul3A_697 = arith.mulf %mul3A_687, %add3A_696 : vector<16xf32>
        %add3A_698 = arith.constant 2.000000e-01 : f32
        %add3A_699 = vector.broadcast %add3A_698 : f32 to vector<16xf32>
        %add3A_700 = arith.addf %add3A_699, %mul3A_697 : vector<16xf32>
        %mul3A_701 = arith.mulf %mul3A_687, %add3A_700 : vector<16xf32>
        %add3A_702 = arith.constant 0.333333343 : f32
        %add3A_703 = vector.broadcast %add3A_702 : f32 to vector<16xf32>
        %add3A_704 = arith.addf %add3A_703, %mul3A_701 : vector<16xf32>
        %mul3A_705 = arith.mulf %mul3A_687, %add3A_704 : vector<16xf32>
        %add3A_706 = arith.constant 1.000000e+00 : f32
        %add3A_707 = vector.broadcast %add3A_706 : f32 to vector<16xf32>
        %add3A_708 = arith.addf %add3A_707, %mul3A_705 : vector<16xf32>
        %mul3A_709 = arith.mulf %mul3A_690, %add3A_708 : vector<16xf32>
        %max3A_710 = arith.constant 0.000000e+00 : f32
        %max3A_711 = vector.broadcast %max3A_710 : f32 to vector<16xf32>
        %max3A_712 = arith.maximumf %scan3A_619#9, %max3A_711 : vector<16xf32>
        %add3A_713 = arith.addf %max3A_712, %mul3A_709 : vector<16xf32>
        %add3A_714 = arith.constant 0.00999999977 : f32
        %add3A_715 = vector.broadcast %add3A_714 : f32 to vector<16xf32>
        %add3A_716 = arith.addf %add3A_713, %add3A_715 : vector<16xf32>
        %abs3A_717 = math.absf %scan3A_619#10 : vector<16xf32>
        %neg3A_718 = arith.constant 0.000000e+00 : f32
        %neg3A_719 = vector.broadcast %neg3A_718 : f32 to vector<16xf32>
        %neg3A_720 = arith.subf %neg3A_719, %abs3A_717 : vector<16xf32>
        %exp3A_721 = math.exp %neg3A_720 : vector<16xf32>
        %add3A_722 = arith.constant 2.000000e+00 : f32
        %add3A_723 = vector.broadcast %add3A_722 : f32 to vector<16xf32>
        %add3A_724 = arith.addf %add3A_723, %exp3A_721 : vector<16xf32>
        %div3A_725 = arith.divf %exp3A_721, %add3A_724 : vector<16xf32>
        %mul3A_726 = arith.mulf %div3A_725, %div3A_725 : vector<16xf32>
        %mul3A_727 = arith.constant 2.000000e+00 : f32
        %mul3A_728 = vector.broadcast %mul3A_727 : f32 to vector<16xf32>
        %mul3A_729 = arith.mulf %mul3A_728, %div3A_725 : vector<16xf32>
        %div3A_730 = arith.constant 9.000000e+00 : f32
        %div3A_731 = vector.broadcast %div3A_730 : f32 to vector<16xf32>
        %div3A_732 = arith.divf %mul3A_726, %div3A_731 : vector<16xf32>
        %add3A_733 = arith.constant 0.142857149 : f32
        %add3A_734 = vector.broadcast %add3A_733 : f32 to vector<16xf32>
        %add3A_735 = arith.addf %add3A_734, %div3A_732 : vector<16xf32>
        %mul3A_736 = arith.mulf %mul3A_726, %add3A_735 : vector<16xf32>
        %add3A_737 = arith.constant 2.000000e-01 : f32
        %add3A_738 = vector.broadcast %add3A_737 : f32 to vector<16xf32>
        %add3A_739 = arith.addf %add3A_738, %mul3A_736 : vector<16xf32>
        %mul3A_740 = arith.mulf %mul3A_726, %add3A_739 : vector<16xf32>
        %add3A_741 = arith.constant 0.333333343 : f32
        %add3A_742 = vector.broadcast %add3A_741 : f32 to vector<16xf32>
        %add3A_743 = arith.addf %add3A_742, %mul3A_740 : vector<16xf32>
        %mul3A_744 = arith.mulf %mul3A_726, %add3A_743 : vector<16xf32>
        %add3A_745 = arith.constant 1.000000e+00 : f32
        %add3A_746 = vector.broadcast %add3A_745 : f32 to vector<16xf32>
        %add3A_747 = arith.addf %add3A_746, %mul3A_744 : vector<16xf32>
        %mul3A_748 = arith.mulf %mul3A_729, %add3A_747 : vector<16xf32>
        %max3A_749 = arith.constant 0.000000e+00 : f32
        %max3A_750 = vector.broadcast %max3A_749 : f32 to vector<16xf32>
        %max3A_751 = arith.maximumf %scan3A_619#10, %max3A_750 : vector<16xf32>
        %add3A_752 = arith.addf %max3A_751, %mul3A_748 : vector<16xf32>
        %add3A_753 = arith.constant 0.00999999977 : f32
        %add3A_754 = vector.broadcast %add3A_753 : f32 to vector<16xf32>
        %add3A_755 = arith.addf %add3A_752, %add3A_754 : vector<16xf32>
        %abs3A_756 = math.absf %scan3A_619#11 : vector<16xf32>
        %neg3A_757 = arith.constant 0.000000e+00 : f32
        %neg3A_758 = vector.broadcast %neg3A_757 : f32 to vector<16xf32>
        %neg3A_759 = arith.subf %neg3A_758, %abs3A_756 : vector<16xf32>
        %exp3A_760 = math.exp %neg3A_759 : vector<16xf32>
        %add3A_761 = arith.constant 2.000000e+00 : f32
        %add3A_762 = vector.broadcast %add3A_761 : f32 to vector<16xf32>
        %add3A_763 = arith.addf %add3A_762, %exp3A_760 : vector<16xf32>
        %div3A_764 = arith.divf %exp3A_760, %add3A_763 : vector<16xf32>
        %mul3A_765 = arith.mulf %div3A_764, %div3A_764 : vector<16xf32>
        %mul3A_766 = arith.constant 2.000000e+00 : f32
        %mul3A_767 = vector.broadcast %mul3A_766 : f32 to vector<16xf32>
        %mul3A_768 = arith.mulf %mul3A_767, %div3A_764 : vector<16xf32>
        %div3A_769 = arith.constant 9.000000e+00 : f32
        %div3A_770 = vector.broadcast %div3A_769 : f32 to vector<16xf32>
        %div3A_771 = arith.divf %mul3A_765, %div3A_770 : vector<16xf32>
        %add3A_772 = arith.constant 0.142857149 : f32
        %add3A_773 = vector.broadcast %add3A_772 : f32 to vector<16xf32>
        %add3A_774 = arith.addf %add3A_773, %div3A_771 : vector<16xf32>
        %mul3A_775 = arith.mulf %mul3A_765, %add3A_774 : vector<16xf32>
        %add3A_776 = arith.constant 2.000000e-01 : f32
        %add3A_777 = vector.broadcast %add3A_776 : f32 to vector<16xf32>
        %add3A_778 = arith.addf %add3A_777, %mul3A_775 : vector<16xf32>
        %mul3A_779 = arith.mulf %mul3A_765, %add3A_778 : vector<16xf32>
        %add3A_780 = arith.constant 0.333333343 : f32
        %add3A_781 = vector.broadcast %add3A_780 : f32 to vector<16xf32>
        %add3A_782 = arith.addf %add3A_781, %mul3A_779 : vector<16xf32>
        %mul3A_783 = arith.mulf %mul3A_765, %add3A_782 : vector<16xf32>
        %add3A_784 = arith.constant 1.000000e+00 : f32
        %add3A_785 = vector.broadcast %add3A_784 : f32 to vector<16xf32>
        %add3A_786 = arith.addf %add3A_785, %mul3A_783 : vector<16xf32>
        %mul3A_787 = arith.mulf %mul3A_768, %add3A_786 : vector<16xf32>
        %max3A_788 = arith.constant 0.000000e+00 : f32
        %max3A_789 = vector.broadcast %max3A_788 : f32 to vector<16xf32>
        %max3A_790 = arith.maximumf %scan3A_619#11, %max3A_789 : vector<16xf32>
        %add3A_791 = arith.addf %max3A_790, %mul3A_787 : vector<16xf32>
        %add3A_792 = arith.constant 0.00999999977 : f32
        %add3A_793 = vector.broadcast %add3A_792 : f32 to vector<16xf32>
        %add3A_794 = arith.addf %add3A_791, %add3A_793 : vector<16xf32>
        %abs3A_795 = math.absf %scan3A_619#12 : vector<16xf32>
        %neg3A_796 = arith.constant 0.000000e+00 : f32
        %neg3A_797 = vector.broadcast %neg3A_796 : f32 to vector<16xf32>
        %neg3A_798 = arith.subf %neg3A_797, %abs3A_795 : vector<16xf32>
        %exp3A_799 = math.exp %neg3A_798 : vector<16xf32>
        %add3A_800 = arith.constant 2.000000e+00 : f32
        %add3A_801 = vector.broadcast %add3A_800 : f32 to vector<16xf32>
        %add3A_802 = arith.addf %add3A_801, %exp3A_799 : vector<16xf32>
        %div3A_803 = arith.divf %exp3A_799, %add3A_802 : vector<16xf32>
        %mul3A_804 = arith.mulf %div3A_803, %div3A_803 : vector<16xf32>
        %mul3A_805 = arith.constant 2.000000e+00 : f32
        %mul3A_806 = vector.broadcast %mul3A_805 : f32 to vector<16xf32>
        %mul3A_807 = arith.mulf %mul3A_806, %div3A_803 : vector<16xf32>
        %div3A_808 = arith.constant 9.000000e+00 : f32
        %div3A_809 = vector.broadcast %div3A_808 : f32 to vector<16xf32>
        %div3A_810 = arith.divf %mul3A_804, %div3A_809 : vector<16xf32>
        %add3A_811 = arith.constant 0.142857149 : f32
        %add3A_812 = vector.broadcast %add3A_811 : f32 to vector<16xf32>
        %add3A_813 = arith.addf %add3A_812, %div3A_810 : vector<16xf32>
        %mul3A_814 = arith.mulf %mul3A_804, %add3A_813 : vector<16xf32>
        %add3A_815 = arith.constant 2.000000e-01 : f32
        %add3A_816 = vector.broadcast %add3A_815 : f32 to vector<16xf32>
        %add3A_817 = arith.addf %add3A_816, %mul3A_814 : vector<16xf32>
        %mul3A_818 = arith.mulf %mul3A_804, %add3A_817 : vector<16xf32>
        %add3A_819 = arith.constant 0.333333343 : f32
        %add3A_820 = vector.broadcast %add3A_819 : f32 to vector<16xf32>
        %add3A_821 = arith.addf %add3A_820, %mul3A_818 : vector<16xf32>
        %mul3A_822 = arith.mulf %mul3A_804, %add3A_821 : vector<16xf32>
        %add3A_823 = arith.constant 1.000000e+00 : f32
        %add3A_824 = vector.broadcast %add3A_823 : f32 to vector<16xf32>
        %add3A_825 = arith.addf %add3A_824, %mul3A_822 : vector<16xf32>
        %mul3A_826 = arith.mulf %mul3A_807, %add3A_825 : vector<16xf32>
        %max3A_827 = arith.constant 0.000000e+00 : f32
        %max3A_828 = vector.broadcast %max3A_827 : f32 to vector<16xf32>
        %max3A_829 = arith.maximumf %scan3A_619#12, %max3A_828 : vector<16xf32>
        %add3A_830 = arith.addf %max3A_829, %mul3A_826 : vector<16xf32>
        %add3A_831 = arith.constant 0.00999999977 : f32
        %add3A_832 = vector.broadcast %add3A_831 : f32 to vector<16xf32>
        %add3A_833 = arith.addf %add3A_830, %add3A_832 : vector<16xf32>
        %abs3A_834 = math.absf %scan3A_619#13 : vector<16xf32>
        %neg3A_835 = arith.constant 0.000000e+00 : f32
        %neg3A_836 = vector.broadcast %neg3A_835 : f32 to vector<16xf32>
        %neg3A_837 = arith.subf %neg3A_836, %abs3A_834 : vector<16xf32>
        %exp3A_838 = math.exp %neg3A_837 : vector<16xf32>
        %add3A_839 = arith.constant 2.000000e+00 : f32
        %add3A_840 = vector.broadcast %add3A_839 : f32 to vector<16xf32>
        %add3A_841 = arith.addf %add3A_840, %exp3A_838 : vector<16xf32>
        %div3A_842 = arith.divf %exp3A_838, %add3A_841 : vector<16xf32>
        %mul3A_843 = arith.mulf %div3A_842, %div3A_842 : vector<16xf32>
        %mul3A_844 = arith.constant 2.000000e+00 : f32
        %mul3A_845 = vector.broadcast %mul3A_844 : f32 to vector<16xf32>
        %mul3A_846 = arith.mulf %mul3A_845, %div3A_842 : vector<16xf32>
        %div3A_847 = arith.constant 9.000000e+00 : f32
        %div3A_848 = vector.broadcast %div3A_847 : f32 to vector<16xf32>
        %div3A_849 = arith.divf %mul3A_843, %div3A_848 : vector<16xf32>
        %add3A_850 = arith.constant 0.142857149 : f32
        %add3A_851 = vector.broadcast %add3A_850 : f32 to vector<16xf32>
        %add3A_852 = arith.addf %add3A_851, %div3A_849 : vector<16xf32>
        %mul3A_853 = arith.mulf %mul3A_843, %add3A_852 : vector<16xf32>
        %add3A_854 = arith.constant 2.000000e-01 : f32
        %add3A_855 = vector.broadcast %add3A_854 : f32 to vector<16xf32>
        %add3A_856 = arith.addf %add3A_855, %mul3A_853 : vector<16xf32>
        %mul3A_857 = arith.mulf %mul3A_843, %add3A_856 : vector<16xf32>
        %add3A_858 = arith.constant 0.333333343 : f32
        %add3A_859 = vector.broadcast %add3A_858 : f32 to vector<16xf32>
        %add3A_860 = arith.addf %add3A_859, %mul3A_857 : vector<16xf32>
        %mul3A_861 = arith.mulf %mul3A_843, %add3A_860 : vector<16xf32>
        %add3A_862 = arith.constant 1.000000e+00 : f32
        %add3A_863 = vector.broadcast %add3A_862 : f32 to vector<16xf32>
        %add3A_864 = arith.addf %add3A_863, %mul3A_861 : vector<16xf32>
        %mul3A_865 = arith.mulf %mul3A_846, %add3A_864 : vector<16xf32>
        %max3A_866 = arith.constant 0.000000e+00 : f32
        %max3A_867 = vector.broadcast %max3A_866 : f32 to vector<16xf32>
        %max3A_868 = arith.maximumf %scan3A_619#13, %max3A_867 : vector<16xf32>
        %add3A_869 = arith.addf %max3A_868, %mul3A_865 : vector<16xf32>
        %add3A_870 = arith.constant 0.00999999977 : f32
        %add3A_871 = vector.broadcast %add3A_870 : f32 to vector<16xf32>
        %add3A_872 = arith.addf %add3A_869, %add3A_871 : vector<16xf32>
        %abs3A_873 = math.absf %scan3A_619#14 : vector<16xf32>
        %neg3A_874 = arith.constant 0.000000e+00 : f32
        %neg3A_875 = vector.broadcast %neg3A_874 : f32 to vector<16xf32>
        %neg3A_876 = arith.subf %neg3A_875, %abs3A_873 : vector<16xf32>
        %exp3A_877 = math.exp %neg3A_876 : vector<16xf32>
        %add3A_878 = arith.constant 2.000000e+00 : f32
        %add3A_879 = vector.broadcast %add3A_878 : f32 to vector<16xf32>
        %add3A_880 = arith.addf %add3A_879, %exp3A_877 : vector<16xf32>
        %div3A_881 = arith.divf %exp3A_877, %add3A_880 : vector<16xf32>
        %mul3A_882 = arith.mulf %div3A_881, %div3A_881 : vector<16xf32>
        %mul3A_883 = arith.constant 2.000000e+00 : f32
        %mul3A_884 = vector.broadcast %mul3A_883 : f32 to vector<16xf32>
        %mul3A_885 = arith.mulf %mul3A_884, %div3A_881 : vector<16xf32>
        %div3A_886 = arith.constant 9.000000e+00 : f32
        %div3A_887 = vector.broadcast %div3A_886 : f32 to vector<16xf32>
        %div3A_888 = arith.divf %mul3A_882, %div3A_887 : vector<16xf32>
        %add3A_889 = arith.constant 0.142857149 : f32
        %add3A_890 = vector.broadcast %add3A_889 : f32 to vector<16xf32>
        %add3A_891 = arith.addf %add3A_890, %div3A_888 : vector<16xf32>
        %mul3A_892 = arith.mulf %mul3A_882, %add3A_891 : vector<16xf32>
        %add3A_893 = arith.constant 2.000000e-01 : f32
        %add3A_894 = vector.broadcast %add3A_893 : f32 to vector<16xf32>
        %add3A_895 = arith.addf %add3A_894, %mul3A_892 : vector<16xf32>
        %mul3A_896 = arith.mulf %mul3A_882, %add3A_895 : vector<16xf32>
        %add3A_897 = arith.constant 0.333333343 : f32
        %add3A_898 = vector.broadcast %add3A_897 : f32 to vector<16xf32>
        %add3A_899 = arith.addf %add3A_898, %mul3A_896 : vector<16xf32>
        %mul3A_900 = arith.mulf %mul3A_882, %add3A_899 : vector<16xf32>
        %add3A_901 = arith.constant 1.000000e+00 : f32
        %add3A_902 = vector.broadcast %add3A_901 : f32 to vector<16xf32>
        %add3A_903 = arith.addf %add3A_902, %mul3A_900 : vector<16xf32>
        %mul3A_904 = arith.mulf %mul3A_885, %add3A_903 : vector<16xf32>
        %max3A_905 = arith.constant 0.000000e+00 : f32
        %max3A_906 = vector.broadcast %max3A_905 : f32 to vector<16xf32>
        %max3A_907 = arith.maximumf %scan3A_619#14, %max3A_906 : vector<16xf32>
        %add3A_908 = arith.addf %max3A_907, %mul3A_904 : vector<16xf32>
        %add3A_909 = arith.constant 0.00999999977 : f32
        %add3A_910 = vector.broadcast %add3A_909 : f32 to vector<16xf32>
        %add3A_911 = arith.addf %add3A_908, %add3A_910 : vector<16xf32>
        %abs3A_912 = math.absf %scan3A_619#15 : vector<16xf32>
        %neg3A_913 = arith.constant 0.000000e+00 : f32
        %neg3A_914 = vector.broadcast %neg3A_913 : f32 to vector<16xf32>
        %neg3A_915 = arith.subf %neg3A_914, %abs3A_912 : vector<16xf32>
        %exp3A_916 = math.exp %neg3A_915 : vector<16xf32>
        %add3A_917 = arith.constant 2.000000e+00 : f32
        %add3A_918 = vector.broadcast %add3A_917 : f32 to vector<16xf32>
        %add3A_919 = arith.addf %add3A_918, %exp3A_916 : vector<16xf32>
        %div3A_920 = arith.divf %exp3A_916, %add3A_919 : vector<16xf32>
        %mul3A_921 = arith.mulf %div3A_920, %div3A_920 : vector<16xf32>
        %mul3A_922 = arith.constant 2.000000e+00 : f32
        %mul3A_923 = vector.broadcast %mul3A_922 : f32 to vector<16xf32>
        %mul3A_924 = arith.mulf %mul3A_923, %div3A_920 : vector<16xf32>
        %div3A_925 = arith.constant 9.000000e+00 : f32
        %div3A_926 = vector.broadcast %div3A_925 : f32 to vector<16xf32>
        %div3A_927 = arith.divf %mul3A_921, %div3A_926 : vector<16xf32>
        %add3A_928 = arith.constant 0.142857149 : f32
        %add3A_929 = vector.broadcast %add3A_928 : f32 to vector<16xf32>
        %add3A_930 = arith.addf %add3A_929, %div3A_927 : vector<16xf32>
        %mul3A_931 = arith.mulf %mul3A_921, %add3A_930 : vector<16xf32>
        %add3A_932 = arith.constant 2.000000e-01 : f32
        %add3A_933 = vector.broadcast %add3A_932 : f32 to vector<16xf32>
        %add3A_934 = arith.addf %add3A_933, %mul3A_931 : vector<16xf32>
        %mul3A_935 = arith.mulf %mul3A_921, %add3A_934 : vector<16xf32>
        %add3A_936 = arith.constant 0.333333343 : f32
        %add3A_937 = vector.broadcast %add3A_936 : f32 to vector<16xf32>
        %add3A_938 = arith.addf %add3A_937, %mul3A_935 : vector<16xf32>
        %mul3A_939 = arith.mulf %mul3A_921, %add3A_938 : vector<16xf32>
        %add3A_940 = arith.constant 1.000000e+00 : f32
        %add3A_941 = vector.broadcast %add3A_940 : f32 to vector<16xf32>
        %add3A_942 = arith.addf %add3A_941, %mul3A_939 : vector<16xf32>
        %mul3A_943 = arith.mulf %mul3A_924, %add3A_942 : vector<16xf32>
        %max3A_944 = arith.constant 0.000000e+00 : f32
        %max3A_945 = vector.broadcast %max3A_944 : f32 to vector<16xf32>
        %max3A_946 = arith.maximumf %scan3A_619#15, %max3A_945 : vector<16xf32>
        %add3A_947 = arith.addf %max3A_946, %mul3A_943 : vector<16xf32>
        %add3A_948 = arith.constant 0.00999999977 : f32
        %add3A_949 = vector.broadcast %add3A_948 : f32 to vector<16xf32>
        %add3A_950 = arith.addf %add3A_947, %add3A_949 : vector<16xf32>
        %mul3A_951 = arith.mulf %gather3A, %add3A_677 : vector<16xf32>
        %add3A_952 = arith.addf %scan3A_619#0, %mul3A_951 : vector<16xf32>
        %mul3A_953 = arith.mulf %gather3A_625, %add3A_716 : vector<16xf32>
        %add3A_954 = arith.addf %scan3A_619#1, %mul3A_953 : vector<16xf32>
        %mul3A_955 = arith.mulf %gather3A_628, %add3A_755 : vector<16xf32>
        %add3A_956 = arith.addf %scan3A_619#2, %mul3A_955 : vector<16xf32>
        %mul3A_957 = arith.mulf %gather3A_631, %add3A_794 : vector<16xf32>
        %add3A_958 = arith.addf %scan3A_619#3, %mul3A_957 : vector<16xf32>
        %mul3A_959 = arith.mulf %gather3A_634, %add3A_833 : vector<16xf32>
        %add3A_960 = arith.addf %scan3A_619#4, %mul3A_959 : vector<16xf32>
        %mul3A_961 = arith.mulf %gather3A_637, %add3A_872 : vector<16xf32>
        %add3A_962 = arith.addf %scan3A_619#5, %mul3A_961 : vector<16xf32>
        %mul3A_963 = arith.mulf %gather3A_640, %add3A_911 : vector<16xf32>
        %add3A_964 = arith.addf %scan3A_619#6, %mul3A_963 : vector<16xf32>
        %mul3A_965 = arith.mulf %gather3A_643, %add3A_950 : vector<16xf32>
        %add3A_966 = arith.addf %scan3A_619#7, %mul3A_965 : vector<16xf32>
        %max3A_967 = arith.maximumf %add3A_952, %add3A_954 : vector<16xf32>
        %max3A_968 = arith.maximumf %max3A_967, %add3A_956 : vector<16xf32>
        %max3A_969 = arith.maximumf %max3A_968, %add3A_958 : vector<16xf32>
        %max3A_970 = arith.maximumf %max3A_969, %add3A_960 : vector<16xf32>
        %max3A_971 = arith.maximumf %max3A_970, %add3A_962 : vector<16xf32>
        %max3A_972 = arith.maximumf %max3A_971, %add3A_964 : vector<16xf32>
        %max3A_973 = arith.maximumf %max3A_972, %add3A_966 : vector<16xf32>
        %eq3A = arith.cmpf oeq, %add3A_952, %max3A_973 : vector<16xf32>
        %eq3A_974 = arith.cmpf oeq, %add3A_954, %max3A_973 : vector<16xf32>
        %not3A = arith.constant dense<true> : vector<16xi1>
        %not3A_975 = arith.xori %eq3A, %not3A : vector<16xi1>
        %and3A = arith.andi %eq3A_974, %not3A_975 : vector<16xi1>
        %or3A = arith.ori %eq3A, %eq3A_974 : vector<16xi1>
        %eq3A_976 = arith.cmpf oeq, %add3A_956, %max3A_973 : vector<16xf32>
        %not3A_977 = arith.constant dense<true> : vector<16xi1>
        %not3A_978 = arith.xori %or3A, %not3A_977 : vector<16xi1>
        %and3A_979 = arith.andi %eq3A_976, %not3A_978 : vector<16xi1>
        %or3A_980 = arith.ori %or3A, %eq3A_976 : vector<16xi1>
        %eq3A_981 = arith.cmpf oeq, %add3A_958, %max3A_973 : vector<16xf32>
        %not3A_982 = arith.constant dense<true> : vector<16xi1>
        %not3A_983 = arith.xori %or3A_980, %not3A_982 : vector<16xi1>
        %and3A_984 = arith.andi %eq3A_981, %not3A_983 : vector<16xi1>
        %or3A_985 = arith.ori %or3A_980, %eq3A_981 : vector<16xi1>
        %eq3A_986 = arith.cmpf oeq, %add3A_960, %max3A_973 : vector<16xf32>
        %not3A_987 = arith.constant dense<true> : vector<16xi1>
        %not3A_988 = arith.xori %or3A_985, %not3A_987 : vector<16xi1>
        %and3A_989 = arith.andi %eq3A_986, %not3A_988 : vector<16xi1>
        %or3A_990 = arith.ori %or3A_985, %eq3A_986 : vector<16xi1>
        %eq3A_991 = arith.cmpf oeq, %add3A_962, %max3A_973 : vector<16xf32>
        %not3A_992 = arith.constant dense<true> : vector<16xi1>
        %not3A_993 = arith.xori %or3A_990, %not3A_992 : vector<16xi1>
        %and3A_994 = arith.andi %eq3A_991, %not3A_993 : vector<16xi1>
        %or3A_995 = arith.ori %or3A_990, %eq3A_991 : vector<16xi1>
        %eq3A_996 = arith.cmpf oeq, %add3A_964, %max3A_973 : vector<16xf32>
        %not3A_997 = arith.constant dense<true> : vector<16xi1>
        %not3A_998 = arith.xori %or3A_995, %not3A_997 : vector<16xi1>
        %and3A_999 = arith.andi %eq3A_996, %not3A_998 : vector<16xi1>
        %or3A_1000 = arith.ori %or3A_995, %eq3A_996 : vector<16xi1>
        %eq3A_1001 = arith.cmpf oeq, %add3A_966, %max3A_973 : vector<16xf32>
        %not3A_1002 = arith.constant dense<true> : vector<16xi1>
        %not3A_1003 = arith.xori %or3A_1000, %not3A_1002 : vector<16xi1>
        %and3A_1004 = arith.andi %eq3A_1001, %not3A_1003 : vector<16xi1>
        %or3A_1005 = arith.ori %or3A_1000, %eq3A_1001 : vector<16xi1>
        %jit3A = arith.constant -1.000000e+30 : f32
        %broadcast_in_dim3A_1006 = vector.broadcast %jit3A : f32 to vector<16xf32>
        %select_n3A_1007 = arith.select %eq3A, %broadcast_in_dim3A_1006, %add3A_952 : vector<16xi1>, vector<16xf32>
        %jit3A_1008 = arith.constant -1.000000e+30 : f32
        %broadcast_in_dim3A_1009 = vector.broadcast %jit3A_1008 : f32 to vector<16xf32>
        %select_n3A_1010 = arith.select %and3A, %broadcast_in_dim3A_1009, %add3A_954 : vector<16xi1>, vector<16xf32>
        %jit3A_1011 = arith.constant -1.000000e+30 : f32
        %broadcast_in_dim3A_1012 = vector.broadcast %jit3A_1011 : f32 to vector<16xf32>
        %select_n3A_1013 = arith.select %and3A_979, %broadcast_in_dim3A_1012, %add3A_956 : vector<16xi1>, vector<16xf32>
        %jit3A_1014 = arith.constant -1.000000e+30 : f32
        %broadcast_in_dim3A_1015 = vector.broadcast %jit3A_1014 : f32 to vector<16xf32>
        %select_n3A_1016 = arith.select %and3A_984, %broadcast_in_dim3A_1015, %add3A_958 : vector<16xi1>, vector<16xf32>
        %jit3A_1017 = arith.constant -1.000000e+30 : f32
        %broadcast_in_dim3A_1018 = vector.broadcast %jit3A_1017 : f32 to vector<16xf32>
        %select_n3A_1019 = arith.select %and3A_989, %broadcast_in_dim3A_1018, %add3A_960 : vector<16xi1>, vector<16xf32>
        %jit3A_1020 = arith.constant -1.000000e+30 : f32
        %broadcast_in_dim3A_1021 = vector.broadcast %jit3A_1020 : f32 to vector<16xf32>
        %select_n3A_1022 = arith.select %and3A_994, %broadcast_in_dim3A_1021, %add3A_962 : vector<16xi1>, vector<16xf32>
        %jit3A_1023 = arith.constant -1.000000e+30 : f32
        %broadcast_in_dim3A_1024 = vector.broadcast %jit3A_1023 : f32 to vector<16xf32>
        %select_n3A_1025 = arith.select %and3A_999, %broadcast_in_dim3A_1024, %add3A_964 : vector<16xi1>, vector<16xf32>
        %jit3A_1026 = arith.constant -1.000000e+30 : f32
        %broadcast_in_dim3A_1027 = vector.broadcast %jit3A_1026 : f32 to vector<16xf32>
        %select_n3A_1028 = arith.select %and3A_1004, %broadcast_in_dim3A_1027, %add3A_966 : vector<16xi1>, vector<16xf32>
        %max3A_1029 = arith.maximumf %select_n3A_1007, %select_n3A_1010 : vector<16xf32>
        %max3A_1030 = arith.maximumf %max3A_1029, %select_n3A_1013 : vector<16xf32>
        %max3A_1031 = arith.maximumf %max3A_1030, %select_n3A_1016 : vector<16xf32>
        %max3A_1032 = arith.maximumf %max3A_1031, %select_n3A_1019 : vector<16xf32>
        %max3A_1033 = arith.maximumf %max3A_1032, %select_n3A_1022 : vector<16xf32>
        %max3A_1034 = arith.maximumf %max3A_1033, %select_n3A_1025 : vector<16xf32>
        %max3A_1035 = arith.maximumf %max3A_1034, %select_n3A_1028 : vector<16xf32>
        %eq3A_1036 = arith.cmpf oeq, %select_n3A_1007, %max3A_1035 : vector<16xf32>
        %eq3A_1037 = arith.cmpf oeq, %select_n3A_1010, %max3A_1035 : vector<16xf32>
        %not3A_1038 = arith.constant dense<true> : vector<16xi1>
        %not3A_1039 = arith.xori %eq3A_1036, %not3A_1038 : vector<16xi1>
        %and3A_1040 = arith.andi %eq3A_1037, %not3A_1039 : vector<16xi1>
        %or3A_1041 = arith.ori %eq3A_1036, %eq3A_1037 : vector<16xi1>
        %eq3A_1042 = arith.cmpf oeq, %select_n3A_1013, %max3A_1035 : vector<16xf32>
        %not3A_1043 = arith.constant dense<true> : vector<16xi1>
        %not3A_1044 = arith.xori %or3A_1041, %not3A_1043 : vector<16xi1>
        %and3A_1045 = arith.andi %eq3A_1042, %not3A_1044 : vector<16xi1>
        %or3A_1046 = arith.ori %or3A_1041, %eq3A_1042 : vector<16xi1>
        %eq3A_1047 = arith.cmpf oeq, %select_n3A_1016, %max3A_1035 : vector<16xf32>
        %not3A_1048 = arith.constant dense<true> : vector<16xi1>
        %not3A_1049 = arith.xori %or3A_1046, %not3A_1048 : vector<16xi1>
        %and3A_1050 = arith.andi %eq3A_1047, %not3A_1049 : vector<16xi1>
        %or3A_1051 = arith.ori %or3A_1046, %eq3A_1047 : vector<16xi1>
        %eq3A_1052 = arith.cmpf oeq, %select_n3A_1019, %max3A_1035 : vector<16xf32>
        %not3A_1053 = arith.constant dense<true> : vector<16xi1>
        %not3A_1054 = arith.xori %or3A_1051, %not3A_1053 : vector<16xi1>
        %and3A_1055 = arith.andi %eq3A_1052, %not3A_1054 : vector<16xi1>
        %or3A_1056 = arith.ori %or3A_1051, %eq3A_1052 : vector<16xi1>
        %eq3A_1057 = arith.cmpf oeq, %select_n3A_1022, %max3A_1035 : vector<16xf32>
        %not3A_1058 = arith.constant dense<true> : vector<16xi1>
        %not3A_1059 = arith.xori %or3A_1056, %not3A_1058 : vector<16xi1>
        %and3A_1060 = arith.andi %eq3A_1057, %not3A_1059 : vector<16xi1>
        %or3A_1061 = arith.ori %or3A_1056, %eq3A_1057 : vector<16xi1>
        %eq3A_1062 = arith.cmpf oeq, %select_n3A_1025, %max3A_1035 : vector<16xf32>
        %not3A_1063 = arith.constant dense<true> : vector<16xi1>
        %not3A_1064 = arith.xori %or3A_1061, %not3A_1063 : vector<16xi1>
        %and3A_1065 = arith.andi %eq3A_1062, %not3A_1064 : vector<16xi1>
        %or3A_1066 = arith.ori %or3A_1061, %eq3A_1062 : vector<16xi1>
        %eq3A_1067 = arith.cmpf oeq, %select_n3A_1028, %max3A_1035 : vector<16xf32>
        %not3A_1068 = arith.constant dense<true> : vector<16xi1>
        %not3A_1069 = arith.xori %or3A_1066, %not3A_1068 : vector<16xi1>
        %and3A_1070 = arith.andi %eq3A_1067, %not3A_1069 : vector<16xi1>
        %or3A_1071 = arith.ori %or3A_1066, %eq3A_1067 : vector<16xi1>
        %jit3A_1072 = arith.constant -1.000000e+30 : f32
        %broadcast_in_dim3A_1073 = vector.broadcast %jit3A_1072 : f32 to vector<16xf32>
        %select_n3A_1074 = arith.select %eq3A_1036, %broadcast_in_dim3A_1073, %select_n3A_1007 : vector<16xi1>, vector<16xf32>
        %jit3A_1075 = arith.constant -1.000000e+30 : f32
        %broadcast_in_dim3A_1076 = vector.broadcast %jit3A_1075 : f32 to vector<16xf32>
        %select_n3A_1077 = arith.select %and3A_1040, %broadcast_in_dim3A_1076, %select_n3A_1010 : vector<16xi1>, vector<16xf32>
        %jit3A_1078 = arith.constant -1.000000e+30 : f32
        %broadcast_in_dim3A_1079 = vector.broadcast %jit3A_1078 : f32 to vector<16xf32>
        %select_n3A_1080 = arith.select %and3A_1045, %broadcast_in_dim3A_1079, %select_n3A_1013 : vector<16xi1>, vector<16xf32>
        %jit3A_1081 = arith.constant -1.000000e+30 : f32
        %broadcast_in_dim3A_1082 = vector.broadcast %jit3A_1081 : f32 to vector<16xf32>
        %select_n3A_1083 = arith.select %and3A_1050, %broadcast_in_dim3A_1082, %select_n3A_1016 : vector<16xi1>, vector<16xf32>
        %jit3A_1084 = arith.constant -1.000000e+30 : f32
        %broadcast_in_dim3A_1085 = vector.broadcast %jit3A_1084 : f32 to vector<16xf32>
        %select_n3A_1086 = arith.select %and3A_1055, %broadcast_in_dim3A_1085, %select_n3A_1019 : vector<16xi1>, vector<16xf32>
        %jit3A_1087 = arith.constant -1.000000e+30 : f32
        %broadcast_in_dim3A_1088 = vector.broadcast %jit3A_1087 : f32 to vector<16xf32>
        %select_n3A_1089 = arith.select %and3A_1060, %broadcast_in_dim3A_1088, %select_n3A_1022 : vector<16xi1>, vector<16xf32>
        %jit3A_1090 = arith.constant -1.000000e+30 : f32
        %broadcast_in_dim3A_1091 = vector.broadcast %jit3A_1090 : f32 to vector<16xf32>
        %select_n3A_1092 = arith.select %and3A_1065, %broadcast_in_dim3A_1091, %select_n3A_1025 : vector<16xi1>, vector<16xf32>
        %jit3A_1093 = arith.constant -1.000000e+30 : f32
        %broadcast_in_dim3A_1094 = vector.broadcast %jit3A_1093 : f32 to vector<16xf32>
        %select_n3A_1095 = arith.select %and3A_1070, %broadcast_in_dim3A_1094, %select_n3A_1028 : vector<16xi1>, vector<16xf32>
        %max3A_1096 = arith.maximumf %select_n3A_1074, %select_n3A_1077 : vector<16xf32>
        %max3A_1097 = arith.maximumf %max3A_1096, %select_n3A_1080 : vector<16xf32>
        %max3A_1098 = arith.maximumf %max3A_1097, %select_n3A_1083 : vector<16xf32>
        %max3A_1099 = arith.maximumf %max3A_1098, %select_n3A_1086 : vector<16xf32>
        %max3A_1100 = arith.maximumf %max3A_1099, %select_n3A_1089 : vector<16xf32>
        %max3A_1101 = arith.maximumf %max3A_1100, %select_n3A_1092 : vector<16xf32>
        %max3A_1102 = arith.maximumf %max3A_1101, %select_n3A_1095 : vector<16xf32>
        %sub3A_1103 = arith.subf %max3A_1035, %max3A_973 : vector<16xf32>
        %exp3A_1104 = math.exp %sub3A_1103 : vector<16xf32>
        %add3A_1105 = arith.constant 1.000000e+00 : f32
        %add3A_1106 = vector.broadcast %add3A_1105 : f32 to vector<16xf32>
        %add3A_1107 = arith.addf %add3A_1106, %exp3A_1104 : vector<16xf32>
        %div3A_1108 = arith.constant 1.000000e+00 : f32
        %div3A_1109 = vector.broadcast %div3A_1108 : f32 to vector<16xf32>
        %div3A_1110 = arith.divf %div3A_1109, %add3A_1107 : vector<16xf32>
        %div3A_1111 = arith.divf %exp3A_1104, %add3A_1107 : vector<16xf32>
        %broadcast_in_dim3A_1112 = arith.constant 0.000000e+00 : f32
        %broadcast_in_dim3A_1113 = vector.broadcast %broadcast_in_dim3A_1112 : f32 to vector<16xf32>
        %select_n3A_1114 = arith.select %eq3A, %div3A_1110, %broadcast_in_dim3A_1113 : vector<16xi1>, vector<16xf32>
        %select_n3A_1115 = arith.select %eq3A_1036, %div3A_1111, %broadcast_in_dim3A_1113 : vector<16xi1>, vector<16xf32>
        %add3A_1116 = arith.addf %select_n3A_1114, %select_n3A_1115 : vector<16xf32>
        %select_n3A_1117 = arith.select %and3A, %div3A_1110, %broadcast_in_dim3A_1113 : vector<16xi1>, vector<16xf32>
        %select_n3A_1118 = arith.select %and3A_1040, %div3A_1111, %broadcast_in_dim3A_1113 : vector<16xi1>, vector<16xf32>
        %add3A_1119 = arith.addf %select_n3A_1117, %select_n3A_1118 : vector<16xf32>
        %select_n3A_1120 = arith.select %and3A_979, %div3A_1110, %broadcast_in_dim3A_1113 : vector<16xi1>, vector<16xf32>
        %select_n3A_1121 = arith.select %and3A_1045, %div3A_1111, %broadcast_in_dim3A_1113 : vector<16xi1>, vector<16xf32>
        %add3A_1122 = arith.addf %select_n3A_1120, %select_n3A_1121 : vector<16xf32>
        %select_n3A_1123 = arith.select %and3A_984, %div3A_1110, %broadcast_in_dim3A_1113 : vector<16xi1>, vector<16xf32>
        %select_n3A_1124 = arith.select %and3A_1050, %div3A_1111, %broadcast_in_dim3A_1113 : vector<16xi1>, vector<16xf32>
        %add3A_1125 = arith.addf %select_n3A_1123, %select_n3A_1124 : vector<16xf32>
        %select_n3A_1126 = arith.select %and3A_989, %div3A_1110, %broadcast_in_dim3A_1113 : vector<16xi1>, vector<16xf32>
        %select_n3A_1127 = arith.select %and3A_1055, %div3A_1111, %broadcast_in_dim3A_1113 : vector<16xi1>, vector<16xf32>
        %add3A_1128 = arith.addf %select_n3A_1126, %select_n3A_1127 : vector<16xf32>
        %select_n3A_1129 = arith.select %and3A_994, %div3A_1110, %broadcast_in_dim3A_1113 : vector<16xi1>, vector<16xf32>
        %select_n3A_1130 = arith.select %and3A_1060, %div3A_1111, %broadcast_in_dim3A_1113 : vector<16xi1>, vector<16xf32>
        %add3A_1131 = arith.addf %select_n3A_1129, %select_n3A_1130 : vector<16xf32>
        %select_n3A_1132 = arith.select %and3A_999, %div3A_1110, %broadcast_in_dim3A_1113 : vector<16xi1>, vector<16xf32>
        %select_n3A_1133 = arith.select %and3A_1065, %div3A_1111, %broadcast_in_dim3A_1113 : vector<16xi1>, vector<16xf32>
        %add3A_1134 = arith.addf %select_n3A_1132, %select_n3A_1133 : vector<16xf32>
        %select_n3A_1135 = arith.select %and3A_1004, %div3A_1110, %broadcast_in_dim3A_1113 : vector<16xi1>, vector<16xf32>
        %select_n3A_1136 = arith.select %and3A_1070, %div3A_1111, %broadcast_in_dim3A_1113 : vector<16xi1>, vector<16xf32>
        %add3A_1137 = arith.addf %select_n3A_1135, %select_n3A_1136 : vector<16xf32>
        %get3A_1138 = arith.constant 0 : i32
        %get3A_1139 = arith.index_cast %get3A_1138 : i32 to index
        %get3A_1140 = arith.constant 0 : index
        %get3A_1141 = tpu.vector_load %arg13[%get3A_1139, %get3A_1140] {strides = array<i32>} : memref<8x16xf32, #tpu.memory_space<vmem>>, vector<16xf32>,
        %add3A_1142 = arith.addf %get3A_1141, %add3A_1116 : vector<16xf32>
        %swap3A_1143 = arith.constant 0 : i32
        %swap3A_1144 = arith.index_cast %swap3A_1143 : i32 to index
        %swap3A_1145 = arith.constant 0 : index
        %swap3A_1146 = tpu.vector_load %arg13[%swap3A_1144, %swap3A_1145] {strides = array<i32>} : memref<8x16xf32, #tpu.memory_space<vmem>>, vector<16xf32>,
        tpu.vector_store %arg13[%swap3A_1144, %swap3A_1145], %add3A_1142 {strides = array<i32>} : memref<8x16xf32, #tpu.memory_space<vmem>>, vector<16xf32>,
        %gt3A = arith.cmpf ogt, %add3A_952, %max3A_1102 : vector<16xf32>
        %select_n3A_1147 = arith.select %gt3A, %max3A_1102, %max3A_1035 : vector<16xi1>, vector<16xf32>
        %sub3A_1148 = arith.subf %scan3A_619#0, %select_n3A_1147 : vector<16xf32>
        %div3A_1149 = arith.divf %sub3A_1148, %add3A_677 : vector<16xf32>
        %abs3A_1150 = math.absf %div3A_1149 : vector<16xf32>
        %mul3A_1151 = arith.constant 0.707106769 : f32
        %mul3A_1152 = vector.broadcast %mul3A_1151 : f32 to vector<16xf32>
        %mul3A_1153 = arith.mulf %abs3A_1150, %mul3A_1152 : vector<16xf32>
        %mul3A_1154 = arith.constant 0.327591091 : f32
        %mul3A_1155 = vector.broadcast %mul3A_1154 : f32 to vector<16xf32>
        %mul3A_1156 = arith.mulf %mul3A_1155, %mul3A_1153 : vector<16xf32>
        %add3A_1157 = arith.constant 1.000000e+00 : f32
        %add3A_1158 = vector.broadcast %add3A_1157 : f32 to vector<16xf32>
        %add3A_1159 = arith.addf %add3A_1158, %mul3A_1156 : vector<16xf32>
        %div3A_1160 = arith.constant 1.000000e+00 : f32
        %div3A_1161 = vector.broadcast %div3A_1160 : f32 to vector<16xf32>
        %div3A_1162 = arith.divf %div3A_1161, %add3A_1159 : vector<16xf32>
        %mul3A_1163 = arith.constant 1.06140542 : f32
        %mul3A_1164 = vector.broadcast %mul3A_1163 : f32 to vector<16xf32>
        %mul3A_1165 = arith.mulf %div3A_1162, %mul3A_1164 : vector<16xf32>
        %add3A_1166 = arith.constant -1.45315206 : f32
        %add3A_1167 = vector.broadcast %add3A_1166 : f32 to vector<16xf32>
        %add3A_1168 = arith.addf %add3A_1167, %mul3A_1165 : vector<16xf32>
        %mul3A_1169 = arith.mulf %div3A_1162, %add3A_1168 : vector<16xf32>
        %add3A_1170 = arith.constant 1.42141378 : f32
        %add3A_1171 = vector.broadcast %add3A_1170 : f32 to vector<16xf32>
        %add3A_1172 = arith.addf %add3A_1171, %mul3A_1169 : vector<16xf32>
        %mul3A_1173 = arith.mulf %div3A_1162, %add3A_1172 : vector<16xf32>
        %add3A_1174 = arith.constant -0.284496725 : f32
        %add3A_1175 = vector.broadcast %add3A_1174 : f32 to vector<16xf32>
        %add3A_1176 = arith.addf %add3A_1175, %mul3A_1173 : vector<16xf32>
        %mul3A_1177 = arith.mulf %div3A_1162, %add3A_1176 : vector<16xf32>
        %add3A_1178 = arith.constant 0.254829586 : f32
        %add3A_1179 = vector.broadcast %add3A_1178 : f32 to vector<16xf32>
        %add3A_1180 = arith.addf %add3A_1179, %mul3A_1177 : vector<16xf32>
        %mul3A_1181 = arith.mulf %div3A_1162, %add3A_1180 : vector<16xf32>
        %neg3A_1182 = arith.constant 0.000000e+00 : f32
        %neg3A_1183 = vector.broadcast %neg3A_1182 : f32 to vector<16xf32>
        %neg3A_1184 = arith.subf %neg3A_1183, %mul3A_1153 : vector<16xf32>
        %mul3A_1185 = arith.mulf %neg3A_1184, %mul3A_1153 : vector<16xf32>
        %exp3A_1186 = math.exp %mul3A_1185 : vector<16xf32>
        %mul3A_1187 = arith.mulf %mul3A_1181, %exp3A_1186 : vector<16xf32>
        %sub3A_1188 = arith.constant 1.000000e+00 : f32
        %sub3A_1189 = vector.broadcast %sub3A_1188 : f32 to vector<16xf32>
        %sub3A_1190 = arith.subf %sub3A_1189, %mul3A_1187 : vector<16xf32>
        %lt3A = arith.constant 0.000000e+00 : f32
        %lt3A_1191 = vector.broadcast %lt3A : f32 to vector<16xf32>
        %lt3A_1192 = arith.cmpf olt, %div3A_1149, %lt3A_1191 : vector<16xf32>
        %neg3A_1193 = arith.constant 0.000000e+00 : f32
        %neg3A_1194 = vector.broadcast %neg3A_1193 : f32 to vector<16xf32>
        %neg3A_1195 = arith.subf %neg3A_1194, %sub3A_1190 : vector<16xf32>
        %select_n3A_1196 = arith.select %lt3A_1192, %neg3A_1195, %sub3A_1190 : vector<16xi1>, vector<16xf32>
        %add3A_1197 = arith.constant 1.000000e+00 : f32
        %add3A_1198 = vector.broadcast %add3A_1197 : f32 to vector<16xf32>
        %add3A_1199 = arith.addf %add3A_1198, %select_n3A_1196 : vector<16xf32>
        %mul3A_1200 = arith.constant 5.000000e-01 : f32
        %mul3A_1201 = vector.broadcast %mul3A_1200 : f32 to vector<16xf32>
        %mul3A_1202 = arith.mulf %mul3A_1201, %add3A_1199 : vector<16xf32>
        %get3A_1203 = arith.constant 0 : i32
        %get3A_1204 = arith.index_cast %get3A_1203 : i32 to index
        %get3A_1205 = arith.constant 0 : index
        %get3A_1206 = tpu.vector_load %arg14[%get3A_1204, %get3A_1205] {strides = array<i32>} : memref<8x16xf32, #tpu.memory_space<vmem>>, vector<16xf32>,
        %add3A_1207 = arith.addf %get3A_1206, %mul3A_1202 : vector<16xf32>
        %swap3A_1208 = arith.constant 0 : i32
        %swap3A_1209 = arith.index_cast %swap3A_1208 : i32 to index
        %swap3A_1210 = arith.constant 0 : index
        %swap3A_1211 = tpu.vector_load %arg14[%swap3A_1209, %swap3A_1210] {strides = array<i32>} : memref<8x16xf32, #tpu.memory_space<vmem>>, vector<16xf32>,
        tpu.vector_store %arg14[%swap3A_1209, %swap3A_1210], %add3A_1207 {strides = array<i32>} : memref<8x16xf32, #tpu.memory_space<vmem>>, vector<16xf32>,
        %get3A_1212 = arith.constant 1 : i32
        %get3A_1213 = arith.index_cast %get3A_1212 : i32 to index
        %get3A_1214 = arith.constant 0 : index
        %get3A_1215 = tpu.vector_load %arg13[%get3A_1213, %get3A_1214] {strides = array<i32>} : memref<8x16xf32, #tpu.memory_space<vmem>>, vector<16xf32>,
        %add3A_1216 = arith.addf %get3A_1215, %add3A_1119 : vector<16xf32>
        %swap3A_1217 = arith.constant 1 : i32
        %swap3A_1218 = arith.index_cast %swap3A_1217 : i32 to index
        %swap3A_1219 = arith.constant 0 : index
        %swap3A_1220 = tpu.vector_load %arg13[%swap3A_1218, %swap3A_1219] {strides = array<i32>} : memref<8x16xf32, #tpu.memory_space<vmem>>, vector<16xf32>,
        tpu.vector_store %arg13[%swap3A_1218, %swap3A_1219], %add3A_1216 {strides = array<i32>} : memref<8x16xf32, #tpu.memory_space<vmem>>, vector<16xf32>,
        %gt3A_1221 = arith.cmpf ogt, %add3A_954, %max3A_1102 : vector<16xf32>
        %select_n3A_1222 = arith.select %gt3A_1221, %max3A_1102, %max3A_1035 : vector<16xi1>, vector<16xf32>
        %sub3A_1223 = arith.subf %scan3A_619#1, %select_n3A_1222 : vector<16xf32>
        %div3A_1224 = arith.divf %sub3A_1223, %add3A_716 : vector<16xf32>
        %abs3A_1225 = math.absf %div3A_1224 : vector<16xf32>
        %mul3A_1226 = arith.constant 0.707106769 : f32
        %mul3A_1227 = vector.broadcast %mul3A_1226 : f32 to vector<16xf32>
        %mul3A_1228 = arith.mulf %abs3A_1225, %mul3A_1227 : vector<16xf32>
        %mul3A_1229 = arith.constant 0.327591091 : f32
        %mul3A_1230 = vector.broadcast %mul3A_1229 : f32 to vector<16xf32>
        %mul3A_1231 = arith.mulf %mul3A_1230, %mul3A_1228 : vector<16xf32>
        %add3A_1232 = arith.constant 1.000000e+00 : f32
        %add3A_1233 = vector.broadcast %add3A_1232 : f32 to vector<16xf32>
        %add3A_1234 = arith.addf %add3A_1233, %mul3A_1231 : vector<16xf32>
        %div3A_1235 = arith.constant 1.000000e+00 : f32
        %div3A_1236 = vector.broadcast %div3A_1235 : f32 to vector<16xf32>
        %div3A_1237 = arith.divf %div3A_1236, %add3A_1234 : vector<16xf32>
        %mul3A_1238 = arith.constant 1.06140542 : f32
        %mul3A_1239 = vector.broadcast %mul3A_1238 : f32 to vector<16xf32>
        %mul3A_1240 = arith.mulf %div3A_1237, %mul3A_1239 : vector<16xf32>
        %add3A_1241 = arith.constant -1.45315206 : f32
        %add3A_1242 = vector.broadcast %add3A_1241 : f32 to vector<16xf32>
        %add3A_1243 = arith.addf %add3A_1242, %mul3A_1240 : vector<16xf32>
        %mul3A_1244 = arith.mulf %div3A_1237, %add3A_1243 : vector<16xf32>
        %add3A_1245 = arith.constant 1.42141378 : f32
        %add3A_1246 = vector.broadcast %add3A_1245 : f32 to vector<16xf32>
        %add3A_1247 = arith.addf %add3A_1246, %mul3A_1244 : vector<16xf32>
        %mul3A_1248 = arith.mulf %div3A_1237, %add3A_1247 : vector<16xf32>
        %add3A_1249 = arith.constant -0.284496725 : f32
        %add3A_1250 = vector.broadcast %add3A_1249 : f32 to vector<16xf32>
        %add3A_1251 = arith.addf %add3A_1250, %mul3A_1248 : vector<16xf32>
        %mul3A_1252 = arith.mulf %div3A_1237, %add3A_1251 : vector<16xf32>
        %add3A_1253 = arith.constant 0.254829586 : f32
        %add3A_1254 = vector.broadcast %add3A_1253 : f32 to vector<16xf32>
        %add3A_1255 = arith.addf %add3A_1254, %mul3A_1252 : vector<16xf32>
        %mul3A_1256 = arith.mulf %div3A_1237, %add3A_1255 : vector<16xf32>
        %neg3A_1257 = arith.constant 0.000000e+00 : f32
        %neg3A_1258 = vector.broadcast %neg3A_1257 : f32 to vector<16xf32>
        %neg3A_1259 = arith.subf %neg3A_1258, %mul3A_1228 : vector<16xf32>
        %mul3A_1260 = arith.mulf %neg3A_1259, %mul3A_1228 : vector<16xf32>
        %exp3A_1261 = math.exp %mul3A_1260 : vector<16xf32>
        %mul3A_1262 = arith.mulf %mul3A_1256, %exp3A_1261 : vector<16xf32>
        %sub3A_1263 = arith.constant 1.000000e+00 : f32
        %sub3A_1264 = vector.broadcast %sub3A_1263 : f32 to vector<16xf32>
        %sub3A_1265 = arith.subf %sub3A_1264, %mul3A_1262 : vector<16xf32>
        %lt3A_1266 = arith.constant 0.000000e+00 : f32
        %lt3A_1267 = vector.broadcast %lt3A_1266 : f32 to vector<16xf32>
        %lt3A_1268 = arith.cmpf olt, %div3A_1224, %lt3A_1267 : vector<16xf32>
        %neg3A_1269 = arith.constant 0.000000e+00 : f32
        %neg3A_1270 = vector.broadcast %neg3A_1269 : f32 to vector<16xf32>
        %neg3A_1271 = arith.subf %neg3A_1270, %sub3A_1265 : vector<16xf32>
        %select_n3A_1272 = arith.select %lt3A_1268, %neg3A_1271, %sub3A_1265 : vector<16xi1>, vector<16xf32>
        %add3A_1273 = arith.constant 1.000000e+00 : f32
        %add3A_1274 = vector.broadcast %add3A_1273 : f32 to vector<16xf32>
        %add3A_1275 = arith.addf %add3A_1274, %select_n3A_1272 : vector<16xf32>
        %mul3A_1276 = arith.constant 5.000000e-01 : f32
        %mul3A_1277 = vector.broadcast %mul3A_1276 : f32 to vector<16xf32>
        %mul3A_1278 = arith.mulf %mul3A_1277, %add3A_1275 : vector<16xf32>
        %get3A_1279 = arith.constant 1 : i32
        %get3A_1280 = arith.index_cast %get3A_1279 : i32 to index
        %get3A_1281 = arith.constant 0 : index
        %get3A_1282 = tpu.vector_load %arg14[%get3A_1280, %get3A_1281] {strides = array<i32>} : memref<8x16xf32, #tpu.memory_space<vmem>>, vector<16xf32>,
        %add3A_1283 = arith.addf %get3A_1282, %mul3A_1278 : vector<16xf32>
        %swap3A_1284 = arith.constant 1 : i32
        %swap3A_1285 = arith.index_cast %swap3A_1284 : i32 to index
        %swap3A_1286 = arith.constant 0 : index
        %swap3A_1287 = tpu.vector_load %arg14[%swap3A_1285, %swap3A_1286] {strides = array<i32>} : memref<8x16xf32, #tpu.memory_space<vmem>>, vector<16xf32>,
        tpu.vector_store %arg14[%swap3A_1285, %swap3A_1286], %add3A_1283 {strides = array<i32>} : memref<8x16xf32, #tpu.memory_space<vmem>>, vector<16xf32>,
        %get3A_1288 = arith.constant 2 : i32
        %get3A_1289 = arith.index_cast %get3A_1288 : i32 to index
        %get3A_1290 = arith.constant 0 : index
        %get3A_1291 = tpu.vector_load %arg13[%get3A_1289, %get3A_1290] {strides = array<i32>} : memref<8x16xf32, #tpu.memory_space<vmem>>, vector<16xf32>,
        %add3A_1292 = arith.addf %get3A_1291, %add3A_1122 : vector<16xf32>
        %swap3A_1293 = arith.constant 2 : i32
        %swap3A_1294 = arith.index_cast %swap3A_1293 : i32 to index
        %swap3A_1295 = arith.constant 0 : index
        %swap3A_1296 = tpu.vector_load %arg13[%swap3A_1294, %swap3A_1295] {strides = array<i32>} : memref<8x16xf32, #tpu.memory_space<vmem>>, vector<16xf32>,
        tpu.vector_store %arg13[%swap3A_1294, %swap3A_1295], %add3A_1292 {strides = array<i32>} : memref<8x16xf32, #tpu.memory_space<vmem>>, vector<16xf32>,
        %gt3A_1297 = arith.cmpf ogt, %add3A_956, %max3A_1102 : vector<16xf32>
        %select_n3A_1298 = arith.select %gt3A_1297, %max3A_1102, %max3A_1035 : vector<16xi1>, vector<16xf32>
        %sub3A_1299 = arith.subf %scan3A_619#2, %select_n3A_1298 : vector<16xf32>
        %div3A_1300 = arith.divf %sub3A_1299, %add3A_755 : vector<16xf32>
        %abs3A_1301 = math.absf %div3A_1300 : vector<16xf32>
        %mul3A_1302 = arith.constant 0.707106769 : f32
        %mul3A_1303 = vector.broadcast %mul3A_1302 : f32 to vector<16xf32>
        %mul3A_1304 = arith.mulf %abs3A_1301, %mul3A_1303 : vector<16xf32>
        %mul3A_1305 = arith.constant 0.327591091 : f32
        %mul3A_1306 = vector.broadcast %mul3A_1305 : f32 to vector<16xf32>
        %mul3A_1307 = arith.mulf %mul3A_1306, %mul3A_1304 : vector<16xf32>
        %add3A_1308 = arith.constant 1.000000e+00 : f32
        %add3A_1309 = vector.broadcast %add3A_1308 : f32 to vector<16xf32>
        %add3A_1310 = arith.addf %add3A_1309, %mul3A_1307 : vector<16xf32>
        %div3A_1311 = arith.constant 1.000000e+00 : f32
        %div3A_1312 = vector.broadcast %div3A_1311 : f32 to vector<16xf32>
        %div3A_1313 = arith.divf %div3A_1312, %add3A_1310 : vector<16xf32>
        %mul3A_1314 = arith.constant 1.06140542 : f32
        %mul3A_1315 = vector.broadcast %mul3A_1314 : f32 to vector<16xf32>
        %mul3A_1316 = arith.mulf %div3A_1313, %mul3A_1315 : vector<16xf32>
        %add3A_1317 = arith.constant -1.45315206 : f32
        %add3A_1318 = vector.broadcast %add3A_1317 : f32 to vector<16xf32>
        %add3A_1319 = arith.addf %add3A_1318, %mul3A_1316 : vector<16xf32>
        %mul3A_1320 = arith.mulf %div3A_1313, %add3A_1319 : vector<16xf32>
        %add3A_1321 = arith.constant 1.42141378 : f32
        %add3A_1322 = vector.broadcast %add3A_1321 : f32 to vector<16xf32>
        %add3A_1323 = arith.addf %add3A_1322, %mul3A_1320 : vector<16xf32>
        %mul3A_1324 = arith.mulf %div3A_1313, %add3A_1323 : vector<16xf32>
        %add3A_1325 = arith.constant -0.284496725 : f32
        %add3A_1326 = vector.broadcast %add3A_1325 : f32 to vector<16xf32>
        %add3A_1327 = arith.addf %add3A_1326, %mul3A_1324 : vector<16xf32>
        %mul3A_1328 = arith.mulf %div3A_1313, %add3A_1327 : vector<16xf32>
        %add3A_1329 = arith.constant 0.254829586 : f32
        %add3A_1330 = vector.broadcast %add3A_1329 : f32 to vector<16xf32>
        %add3A_1331 = arith.addf %add3A_1330, %mul3A_1328 : vector<16xf32>
        %mul3A_1332 = arith.mulf %div3A_1313, %add3A_1331 : vector<16xf32>
        %neg3A_1333 = arith.constant 0.000000e+00 : f32
        %neg3A_1334 = vector.broadcast %neg3A_1333 : f32 to vector<16xf32>
        %neg3A_1335 = arith.subf %neg3A_1334, %mul3A_1304 : vector<16xf32>
        %mul3A_1336 = arith.mulf %neg3A_1335, %mul3A_1304 : vector<16xf32>
        %exp3A_1337 = math.exp %mul3A_1336 : vector<16xf32>
        %mul3A_1338 = arith.mulf %mul3A_1332, %exp3A_1337 : vector<16xf32>
        %sub3A_1339 = arith.constant 1.000000e+00 : f32
        %sub3A_1340 = vector.broadcast %sub3A_1339 : f32 to vector<16xf32>
        %sub3A_1341 = arith.subf %sub3A_1340, %mul3A_1338 : vector<16xf32>
        %lt3A_1342 = arith.constant 0.000000e+00 : f32
        %lt3A_1343 = vector.broadcast %lt3A_1342 : f32 to vector<16xf32>
        %lt3A_1344 = arith.cmpf olt, %div3A_1300, %lt3A_1343 : vector<16xf32>
        %neg3A_1345 = arith.constant 0.000000e+00 : f32
        %neg3A_1346 = vector.broadcast %neg3A_1345 : f32 to vector<16xf32>
        %neg3A_1347 = arith.subf %neg3A_1346, %sub3A_1341 : vector<16xf32>
        %select_n3A_1348 = arith.select %lt3A_1344, %neg3A_1347, %sub3A_1341 : vector<16xi1>, vector<16xf32>
        %add3A_1349 = arith.constant 1.000000e+00 : f32
        %add3A_1350 = vector.broadcast %add3A_1349 : f32 to vector<16xf32>
        %add3A_1351 = arith.addf %add3A_1350, %select_n3A_1348 : vector<16xf32>
        %mul3A_1352 = arith.constant 5.000000e-01 : f32
        %mul3A_1353 = vector.broadcast %mul3A_1352 : f32 to vector<16xf32>
        %mul3A_1354 = arith.mulf %mul3A_1353, %add3A_1351 : vector<16xf32>
        %get3A_1355 = arith.constant 2 : i32
        %get3A_1356 = arith.index_cast %get3A_1355 : i32 to index
        %get3A_1357 = arith.constant 0 : index
        %get3A_1358 = tpu.vector_load %arg14[%get3A_1356, %get3A_1357] {strides = array<i32>} : memref<8x16xf32, #tpu.memory_space<vmem>>, vector<16xf32>,
        %add3A_1359 = arith.addf %get3A_1358, %mul3A_1354 : vector<16xf32>
        %swap3A_1360 = arith.constant 2 : i32
        %swap3A_1361 = arith.index_cast %swap3A_1360 : i32 to index
        %swap3A_1362 = arith.constant 0 : index
        %swap3A_1363 = tpu.vector_load %arg14[%swap3A_1361, %swap3A_1362] {strides = array<i32>} : memref<8x16xf32, #tpu.memory_space<vmem>>, vector<16xf32>,
        tpu.vector_store %arg14[%swap3A_1361, %swap3A_1362], %add3A_1359 {strides = array<i32>} : memref<8x16xf32, #tpu.memory_space<vmem>>, vector<16xf32>,
        %get3A_1364 = arith.constant 3 : i32
        %get3A_1365 = arith.index_cast %get3A_1364 : i32 to index
        %get3A_1366 = arith.constant 0 : index
        %get3A_1367 = tpu.vector_load %arg13[%get3A_1365, %get3A_1366] {strides = array<i32>} : memref<8x16xf32, #tpu.memory_space<vmem>>, vector<16xf32>,
        %add3A_1368 = arith.addf %get3A_1367, %add3A_1125 : vector<16xf32>
        %swap3A_1369 = arith.constant 3 : i32
        %swap3A_1370 = arith.index_cast %swap3A_1369 : i32 to index
        %swap3A_1371 = arith.constant 0 : index
        %swap3A_1372 = tpu.vector_load %arg13[%swap3A_1370, %swap3A_1371] {strides = array<i32>} : memref<8x16xf32, #tpu.memory_space<vmem>>, vector<16xf32>,
        tpu.vector_store %arg13[%swap3A_1370, %swap3A_1371], %add3A_1368 {strides = array<i32>} : memref<8x16xf32, #tpu.memory_space<vmem>>, vector<16xf32>,
        %gt3A_1373 = arith.cmpf ogt, %add3A_958, %max3A_1102 : vector<16xf32>
        %select_n3A_1374 = arith.select %gt3A_1373, %max3A_1102, %max3A_1035 : vector<16xi1>, vector<16xf32>
        %sub3A_1375 = arith.subf %scan3A_619#3, %select_n3A_1374 : vector<16xf32>
        %div3A_1376 = arith.divf %sub3A_1375, %add3A_794 : vector<16xf32>
        %abs3A_1377 = math.absf %div3A_1376 : vector<16xf32>
        %mul3A_1378 = arith.constant 0.707106769 : f32
        %mul3A_1379 = vector.broadcast %mul3A_1378 : f32 to vector<16xf32>
        %mul3A_1380 = arith.mulf %abs3A_1377, %mul3A_1379 : vector<16xf32>
        %mul3A_1381 = arith.constant 0.327591091 : f32
        %mul3A_1382 = vector.broadcast %mul3A_1381 : f32 to vector<16xf32>
        %mul3A_1383 = arith.mulf %mul3A_1382, %mul3A_1380 : vector<16xf32>
        %add3A_1384 = arith.constant 1.000000e+00 : f32
        %add3A_1385 = vector.broadcast %add3A_1384 : f32 to vector<16xf32>
        %add3A_1386 = arith.addf %add3A_1385, %mul3A_1383 : vector<16xf32>
        %div3A_1387 = arith.constant 1.000000e+00 : f32
        %div3A_1388 = vector.broadcast %div3A_1387 : f32 to vector<16xf32>
        %div3A_1389 = arith.divf %div3A_1388, %add3A_1386 : vector<16xf32>
        %mul3A_1390 = arith.constant 1.06140542 : f32
        %mul3A_1391 = vector.broadcast %mul3A_1390 : f32 to vector<16xf32>
        %mul3A_1392 = arith.mulf %div3A_1389, %mul3A_1391 : vector<16xf32>
        %add3A_1393 = arith.constant -1.45315206 : f32
        %add3A_1394 = vector.broadcast %add3A_1393 : f32 to vector<16xf32>
        %add3A_1395 = arith.addf %add3A_1394, %mul3A_1392 : vector<16xf32>
        %mul3A_1396 = arith.mulf %div3A_1389, %add3A_1395 : vector<16xf32>
        %add3A_1397 = arith.constant 1.42141378 : f32
        %add3A_1398 = vector.broadcast %add3A_1397 : f32 to vector<16xf32>
        %add3A_1399 = arith.addf %add3A_1398, %mul3A_1396 : vector<16xf32>
        %mul3A_1400 = arith.mulf %div3A_1389, %add3A_1399 : vector<16xf32>
        %add3A_1401 = arith.constant -0.284496725 : f32
        %add3A_1402 = vector.broadcast %add3A_1401 : f32 to vector<16xf32>
        %add3A_1403 = arith.addf %add3A_1402, %mul3A_1400 : vector<16xf32>
        %mul3A_1404 = arith.mulf %div3A_1389, %add3A_1403 : vector<16xf32>
        %add3A_1405 = arith.constant 0.254829586 : f32
        %add3A_1406 = vector.broadcast %add3A_1405 : f32 to vector<16xf32>
        %add3A_1407 = arith.addf %add3A_1406, %mul3A_1404 : vector<16xf32>
        %mul3A_1408 = arith.mulf %div3A_1389, %add3A_1407 : vector<16xf32>
        %neg3A_1409 = arith.constant 0.000000e+00 : f32
        %neg3A_1410 = vector.broadcast %neg3A_1409 : f32 to vector<16xf32>
        %neg3A_1411 = arith.subf %neg3A_1410, %mul3A_1380 : vector<16xf32>
        %mul3A_1412 = arith.mulf %neg3A_1411, %mul3A_1380 : vector<16xf32>
        %exp3A_1413 = math.exp %mul3A_1412 : vector<16xf32>
        %mul3A_1414 = arith.mulf %mul3A_1408, %exp3A_1413 : vector<16xf32>
        %sub3A_1415 = arith.constant 1.000000e+00 : f32
        %sub3A_1416 = vector.broadcast %sub3A_1415 : f32 to vector<16xf32>
        %sub3A_1417 = arith.subf %sub3A_1416, %mul3A_1414 : vector<16xf32>
        %lt3A_1418 = arith.constant 0.000000e+00 : f32
        %lt3A_1419 = vector.broadcast %lt3A_1418 : f32 to vector<16xf32>
        %lt3A_1420 = arith.cmpf olt, %div3A_1376, %lt3A_1419 : vector<16xf32>
        %neg3A_1421 = arith.constant 0.000000e+00 : f32
        %neg3A_1422 = vector.broadcast %neg3A_1421 : f32 to vector<16xf32>
        %neg3A_1423 = arith.subf %neg3A_1422, %sub3A_1417 : vector<16xf32>
        %select_n3A_1424 = arith.select %lt3A_1420, %neg3A_1423, %sub3A_1417 : vector<16xi1>, vector<16xf32>
        %add3A_1425 = arith.constant 1.000000e+00 : f32
        %add3A_1426 = vector.broadcast %add3A_1425 : f32 to vector<16xf32>
        %add3A_1427 = arith.addf %add3A_1426, %select_n3A_1424 : vector<16xf32>
        %mul3A_1428 = arith.constant 5.000000e-01 : f32
        %mul3A_1429 = vector.broadcast %mul3A_1428 : f32 to vector<16xf32>
        %mul3A_1430 = arith.mulf %mul3A_1429, %add3A_1427 : vector<16xf32>
        %get3A_1431 = arith.constant 3 : i32
        %get3A_1432 = arith.index_cast %get3A_1431 : i32 to index
        %get3A_1433 = arith.constant 0 : index
        %get3A_1434 = tpu.vector_load %arg14[%get3A_1432, %get3A_1433] {strides = array<i32>} : memref<8x16xf32, #tpu.memory_space<vmem>>, vector<16xf32>,
        %add3A_1435 = arith.addf %get3A_1434, %mul3A_1430 : vector<16xf32>
        %swap3A_1436 = arith.constant 3 : i32
        %swap3A_1437 = arith.index_cast %swap3A_1436 : i32 to index
        %swap3A_1438 = arith.constant 0 : index
        %swap3A_1439 = tpu.vector_load %arg14[%swap3A_1437, %swap3A_1438] {strides = array<i32>} : memref<8x16xf32, #tpu.memory_space<vmem>>, vector<16xf32>,
        tpu.vector_store %arg14[%swap3A_1437, %swap3A_1438], %add3A_1435 {strides = array<i32>} : memref<8x16xf32, #tpu.memory_space<vmem>>, vector<16xf32>,
        %get3A_1440 = arith.constant 4 : i32
        %get3A_1441 = arith.index_cast %get3A_1440 : i32 to index
        %get3A_1442 = arith.constant 0 : index
        %get3A_1443 = tpu.vector_load %arg13[%get3A_1441, %get3A_1442] {strides = array<i32>} : memref<8x16xf32, #tpu.memory_space<vmem>>, vector<16xf32>,
        %add3A_1444 = arith.addf %get3A_1443, %add3A_1128 : vector<16xf32>
        %swap3A_1445 = arith.constant 4 : i32
        %swap3A_1446 = arith.index_cast %swap3A_1445 : i32 to index
        %swap3A_1447 = arith.constant 0 : index
        %swap3A_1448 = tpu.vector_load %arg13[%swap3A_1446, %swap3A_1447] {strides = array<i32>} : memref<8x16xf32, #tpu.memory_space<vmem>>, vector<16xf32>,
        tpu.vector_store %arg13[%swap3A_1446, %swap3A_1447], %add3A_1444 {strides = array<i32>} : memref<8x16xf32, #tpu.memory_space<vmem>>, vector<16xf32>,
        %gt3A_1449 = arith.cmpf ogt, %add3A_960, %max3A_1102 : vector<16xf32>
        %select_n3A_1450 = arith.select %gt3A_1449, %max3A_1102, %max3A_1035 : vector<16xi1>, vector<16xf32>
        %sub3A_1451 = arith.subf %scan3A_619#4, %select_n3A_1450 : vector<16xf32>
        %div3A_1452 = arith.divf %sub3A_1451, %add3A_833 : vector<16xf32>
        %abs3A_1453 = math.absf %div3A_1452 : vector<16xf32>
        %mul3A_1454 = arith.constant 0.707106769 : f32
        %mul3A_1455 = vector.broadcast %mul3A_1454 : f32 to vector<16xf32>
        %mul3A_1456 = arith.mulf %abs3A_1453, %mul3A_1455 : vector<16xf32>
        %mul3A_1457 = arith.constant 0.327591091 : f32
        %mul3A_1458 = vector.broadcast %mul3A_1457 : f32 to vector<16xf32>
        %mul3A_1459 = arith.mulf %mul3A_1458, %mul3A_1456 : vector<16xf32>
        %add3A_1460 = arith.constant 1.000000e+00 : f32
        %add3A_1461 = vector.broadcast %add3A_1460 : f32 to vector<16xf32>
        %add3A_1462 = arith.addf %add3A_1461, %mul3A_1459 : vector<16xf32>
        %div3A_1463 = arith.constant 1.000000e+00 : f32
        %div3A_1464 = vector.broadcast %div3A_1463 : f32 to vector<16xf32>
        %div3A_1465 = arith.divf %div3A_1464, %add3A_1462 : vector<16xf32>
        %mul3A_1466 = arith.constant 1.06140542 : f32
        %mul3A_1467 = vector.broadcast %mul3A_1466 : f32 to vector<16xf32>
        %mul3A_1468 = arith.mulf %div3A_1465, %mul3A_1467 : vector<16xf32>
        %add3A_1469 = arith.constant -1.45315206 : f32
        %add3A_1470 = vector.broadcast %add3A_1469 : f32 to vector<16xf32>
        %add3A_1471 = arith.addf %add3A_1470, %mul3A_1468 : vector<16xf32>
        %mul3A_1472 = arith.mulf %div3A_1465, %add3A_1471 : vector<16xf32>
        %add3A_1473 = arith.constant 1.42141378 : f32
        %add3A_1474 = vector.broadcast %add3A_1473 : f32 to vector<16xf32>
        %add3A_1475 = arith.addf %add3A_1474, %mul3A_1472 : vector<16xf32>
        %mul3A_1476 = arith.mulf %div3A_1465, %add3A_1475 : vector<16xf32>
        %add3A_1477 = arith.constant -0.284496725 : f32
        %add3A_1478 = vector.broadcast %add3A_1477 : f32 to vector<16xf32>
        %add3A_1479 = arith.addf %add3A_1478, %mul3A_1476 : vector<16xf32>
        %mul3A_1480 = arith.mulf %div3A_1465, %add3A_1479 : vector<16xf32>
        %add3A_1481 = arith.constant 0.254829586 : f32
        %add3A_1482 = vector.broadcast %add3A_1481 : f32 to vector<16xf32>
        %add3A_1483 = arith.addf %add3A_1482, %mul3A_1480 : vector<16xf32>
        %mul3A_1484 = arith.mulf %div3A_1465, %add3A_1483 : vector<16xf32>
        %neg3A_1485 = arith.constant 0.000000e+00 : f32
        %neg3A_1486 = vector.broadcast %neg3A_1485 : f32 to vector<16xf32>
        %neg3A_1487 = arith.subf %neg3A_1486, %mul3A_1456 : vector<16xf32>
        %mul3A_1488 = arith.mulf %neg3A_1487, %mul3A_1456 : vector<16xf32>
        %exp3A_1489 = math.exp %mul3A_1488 : vector<16xf32>
        %mul3A_1490 = arith.mulf %mul3A_1484, %exp3A_1489 : vector<16xf32>
        %sub3A_1491 = arith.constant 1.000000e+00 : f32
        %sub3A_1492 = vector.broadcast %sub3A_1491 : f32 to vector<16xf32>
        %sub3A_1493 = arith.subf %sub3A_1492, %mul3A_1490 : vector<16xf32>
        %lt3A_1494 = arith.constant 0.000000e+00 : f32
        %lt3A_1495 = vector.broadcast %lt3A_1494 : f32 to vector<16xf32>
        %lt3A_1496 = arith.cmpf olt, %div3A_1452, %lt3A_1495 : vector<16xf32>
        %neg3A_1497 = arith.constant 0.000000e+00 : f32
        %neg3A_1498 = vector.broadcast %neg3A_1497 : f32 to vector<16xf32>
        %neg3A_1499 = arith.subf %neg3A_1498, %sub3A_1493 : vector<16xf32>
        %select_n3A_1500 = arith.select %lt3A_1496, %neg3A_1499, %sub3A_1493 : vector<16xi1>, vector<16xf32>
        %add3A_1501 = arith.constant 1.000000e+00 : f32
        %add3A_1502 = vector.broadcast %add3A_1501 : f32 to vector<16xf32>
        %add3A_1503 = arith.addf %add3A_1502, %select_n3A_1500 : vector<16xf32>
        %mul3A_1504 = arith.constant 5.000000e-01 : f32
        %mul3A_1505 = vector.broadcast %mul3A_1504 : f32 to vector<16xf32>
        %mul3A_1506 = arith.mulf %mul3A_1505, %add3A_1503 : vector<16xf32>
        %get3A_1507 = arith.constant 4 : i32
        %get3A_1508 = arith.index_cast %get3A_1507 : i32 to index
        %get3A_1509 = arith.constant 0 : index
        %get3A_1510 = tpu.vector_load %arg14[%get3A_1508, %get3A_1509] {strides = array<i32>} : memref<8x16xf32, #tpu.memory_space<vmem>>, vector<16xf32>,
        %add3A_1511 = arith.addf %get3A_1510, %mul3A_1506 : vector<16xf32>
        %swap3A_1512 = arith.constant 4 : i32
        %swap3A_1513 = arith.index_cast %swap3A_1512 : i32 to index
        %swap3A_1514 = arith.constant 0 : index
        %swap3A_1515 = tpu.vector_load %arg14[%swap3A_1513, %swap3A_1514] {strides = array<i32>} : memref<8x16xf32, #tpu.memory_space<vmem>>, vector<16xf32>,
        tpu.vector_store %arg14[%swap3A_1513, %swap3A_1514], %add3A_1511 {strides = array<i32>} : memref<8x16xf32, #tpu.memory_space<vmem>>, vector<16xf32>,
        %get3A_1516 = arith.constant 5 : i32
        %get3A_1517 = arith.index_cast %get3A_1516 : i32 to index
        %get3A_1518 = arith.constant 0 : index
        %get3A_1519 = tpu.vector_load %arg13[%get3A_1517, %get3A_1518] {strides = array<i32>} : memref<8x16xf32, #tpu.memory_space<vmem>>, vector<16xf32>,
        %add3A_1520 = arith.addf %get3A_1519, %add3A_1131 : vector<16xf32>
        %swap3A_1521 = arith.constant 5 : i32
        %swap3A_1522 = arith.index_cast %swap3A_1521 : i32 to index
        %swap3A_1523 = arith.constant 0 : index
        %swap3A_1524 = tpu.vector_load %arg13[%swap3A_1522, %swap3A_1523] {strides = array<i32>} : memref<8x16xf32, #tpu.memory_space<vmem>>, vector<16xf32>,
        tpu.vector_store %arg13[%swap3A_1522, %swap3A_1523], %add3A_1520 {strides = array<i32>} : memref<8x16xf32, #tpu.memory_space<vmem>>, vector<16xf32>,
        %gt3A_1525 = arith.cmpf ogt, %add3A_962, %max3A_1102 : vector<16xf32>
        %select_n3A_1526 = arith.select %gt3A_1525, %max3A_1102, %max3A_1035 : vector<16xi1>, vector<16xf32>
        %sub3A_1527 = arith.subf %scan3A_619#5, %select_n3A_1526 : vector<16xf32>
        %div3A_1528 = arith.divf %sub3A_1527, %add3A_872 : vector<16xf32>
        %abs3A_1529 = math.absf %div3A_1528 : vector<16xf32>
        %mul3A_1530 = arith.constant 0.707106769 : f32
        %mul3A_1531 = vector.broadcast %mul3A_1530 : f32 to vector<16xf32>
        %mul3A_1532 = arith.mulf %abs3A_1529, %mul3A_1531 : vector<16xf32>
        %mul3A_1533 = arith.constant 0.327591091 : f32
        %mul3A_1534 = vector.broadcast %mul3A_1533 : f32 to vector<16xf32>
        %mul3A_1535 = arith.mulf %mul3A_1534, %mul3A_1532 : vector<16xf32>
        %add3A_1536 = arith.constant 1.000000e+00 : f32
        %add3A_1537 = vector.broadcast %add3A_1536 : f32 to vector<16xf32>
        %add3A_1538 = arith.addf %add3A_1537, %mul3A_1535 : vector<16xf32>
        %div3A_1539 = arith.constant 1.000000e+00 : f32
        %div3A_1540 = vector.broadcast %div3A_1539 : f32 to vector<16xf32>
        %div3A_1541 = arith.divf %div3A_1540, %add3A_1538 : vector<16xf32>
        %mul3A_1542 = arith.constant 1.06140542 : f32
        %mul3A_1543 = vector.broadcast %mul3A_1542 : f32 to vector<16xf32>
        %mul3A_1544 = arith.mulf %div3A_1541, %mul3A_1543 : vector<16xf32>
        %add3A_1545 = arith.constant -1.45315206 : f32
        %add3A_1546 = vector.broadcast %add3A_1545 : f32 to vector<16xf32>
        %add3A_1547 = arith.addf %add3A_1546, %mul3A_1544 : vector<16xf32>
        %mul3A_1548 = arith.mulf %div3A_1541, %add3A_1547 : vector<16xf32>
        %add3A_1549 = arith.constant 1.42141378 : f32
        %add3A_1550 = vector.broadcast %add3A_1549 : f32 to vector<16xf32>
        %add3A_1551 = arith.addf %add3A_1550, %mul3A_1548 : vector<16xf32>
        %mul3A_1552 = arith.mulf %div3A_1541, %add3A_1551 : vector<16xf32>
        %add3A_1553 = arith.constant -0.284496725 : f32
        %add3A_1554 = vector.broadcast %add3A_1553 : f32 to vector<16xf32>
        %add3A_1555 = arith.addf %add3A_1554, %mul3A_1552 : vector<16xf32>
        %mul3A_1556 = arith.mulf %div3A_1541, %add3A_1555 : vector<16xf32>
        %add3A_1557 = arith.constant 0.254829586 : f32
        %add3A_1558 = vector.broadcast %add3A_1557 : f32 to vector<16xf32>
        %add3A_1559 = arith.addf %add3A_1558, %mul3A_1556 : vector<16xf32>
        %mul3A_1560 = arith.mulf %div3A_1541, %add3A_1559 : vector<16xf32>
        %neg3A_1561 = arith.constant 0.000000e+00 : f32
        %neg3A_1562 = vector.broadcast %neg3A_1561 : f32 to vector<16xf32>
        %neg3A_1563 = arith.subf %neg3A_1562, %mul3A_1532 : vector<16xf32>
        %mul3A_1564 = arith.mulf %neg3A_1563, %mul3A_1532 : vector<16xf32>
        %exp3A_1565 = math.exp %mul3A_1564 : vector<16xf32>
        %mul3A_1566 = arith.mulf %mul3A_1560, %exp3A_1565 : vector<16xf32>
        %sub3A_1567 = arith.constant 1.000000e+00 : f32
        %sub3A_1568 = vector.broadcast %sub3A_1567 : f32 to vector<16xf32>
        %sub3A_1569 = arith.subf %sub3A_1568, %mul3A_1566 : vector<16xf32>
        %lt3A_1570 = arith.constant 0.000000e+00 : f32
        %lt3A_1571 = vector.broadcast %lt3A_1570 : f32 to vector<16xf32>
        %lt3A_1572 = arith.cmpf olt, %div3A_1528, %lt3A_1571 : vector<16xf32>
        %neg3A_1573 = arith.constant 0.000000e+00 : f32
        %neg3A_1574 = vector.broadcast %neg3A_1573 : f32 to vector<16xf32>
        %neg3A_1575 = arith.subf %neg3A_1574, %sub3A_1569 : vector<16xf32>
        %select_n3A_1576 = arith.select %lt3A_1572, %neg3A_1575, %sub3A_1569 : vector<16xi1>, vector<16xf32>
        %add3A_1577 = arith.constant 1.000000e+00 : f32
        %add3A_1578 = vector.broadcast %add3A_1577 : f32 to vector<16xf32>
        %add3A_1579 = arith.addf %add3A_1578, %select_n3A_1576 : vector<16xf32>
        %mul3A_1580 = arith.constant 5.000000e-01 : f32
        %mul3A_1581 = vector.broadcast %mul3A_1580 : f32 to vector<16xf32>
        %mul3A_1582 = arith.mulf %mul3A_1581, %add3A_1579 : vector<16xf32>
        %get3A_1583 = arith.constant 5 : i32
        %get3A_1584 = arith.index_cast %get3A_1583 : i32 to index
        %get3A_1585 = arith.constant 0 : index
        %get3A_1586 = tpu.vector_load %arg14[%get3A_1584, %get3A_1585] {strides = array<i32>} : memref<8x16xf32, #tpu.memory_space<vmem>>, vector<16xf32>,
        %add3A_1587 = arith.addf %get3A_1586, %mul3A_1582 : vector<16xf32>
        %swap3A_1588 = arith.constant 5 : i32
        %swap3A_1589 = arith.index_cast %swap3A_1588 : i32 to index
        %swap3A_1590 = arith.constant 0 : index
        %swap3A_1591 = tpu.vector_load %arg14[%swap3A_1589, %swap3A_1590] {strides = array<i32>} : memref<8x16xf32, #tpu.memory_space<vmem>>, vector<16xf32>,
        tpu.vector_store %arg14[%swap3A_1589, %swap3A_1590], %add3A_1587 {strides = array<i32>} : memref<8x16xf32, #tpu.memory_space<vmem>>, vector<16xf32>,
        %get3A_1592 = arith.constant 6 : i32
        %get3A_1593 = arith.index_cast %get3A_1592 : i32 to index
        %get3A_1594 = arith.constant 0 : index
        %get3A_1595 = tpu.vector_load %arg13[%get3A_1593, %get3A_1594] {strides = array<i32>} : memref<8x16xf32, #tpu.memory_space<vmem>>, vector<16xf32>,
        %add3A_1596 = arith.addf %get3A_1595, %add3A_1134 : vector<16xf32>
        %swap3A_1597 = arith.constant 6 : i32
        %swap3A_1598 = arith.index_cast %swap3A_1597 : i32 to index
        %swap3A_1599 = arith.constant 0 : index
        %swap3A_1600 = tpu.vector_load %arg13[%swap3A_1598, %swap3A_1599] {strides = array<i32>} : memref<8x16xf32, #tpu.memory_space<vmem>>, vector<16xf32>,
        tpu.vector_store %arg13[%swap3A_1598, %swap3A_1599], %add3A_1596 {strides = array<i32>} : memref<8x16xf32, #tpu.memory_space<vmem>>, vector<16xf32>,
        %gt3A_1601 = arith.cmpf ogt, %add3A_964, %max3A_1102 : vector<16xf32>
        %select_n3A_1602 = arith.select %gt3A_1601, %max3A_1102, %max3A_1035 : vector<16xi1>, vector<16xf32>
        %sub3A_1603 = arith.subf %scan3A_619#6, %select_n3A_1602 : vector<16xf32>
        %div3A_1604 = arith.divf %sub3A_1603, %add3A_911 : vector<16xf32>
        %abs3A_1605 = math.absf %div3A_1604 : vector<16xf32>
        %mul3A_1606 = arith.constant 0.707106769 : f32
        %mul3A_1607 = vector.broadcast %mul3A_1606 : f32 to vector<16xf32>
        %mul3A_1608 = arith.mulf %abs3A_1605, %mul3A_1607 : vector<16xf32>
        %mul3A_1609 = arith.constant 0.327591091 : f32
        %mul3A_1610 = vector.broadcast %mul3A_1609 : f32 to vector<16xf32>
        %mul3A_1611 = arith.mulf %mul3A_1610, %mul3A_1608 : vector<16xf32>
        %add3A_1612 = arith.constant 1.000000e+00 : f32
        %add3A_1613 = vector.broadcast %add3A_1612 : f32 to vector<16xf32>
        %add3A_1614 = arith.addf %add3A_1613, %mul3A_1611 : vector<16xf32>
        %div3A_1615 = arith.constant 1.000000e+00 : f32
        %div3A_1616 = vector.broadcast %div3A_1615 : f32 to vector<16xf32>
        %div3A_1617 = arith.divf %div3A_1616, %add3A_1614 : vector<16xf32>
        %mul3A_1618 = arith.constant 1.06140542 : f32
        %mul3A_1619 = vector.broadcast %mul3A_1618 : f32 to vector<16xf32>
        %mul3A_1620 = arith.mulf %div3A_1617, %mul3A_1619 : vector<16xf32>
        %add3A_1621 = arith.constant -1.45315206 : f32
        %add3A_1622 = vector.broadcast %add3A_1621 : f32 to vector<16xf32>
        %add3A_1623 = arith.addf %add3A_1622, %mul3A_1620 : vector<16xf32>
        %mul3A_1624 = arith.mulf %div3A_1617, %add3A_1623 : vector<16xf32>
        %add3A_1625 = arith.constant 1.42141378 : f32
        %add3A_1626 = vector.broadcast %add3A_1625 : f32 to vector<16xf32>
        %add3A_1627 = arith.addf %add3A_1626, %mul3A_1624 : vector<16xf32>
        %mul3A_1628 = arith.mulf %div3A_1617, %add3A_1627 : vector<16xf32>
        %add3A_1629 = arith.constant -0.284496725 : f32
        %add3A_1630 = vector.broadcast %add3A_1629 : f32 to vector<16xf32>
        %add3A_1631 = arith.addf %add3A_1630, %mul3A_1628 : vector<16xf32>
        %mul3A_1632 = arith.mulf %div3A_1617, %add3A_1631 : vector<16xf32>
        %add3A_1633 = arith.constant 0.254829586 : f32
        %add3A_1634 = vector.broadcast %add3A_1633 : f32 to vector<16xf32>
        %add3A_1635 = arith.addf %add3A_1634, %mul3A_1632 : vector<16xf32>
        %mul3A_1636 = arith.mulf %div3A_1617, %add3A_1635 : vector<16xf32>
        %neg3A_1637 = arith.constant 0.000000e+00 : f32
        %neg3A_1638 = vector.broadcast %neg3A_1637 : f32 to vector<16xf32>
        %neg3A_1639 = arith.subf %neg3A_1638, %mul3A_1608 : vector<16xf32>
        %mul3A_1640 = arith.mulf %neg3A_1639, %mul3A_1608 : vector<16xf32>
        %exp3A_1641 = math.exp %mul3A_1640 : vector<16xf32>
        %mul3A_1642 = arith.mulf %mul3A_1636, %exp3A_1641 : vector<16xf32>
        %sub3A_1643 = arith.constant 1.000000e+00 : f32
        %sub3A_1644 = vector.broadcast %sub3A_1643 : f32 to vector<16xf32>
        %sub3A_1645 = arith.subf %sub3A_1644, %mul3A_1642 : vector<16xf32>
        %lt3A_1646 = arith.constant 0.000000e+00 : f32
        %lt3A_1647 = vector.broadcast %lt3A_1646 : f32 to vector<16xf32>
        %lt3A_1648 = arith.cmpf olt, %div3A_1604, %lt3A_1647 : vector<16xf32>
        %neg3A_1649 = arith.constant 0.000000e+00 : f32
        %neg3A_1650 = vector.broadcast %neg3A_1649 : f32 to vector<16xf32>
        %neg3A_1651 = arith.subf %neg3A_1650, %sub3A_1645 : vector<16xf32>
        %select_n3A_1652 = arith.select %lt3A_1648, %neg3A_1651, %sub3A_1645 : vector<16xi1>, vector<16xf32>
        %add3A_1653 = arith.constant 1.000000e+00 : f32
        %add3A_1654 = vector.broadcast %add3A_1653 : f32 to vector<16xf32>
        %add3A_1655 = arith.addf %add3A_1654, %select_n3A_1652 : vector<16xf32>
        %mul3A_1656 = arith.constant 5.000000e-01 : f32
        %mul3A_1657 = vector.broadcast %mul3A_1656 : f32 to vector<16xf32>
        %mul3A_1658 = arith.mulf %mul3A_1657, %add3A_1655 : vector<16xf32>
        %get3A_1659 = arith.constant 6 : i32
        %get3A_1660 = arith.index_cast %get3A_1659 : i32 to index
        %get3A_1661 = arith.constant 0 : index
        %get3A_1662 = tpu.vector_load %arg14[%get3A_1660, %get3A_1661] {strides = array<i32>} : memref<8x16xf32, #tpu.memory_space<vmem>>, vector<16xf32>,
        %add3A_1663 = arith.addf %get3A_1662, %mul3A_1658 : vector<16xf32>
        %swap3A_1664 = arith.constant 6 : i32
        %swap3A_1665 = arith.index_cast %swap3A_1664 : i32 to index
        %swap3A_1666 = arith.constant 0 : index
        %swap3A_1667 = tpu.vector_load %arg14[%swap3A_1665, %swap3A_1666] {strides = array<i32>} : memref<8x16xf32, #tpu.memory_space<vmem>>, vector<16xf32>,
        tpu.vector_store %arg14[%swap3A_1665, %swap3A_1666], %add3A_1663 {strides = array<i32>} : memref<8x16xf32, #tpu.memory_space<vmem>>, vector<16xf32>,
        %get3A_1668 = arith.constant 7 : i32
        %get3A_1669 = arith.index_cast %get3A_1668 : i32 to index
        %get3A_1670 = arith.constant 0 : index
        %get3A_1671 = tpu.vector_load %arg13[%get3A_1669, %get3A_1670] {strides = array<i32>} : memref<8x16xf32, #tpu.memory_space<vmem>>, vector<16xf32>,
        %add3A_1672 = arith.addf %get3A_1671, %add3A_1137 : vector<16xf32>
        %swap3A_1673 = arith.constant 7 : i32
        %swap3A_1674 = arith.index_cast %swap3A_1673 : i32 to index
        %swap3A_1675 = arith.constant 0 : index
        %swap3A_1676 = tpu.vector_load %arg13[%swap3A_1674, %swap3A_1675] {strides = array<i32>} : memref<8x16xf32, #tpu.memory_space<vmem>>, vector<16xf32>,
        tpu.vector_store %arg13[%swap3A_1674, %swap3A_1675], %add3A_1672 {strides = array<i32>} : memref<8x16xf32, #tpu.memory_space<vmem>>, vector<16xf32>,
        %gt3A_1677 = arith.cmpf ogt, %add3A_966, %max3A_1102 : vector<16xf32>
        %select_n3A_1678 = arith.select %gt3A_1677, %max3A_1102, %max3A_1035 : vector<16xi1>, vector<16xf32>
        %sub3A_1679 = arith.subf %scan3A_619#7, %select_n3A_1678 : vector<16xf32>
        %div3A_1680 = arith.divf %sub3A_1679, %add3A_950 : vector<16xf32>
        %abs3A_1681 = math.absf %div3A_1680 : vector<16xf32>
        %mul3A_1682 = arith.constant 0.707106769 : f32
        %mul3A_1683 = vector.broadcast %mul3A_1682 : f32 to vector<16xf32>
        %mul3A_1684 = arith.mulf %abs3A_1681, %mul3A_1683 : vector<16xf32>
        %mul3A_1685 = arith.constant 0.327591091 : f32
        %mul3A_1686 = vector.broadcast %mul3A_1685 : f32 to vector<16xf32>
        %mul3A_1687 = arith.mulf %mul3A_1686, %mul3A_1684 : vector<16xf32>
        %add3A_1688 = arith.constant 1.000000e+00 : f32
        %add3A_1689 = vector.broadcast %add3A_1688 : f32 to vector<16xf32>
        %add3A_1690 = arith.addf %add3A_1689, %mul3A_1687 : vector<16xf32>
        %div3A_1691 = arith.constant 1.000000e+00 : f32
        %div3A_1692 = vector.broadcast %div3A_1691 : f32 to vector<16xf32>
        %div3A_1693 = arith.divf %div3A_1692, %add3A_1690 : vector<16xf32>
        %mul3A_1694 = arith.constant 1.06140542 : f32
        %mul3A_1695 = vector.broadcast %mul3A_1694 : f32 to vector<16xf32>
        %mul3A_1696 = arith.mulf %div3A_1693, %mul3A_1695 : vector<16xf32>
        %add3A_1697 = arith.constant -1.45315206 : f32
        %add3A_1698 = vector.broadcast %add3A_1697 : f32 to vector<16xf32>
        %add3A_1699 = arith.addf %add3A_1698, %mul3A_1696 : vector<16xf32>
        %mul3A_1700 = arith.mulf %div3A_1693, %add3A_1699 : vector<16xf32>
        %add3A_1701 = arith.constant 1.42141378 : f32
        %add3A_1702 = vector.broadcast %add3A_1701 : f32 to vector<16xf32>
        %add3A_1703 = arith.addf %add3A_1702, %mul3A_1700 : vector<16xf32>
        %mul3A_1704 = arith.mulf %div3A_1693, %add3A_1703 : vector<16xf32>
        %add3A_1705 = arith.constant -0.284496725 : f32
        %add3A_1706 = vector.broadcast %add3A_1705 : f32 to vector<16xf32>
        %add3A_1707 = arith.addf %add3A_1706, %mul3A_1704 : vector<16xf32>
        %mul3A_1708 = arith.mulf %div3A_1693, %add3A_1707 : vector<16xf32>
        %add3A_1709 = arith.constant 0.254829586 : f32
        %add3A_1710 = vector.broadcast %add3A_1709 : f32 to vector<16xf32>
        %add3A_1711 = arith.addf %add3A_1710, %mul3A_1708 : vector<16xf32>
        %mul3A_1712 = arith.mulf %div3A_1693, %add3A_1711 : vector<16xf32>
        %neg3A_1713 = arith.constant 0.000000e+00 : f32
        %neg3A_1714 = vector.broadcast %neg3A_1713 : f32 to vector<16xf32>
        %neg3A_1715 = arith.subf %neg3A_1714, %mul3A_1684 : vector<16xf32>
        %mul3A_1716 = arith.mulf %neg3A_1715, %mul3A_1684 : vector<16xf32>
        %exp3A_1717 = math.exp %mul3A_1716 : vector<16xf32>
        %mul3A_1718 = arith.mulf %mul3A_1712, %exp3A_1717 : vector<16xf32>
        %sub3A_1719 = arith.constant 1.000000e+00 : f32
        %sub3A_1720 = vector.broadcast %sub3A_1719 : f32 to vector<16xf32>
        %sub3A_1721 = arith.subf %sub3A_1720, %mul3A_1718 : vector<16xf32>
        %lt3A_1722 = arith.constant 0.000000e+00 : f32
        %lt3A_1723 = vector.broadcast %lt3A_1722 : f32 to vector<16xf32>
        %lt3A_1724 = arith.cmpf olt, %div3A_1680, %lt3A_1723 : vector<16xf32>
        %neg3A_1725 = arith.constant 0.000000e+00 : f32
        %neg3A_1726 = vector.broadcast %neg3A_1725 : f32 to vector<16xf32>
        %neg3A_1727 = arith.subf %neg3A_1726, %sub3A_1721 : vector<16xf32>
        %select_n3A_1728 = arith.select %lt3A_1724, %neg3A_1727, %sub3A_1721 : vector<16xi1>, vector<16xf32>
        %add3A_1729 = arith.constant 1.000000e+00 : f32
        %add3A_1730 = vector.broadcast %add3A_1729 : f32 to vector<16xf32>
        %add3A_1731 = arith.addf %add3A_1730, %select_n3A_1728 : vector<16xf32>
        %mul3A_1732 = arith.constant 5.000000e-01 : f32
        %mul3A_1733 = vector.broadcast %mul3A_1732 : f32 to vector<16xf32>
        %mul3A_1734 = arith.mulf %mul3A_1733, %add3A_1731 : vector<16xf32>
        %get3A_1735 = arith.constant 7 : i32
        %get3A_1736 = arith.index_cast %get3A_1735 : i32 to index
        %get3A_1737 = arith.constant 0 : index
        %get3A_1738 = tpu.vector_load %arg14[%get3A_1736, %get3A_1737] {strides = array<i32>} : memref<8x16xf32, #tpu.memory_space<vmem>>, vector<16xf32>,
        %add3A_1739 = arith.addf %get3A_1738, %mul3A_1734 : vector<16xf32>
        %swap3A_1740 = arith.constant 7 : i32
        %swap3A_1741 = arith.index_cast %swap3A_1740 : i32 to index
        %swap3A_1742 = arith.constant 0 : index
        %swap3A_1743 = tpu.vector_load %arg14[%swap3A_1741, %swap3A_1742] {strides = array<i32>} : memref<8x16xf32, #tpu.memory_space<vmem>>, vector<16xf32>,
        tpu.vector_store %arg14[%swap3A_1741, %swap3A_1742], %add3A_1739 {strides = array<i32>} : memref<8x16xf32, #tpu.memory_space<vmem>>, vector<16xf32>,
        %broadcast_in_dim3A_1744 = arith.constant 0.000000e+00 : f32
        %broadcast_in_dim3A_1745 = vector.broadcast %broadcast_in_dim3A_1744 : f32 to vector<16xf32>
        %broadcast_in_dim3A_1746 = arith.constant 0.000000e+00 : f32
        %broadcast_in_dim3A_1747 = vector.broadcast %broadcast_in_dim3A_1746 : f32 to vector<16xf32>
        %broadcast_in_dim3A_1748 = arith.constant 0.000000e+00 : f32
        %broadcast_in_dim3A_1749 = vector.broadcast %broadcast_in_dim3A_1748 : f32 to vector<16xf32>
        %broadcast_in_dim3A_1750 = arith.constant 0.000000e+00 : f32
        %broadcast_in_dim3A_1751 = vector.broadcast %broadcast_in_dim3A_1750 : f32 to vector<16xf32>
        %scan3A_1752 = arith.constant 0 : i32
        %scan3A_1753 = arith.constant 64 : i32
        %scan3A_1754 = arith.addi %scan3A_1752, %scan3A_1753 : i32
        %scan3A_1755 = arith.constant 1 : i32
        %scan3A_1756:4 = scf.for %scan3A_1766 = %scan3A_1752 to %scan3A_1754 step %scan3A_1755 iter_args(%scan3A_1767 = %broadcast_in_dim3A_1745, %scan3A_1768 = %broadcast_in_dim3A_1747, %scan3A_1769 = %broadcast_in_dim3A_1749, %scan3A_1770 = %broadcast_in_dim3A_1751) -> (vector<16xf32>, vector<16xf32>, vector<16xf32>, vector<16xf32>)  : i32 {
          %get3A_1771 = arith.index_cast %scan3A_1766 : i32 to index
          %get3A_1772 = arith.constant 0 : index
          %get3A_1773 = tpu.vector_load %arg18[%get3A_1771, %get3A_1772] {strides = array<i32>} : memref<64x16xf32, #tpu.memory_space<vmem>>, vector<16xf32>,
          %slice3A_1774 = vector.extract_strided_slice %get3A_1773 {offsets = [0], sizes = [1], strides = [1]} : vector<16xf32> to vector<1xf32>
          %squeeze3A_1775 = vector.extract %slice3A_1774[0] : f32 from vector<1xf32>
          %mul3A_1776 = vector.broadcast %squeeze3A_1775 : f32 to vector<16xf32>
          %mul3A_1777 = arith.mulf %add3A_1116, %mul3A_1776 : vector<16xf32>
          %slice3A_1778 = vector.extract_strided_slice %get3A_1773 {offsets = [1], sizes = [1], strides = [1]} : vector<16xf32> to vector<1xf32>
          %squeeze3A_1779 = vector.extract %slice3A_1778[0] : f32 from vector<1xf32>
          %mul3A_1780 = vector.broadcast %squeeze3A_1779 : f32 to vector<16xf32>
          %mul3A_1781 = arith.mulf %add3A_1119, %mul3A_1780 : vector<16xf32>
          %add3A_1782 = arith.addf %mul3A_1777, %mul3A_1781 : vector<16xf32>
          %slice3A_1783 = vector.extract_strided_slice %get3A_1773 {offsets = [2], sizes = [1], strides = [1]} : vector<16xf32> to vector<1xf32>
          %squeeze3A_1784 = vector.extract %slice3A_1783[0] : f32 from vector<1xf32>
          %mul3A_1785 = vector.broadcast %squeeze3A_1784 : f32 to vector<16xf32>
          %mul3A_1786 = arith.mulf %add3A_1122, %mul3A_1785 : vector<16xf32>
          %add3A_1787 = arith.addf %add3A_1782, %mul3A_1786 : vector<16xf32>
          %slice3A_1788 = vector.extract_strided_slice %get3A_1773 {offsets = [3], sizes = [1], strides = [1]} : vector<16xf32> to vector<1xf32>
          %squeeze3A_1789 = vector.extract %slice3A_1788[0] : f32 from vector<1xf32>
          %mul3A_1790 = vector.broadcast %squeeze3A_1789 : f32 to vector<16xf32>
          %mul3A_1791 = arith.mulf %add3A_1125, %mul3A_1790 : vector<16xf32>
          %add3A_1792 = arith.addf %add3A_1787, %mul3A_1791 : vector<16xf32>
          %slice3A_1793 = vector.extract_strided_slice %get3A_1773 {offsets = [4], sizes = [1], strides = [1]} : vector<16xf32> to vector<1xf32>
          %squeeze3A_1794 = vector.extract %slice3A_1793[0] : f32 from vector<1xf32>
          %mul3A_1795 = vector.broadcast %squeeze3A_1794 : f32 to vector<16xf32>
          %mul3A_1796 = arith.mulf %add3A_1128, %mul3A_1795 : vector<16xf32>
          %add3A_1797 = arith.addf %add3A_1792, %mul3A_1796 : vector<16xf32>
          %slice3A_1798 = vector.extract_strided_slice %get3A_1773 {offsets = [5], sizes = [1], strides = [1]} : vector<16xf32> to vector<1xf32>
          %squeeze3A_1799 = vector.extract %slice3A_1798[0] : f32 from vector<1xf32>
          %mul3A_1800 = vector.broadcast %squeeze3A_1799 : f32 to vector<16xf32>
          %mul3A_1801 = arith.mulf %add3A_1131, %mul3A_1800 : vector<16xf32>
          %add3A_1802 = arith.addf %add3A_1797, %mul3A_1801 : vector<16xf32>
          %slice3A_1803 = vector.extract_strided_slice %get3A_1773 {offsets = [6], sizes = [1], strides = [1]} : vector<16xf32> to vector<1xf32>
          %squeeze3A_1804 = vector.extract %slice3A_1803[0] : f32 from vector<1xf32>
          %mul3A_1805 = vector.broadcast %squeeze3A_1804 : f32 to vector<16xf32>
          %mul3A_1806 = arith.mulf %add3A_1134, %mul3A_1805 : vector<16xf32>
          %add3A_1807 = arith.addf %add3A_1802, %mul3A_1806 : vector<16xf32>
          %slice3A_1808 = vector.extract_strided_slice %get3A_1773 {offsets = [7], sizes = [1], strides = [1]} : vector<16xf32> to vector<1xf32>
          %squeeze3A_1809 = vector.extract %slice3A_1808[0] : f32 from vector<1xf32>
          %mul3A_1810 = vector.broadcast %squeeze3A_1809 : f32 to vector<16xf32>
          %mul3A_1811 = arith.mulf %add3A_1137, %mul3A_1810 : vector<16xf32>
          %add3A_1812 = arith.addf %add3A_1807, %mul3A_1811 : vector<16xf32>
          %mul3A_1813 = arith.constant 4 : i32
          %mul3A_1814 = arith.muli %scan3A_1766, %mul3A_1813 : i32
          %add3A_1815 = arith.constant 0 : i32
          %add3A_1816 = arith.addi %mul3A_1814, %add3A_1815 : i32
          %broadcast_in_dim3A_1817 = vector.broadcast %add3A_1816 : i32 to vector<16xi32>
          %gather3A_1818 = tpu.vector_load_idx %arg10[%add3A_582, %broadcast_in_dim3A_1817] : memref<128x256xf32, #tpu.memory_space<vmem>>[vector<16xi32>, vector<16xi32>], vector<16xf32>,
          %mul3A_1819 = arith.mulf %gather3A_1818, %add3A_1812 : vector<16xf32>
          %add3A_1820 = arith.addf %scan3A_1767, %mul3A_1819 : vector<16xf32>
          %mul3A_1821 = arith.constant 4 : i32
          %mul3A_1822 = arith.muli %scan3A_1766, %mul3A_1821 : i32
          %add3A_1823 = arith.constant 1 : i32
          %add3A_1824 = arith.addi %mul3A_1822, %add3A_1823 : i32
          %broadcast_in_dim3A_1825 = vector.broadcast %add3A_1824 : i32 to vector<16xi32>
          %gather3A_1826 = tpu.vector_load_idx %arg10[%add3A_582, %broadcast_in_dim3A_1825] : memref<128x256xf32, #tpu.memory_space<vmem>>[vector<16xi32>, vector<16xi32>], vector<16xf32>,
          %mul3A_1827 = arith.mulf %gather3A_1826, %add3A_1812 : vector<16xf32>
          %add3A_1828 = arith.addf %scan3A_1768, %mul3A_1827 : vector<16xf32>
          %mul3A_1829 = arith.constant 4 : i32
          %mul3A_1830 = arith.muli %scan3A_1766, %mul3A_1829 : i32
          %add3A_1831 = arith.constant 2 : i32
          %add3A_1832 = arith.addi %mul3A_1830, %add3A_1831 : i32
          %broadcast_in_dim3A_1833 = vector.broadcast %add3A_1832 : i32 to vector<16xi32>
          %gather3A_1834 = tpu.vector_load_idx %arg10[%add3A_582, %broadcast_in_dim3A_1833] : memref<128x256xf32, #tpu.memory_space<vmem>>[vector<16xi32>, vector<16xi32>], vector<16xf32>,
          %mul3A_1835 = arith.mulf %gather3A_1834, %add3A_1812 : vector<16xf32>
          %add3A_1836 = arith.addf %scan3A_1769, %mul3A_1835 : vector<16xf32>
          %mul3A_1837 = arith.constant 4 : i32
          %mul3A_1838 = arith.muli %scan3A_1766, %mul3A_1837 : i32
          %add3A_1839 = arith.constant 3 : i32
          %add3A_1840 = arith.addi %mul3A_1838, %add3A_1839 : i32
          %broadcast_in_dim3A_1841 = vector.broadcast %add3A_1840 : i32 to vector<16xi32>
          %gather3A_1842 = tpu.vector_load_idx %arg10[%add3A_582, %broadcast_in_dim3A_1841] : memref<128x256xf32, #tpu.memory_space<vmem>>[vector<16xi32>, vector<16xi32>], vector<16xf32>,
          %mul3A_1843 = arith.mulf %gather3A_1842, %add3A_1812 : vector<16xf32>
          %add3A_1844 = arith.addf %scan3A_1770, %mul3A_1843 : vector<16xf32>
          scf.yield %add3A_1820, %add3A_1828, %add3A_1836, %add3A_1844 : vector<16xf32>, vector<16xf32>, vector<16xf32>, vector<16xf32>
        }
        %scan3A_1757 = arith.constant 64 : i32
        %broadcast_in_dim3A_1758 = arith.constant 0 : i32
        %broadcast_in_dim3A_1759 = vector.broadcast %broadcast_in_dim3A_1758 : i32 to vector<16xi32>
        tpu.vector_store_idx %arg12[%add3A_582, %broadcast_in_dim3A_1759], %scan3A_1756#0 : memref<128x4xf32, #tpu.memory_space<vmem>>[vector<16xi32>, vector<16xi32>], vector<16xf32>,
        %broadcast_in_dim3A_1760 = arith.constant 1 : i32
        %broadcast_in_dim3A_1761 = vector.broadcast %broadcast_in_dim3A_1760 : i32 to vector<16xi32>
        tpu.vector_store_idx %arg12[%add3A_582, %broadcast_in_dim3A_1761], %scan3A_1756#1 : memref<128x4xf32, #tpu.memory_space<vmem>>[vector<16xi32>, vector<16xi32>], vector<16xf32>,
        %broadcast_in_dim3A_1762 = arith.constant 2 : i32
        %broadcast_in_dim3A_1763 = vector.broadcast %broadcast_in_dim3A_1762 : i32 to vector<16xi32>
        tpu.vector_store_idx %arg12[%add3A_582, %broadcast_in_dim3A_1763], %scan3A_1756#2 : memref<128x4xf32, #tpu.memory_space<vmem>>[vector<16xi32>, vector<16xi32>], vector<16xf32>,
        %broadcast_in_dim3A_1764 = arith.constant 3 : i32
        %broadcast_in_dim3A_1765 = vector.broadcast %broadcast_in_dim3A_1764 : i32 to vector<16xi32>
        tpu.vector_store_idx %arg12[%add3A_582, %broadcast_in_dim3A_1765], %scan3A_1756#3 : memref<128x4xf32, #tpu.memory_space<vmem>>[vector<16xi32>, vector<16xi32>], vector<16xf32>,
      }
      %scan3A_576 = arith.constant 8 : i32
      %sub3A = arith.constant 16384 : i32
      %sub3A_577 = arith.subi %add3A_570, %sub3A : i32
      "tpu.region"() ({
        %run_scoped3A = tpu.sem_alloc : memref<!tpu.dma_semaphore, #tpu.memory_space<semaphore_mem>>
        %dma_start3A = arith.constant 0 : i32
        %dma_start3A_578 = tpu.memref_slice %arg7[%sub3A_577, %dma_start3A] : memref<16384x4xf32, #tpu.memory_space<hbm>> -> memref<128x4xf32, #tpu.memory_space<hbm>>
        %dma_start3A_579 = arith.constant 0 : i32
        %dma_start3A_580 = tpu.memref_slice %arg7[%sub3A_577, %dma_start3A_579] : memref<16384x4xf32, #tpu.memory_space<hbm>> -> memref<128x4xf32, #tpu.memory_space<hbm>>
        tpu.enqueue_dma source(%arg12 : memref<128x4xf32, #tpu.memory_space<vmem>>) target(%dma_start3A_580 : memref<128x4xf32, #tpu.memory_space<hbm>>) target_semaphore(%run_scoped3A : memref<!tpu.dma_semaphore, #tpu.memory_space<semaphore_mem>>)
        %dma_wait3A = arith.constant 0 : i32
        %dma_wait3A_581 = tpu.memref_slice %arg7[%sub3A_577, %dma_wait3A] : memref<16384x4xf32, #tpu.memory_space<hbm>> -> memref<128x4xf32, #tpu.memory_space<hbm>>
        %dma_wait3A_582 = arith.constant 0 : i32
        %dma_wait3A_583 = tpu.memref_slice %arg7[%sub3A_577, %dma_wait3A_582] : memref<16384x4xf32, #tpu.memory_space<hbm>> -> memref<128x4xf32, #tpu.memory_space<hbm>>
        tpu.wait_dma2 semaphore(%run_scoped3A : memref<!tpu.dma_semaphore, #tpu.memory_space<semaphore_mem>>) src(%arg12 : memref<128x4xf32, #tpu.memory_space<vmem>>) dst(%dma_wait3A_583 : memref<128x4xf32, #tpu.memory_space<hbm>>)
        tpu.yield
      }) : () -> ()
    }
    %scan3A_566 = arith.constant 4 : i32
    "tpu.region"() ({
      %run_scoped3A = tpu.sem_alloc : memref<!tpu.dma_semaphore, #tpu.memory_space<semaphore_mem>>
      %dma_start3A = arith.constant 0 : i32
      %dma_start3A_567 = arith.constant 0 : i32
      %dma_start3A_568 = tpu.memref_slice %arg8[%add3A, %dma_start3A, %dma_start3A_567] : memref<32x8x16xf32, #tpu.memory_space<hbm>> -> memref<1x8x16xf32, #tpu.memory_space<hbm>>
      %dma_start3A_569 = tpu.memref_squeeze %dma_start3A_568 : memref<1x8x16xf32, #tpu.memory_space<hbm>> -> memref<8x16xf32, #tpu.memory_space<hbm>>
      %dma_start3A_570 = arith.constant 0 : i32
      %dma_start3A_571 = arith.constant 0 : i32
      %dma_start3A_572 = tpu.memref_slice %arg8[%add3A, %dma_start3A_570, %dma_start3A_571] : memref<32x8x16xf32, #tpu.memory_space<hbm>> -> memref<1x8x16xf32, #tpu.memory_space<hbm>>
      %dma_start3A_573 = tpu.memref_squeeze %dma_start3A_572 : memref<1x8x16xf32, #tpu.memory_space<hbm>> -> memref<8x16xf32, #tpu.memory_space<hbm>>
      tpu.enqueue_dma source(%arg13 : memref<8x16xf32, #tpu.memory_space<vmem>>) target(%dma_start3A_573 : memref<8x16xf32, #tpu.memory_space<hbm>>) target_semaphore(%run_scoped3A : memref<!tpu.dma_semaphore, #tpu.memory_space<semaphore_mem>>)
      %dma_wait3A = arith.constant 0 : i32
      %dma_wait3A_574 = arith.constant 0 : i32
      %dma_wait3A_575 = tpu.memref_slice %arg8[%add3A, %dma_wait3A, %dma_wait3A_574] : memref<32x8x16xf32, #tpu.memory_space<hbm>> -> memref<1x8x16xf32, #tpu.memory_space<hbm>>
      %dma_wait3A_576 = tpu.memref_squeeze %dma_wait3A_575 : memref<1x8x16xf32, #tpu.memory_space<hbm>> -> memref<8x16xf32, #tpu.memory_space<hbm>>
      %dma_wait3A_577 = arith.constant 0 : i32
      %dma_wait3A_578 = arith.constant 0 : i32
      %dma_wait3A_579 = tpu.memref_slice %arg8[%add3A, %dma_wait3A_577, %dma_wait3A_578] : memref<32x8x16xf32, #tpu.memory_space<hbm>> -> memref<1x8x16xf32, #tpu.memory_space<hbm>>
      %dma_wait3A_580 = tpu.memref_squeeze %dma_wait3A_579 : memref<1x8x16xf32, #tpu.memory_space<hbm>> -> memref<8x16xf32, #tpu.memory_space<hbm>>
      tpu.wait_dma2 semaphore(%run_scoped3A : memref<!tpu.dma_semaphore, #tpu.memory_space<semaphore_mem>>) src(%arg13 : memref<8x16xf32, #tpu.memory_space<vmem>>) dst(%dma_wait3A_580 : memref<8x16xf32, #tpu.memory_space<hbm>>)
      tpu.yield
    }) : () -> ()
    "tpu.region"() ({
      %run_scoped3A = tpu.sem_alloc : memref<!tpu.dma_semaphore, #tpu.memory_space<semaphore_mem>>
      %dma_start3A = arith.constant 0 : i32
      %dma_start3A_567 = arith.constant 0 : i32
      %dma_start3A_568 = tpu.memref_slice %arg9[%add3A, %dma_start3A, %dma_start3A_567] : memref<32x8x16xf32, #tpu.memory_space<hbm>> -> memref<1x8x16xf32, #tpu.memory_space<hbm>>
      %dma_start3A_569 = tpu.memref_squeeze %dma_start3A_568 : memref<1x8x16xf32, #tpu.memory_space<hbm>> -> memref<8x16xf32, #tpu.memory_space<hbm>>
      %dma_start3A_570 = arith.constant 0 : i32
      %dma_start3A_571 = arith.constant 0 : i32
      %dma_start3A_572 = tpu.memref_slice %arg9[%add3A, %dma_start3A_570, %dma_start3A_571] : memref<32x8x16xf32, #tpu.memory_space<hbm>> -> memref<1x8x16xf32, #tpu.memory_space<hbm>>
      %dma_start3A_573 = tpu.memref_squeeze %dma_start3A_572 : memref<1x8x16xf32, #tpu.memory_space<hbm>> -> memref<8x16xf32, #tpu.memory_space<hbm>>
      tpu.enqueue_dma source(%arg14 : memref<8x16xf32, #tpu.memory_space<vmem>>) target(%dma_start3A_573 : memref<8x16xf32, #tpu.memory_space<hbm>>) target_semaphore(%run_scoped3A : memref<!tpu.dma_semaphore, #tpu.memory_space<semaphore_mem>>)
      %dma_wait3A = arith.constant 0 : i32
      %dma_wait3A_574 = arith.constant 0 : i32
      %dma_wait3A_575 = tpu.memref_slice %arg9[%add3A, %dma_wait3A, %dma_wait3A_574] : memref<32x8x16xf32, #tpu.memory_space<hbm>> -> memref<1x8x16xf32, #tpu.memory_space<hbm>>
      %dma_wait3A_576 = tpu.memref_squeeze %dma_wait3A_575 : memref<1x8x16xf32, #tpu.memory_space<hbm>> -> memref<8x16xf32, #tpu.memory_space<hbm>>
      %dma_wait3A_577 = arith.constant 0 : i32
      %dma_wait3A_578 = arith.constant 0 : i32
      %dma_wait3A_579 = tpu.memref_slice %arg9[%add3A, %dma_wait3A_577, %dma_wait3A_578] : memref<32x8x16xf32, #tpu.memory_space<hbm>> -> memref<1x8x16xf32, #tpu.memory_space<hbm>>
      %dma_wait3A_580 = tpu.memref_squeeze %dma_wait3A_579 : memref<1x8x16xf32, #tpu.memory_space<hbm>> -> memref<8x16xf32, #tpu.memory_space<hbm>>
      tpu.wait_dma2 semaphore(%run_scoped3A : memref<!tpu.dma_semaphore, #tpu.memory_space<semaphore_mem>>) src(%arg14 : memref<8x16xf32, #tpu.memory_space<vmem>>) dst(%dma_wait3A_580 : memref<8x16xf32, #tpu.memory_space<hbm>>)
      tpu.yield
    }) : () -> ()
    return
  }
}

module attributes {stable_mosaic.version = 14 : i64} {
  func.func @_moe_block_kernel(%arg0: i32, %arg1: memref<4096x256xf32, #tpu.memory_space<vmem>>, %arg2: memref<4096x8xf32, #tpu.memory_space<vmem>>, %arg3: memref<256x8xf32, #tpu.memory_space<vmem>>, %arg4: memref<256x8xf32, #tpu.memory_space<vmem>>, %arg5: memref<8x64xf32, #tpu.memory_space<vmem>>, %arg6: memref<8x1xf32, #tpu.memory_space<vmem>>, %arg7: memref<4096x4xf32, #tpu.memory_space<vmem>>, %arg8: memref<1x8xf32, #tpu.memory_space<vmem>>, %arg9: memref<1x8xf32, #tpu.memory_space<vmem>>) attributes {dimension_semantics = [#tpu.dimension_semantics<arbitrary>], iteration_bounds = array<i64: 4>, scalar_prefetch = 0 : i64, scratch_operands = 0 : i64, tpu.core_type = #tpu.core_type<tc>, window_params = [{transform_indices = @transform_0, window_bounds = array<i64: 4096, 256>}, {transform_indices = @transform_1, window_bounds = array<i64: 4096, 8>}, {pipeline_mode = #tpu.pipeline_mode<synchronous>, transform_indices = @transform_2, window_bounds = array<i64: 256, 8>}, {pipeline_mode = #tpu.pipeline_mode<synchronous>, transform_indices = @transform_3, window_bounds = array<i64: 256, 8>}, {pipeline_mode = #tpu.pipeline_mode<synchronous>, transform_indices = @transform_4, window_bounds = array<i64: 8, 64>}, {pipeline_mode = #tpu.pipeline_mode<synchronous>, transform_indices = @transform_5, window_bounds = array<i64: 8, 1>}, {transform_indices = @transform_6, window_bounds = array<i64: 4096, 4>}, {pipeline_mode = #tpu.pipeline_mode<synchronous>, transform_indices = @transform_7, window_bounds = array<i64: 1, 8>}, {pipeline_mode = #tpu.pipeline_mode<synchronous>, transform_indices = @transform_8, window_bounds = array<i64: 1, 8>}]} {
    %get3A = arith.constant 0 : index
    %get3A_0 = arith.constant 0 : index
    %get3A_1 = vector.load %arg1[%get3A, %get3A_0] : memref<4096x256xf32, #tpu.memory_space<vmem>>, vector<4096x256xf32>
    %get3A_2 = arith.constant 0 : index
    %get3A_3 = arith.constant 0 : index
    %get3A_4 = vector.load %arg2[%get3A_2, %get3A_3] : memref<4096x8xf32, #tpu.memory_space<vmem>>, vector<4096x8xf32>
    %get3A_5 = arith.constant 0 : index
    %get3A_6 = arith.constant 0 : index
    %get3A_7 = vector.load %arg3[%get3A_5, %get3A_6] : memref<256x8xf32, #tpu.memory_space<vmem>>, vector<256x8xf32>
    %dot_general3A = arith.constant dense<0.000000e+00> : vector<4096x8xf32>
    %dot_general3A_8 = tpu.matmul %get3A_1, %get3A_7, %dot_general3A {dimension_numbers = #tpu.dot_dimension_numbers<[1], [0], [0], [1], [0, 0, 1, 1], [], []>, transpose_lhs_hint = false} : vector<4096x256xf32>, vector<256x8xf32>, vector<4096x8xf32> -> vector<4096x8xf32>
    %get3A_9 = arith.constant 0 : index
    %get3A_10 = arith.constant 0 : index
    %get3A_11 = vector.load %arg4[%get3A_9, %get3A_10] : memref<256x8xf32, #tpu.memory_space<vmem>>, vector<256x8xf32>
    %dot_general3A_12 = arith.constant dense<0.000000e+00> : vector<4096x8xf32>
    %dot_general3A_13 = tpu.matmul %get3A_1, %get3A_11, %dot_general3A_12 {dimension_numbers = #tpu.dot_dimension_numbers<[1], [0], [0], [1], [0, 0, 1, 1], [], []>, transpose_lhs_hint = false} : vector<4096x256xf32>, vector<256x8xf32>, vector<4096x8xf32> -> vector<4096x8xf32>
    %custom_jvp_call3A = arith.constant 0.000000e+00 : f32
    %max3A = vector.broadcast %custom_jvp_call3A : f32 to vector<4096x8xf32>
    %max3A_14 = arith.maximumf %dot_general3A_13, %max3A : vector<4096x8xf32>
    %sub3A = vector.broadcast %custom_jvp_call3A : f32 to vector<4096x8xf32>
    %sub3A_15 = arith.subf %dot_general3A_13, %sub3A : vector<4096x8xf32>
    %ne3A = arith.cmpf one, %sub3A_15, %sub3A_15 : vector<4096x8xf32>
    %add3A = vector.broadcast %custom_jvp_call3A : f32 to vector<4096x8xf32>
    %add3A_16 = arith.addf %dot_general3A_13, %add3A : vector<4096x8xf32>
    %abs3A = math.absf %sub3A_15 : vector<4096x8xf32>
    %neg3A = arith.constant 0.000000e+00 : f32
    %neg3A_17 = vector.broadcast %neg3A : f32 to vector<4096x8xf32>
    %neg3A_18 = arith.subf %neg3A_17, %abs3A : vector<4096x8xf32>
    %exp3A = math.exp %neg3A_18 : vector<4096x8xf32>
    %log1p3A = math.log1p %exp3A : vector<4096x8xf32>
    %add3A_19 = arith.addf %max3A_14, %log1p3A : vector<4096x8xf32>
    %select_n3A = arith.select %ne3A, %add3A_16, %add3A_19 : vector<4096x8xi1>, vector<4096x8xf32>
    %add3A_20 = arith.constant 0.00999999977 : f32
    %add3A_21 = vector.broadcast %add3A_20 : f32 to vector<4096x8xf32>
    %add3A_22 = arith.addf %select_n3A, %add3A_21 : vector<4096x8xf32>
    %mul3A = arith.mulf %get3A_4, %add3A_22 : vector<4096x8xf32>
    %add3A_23 = arith.addf %dot_general3A_8, %mul3A : vector<4096x8xf32>
    %iota3A = tpu.iota {dimensions = array<i32: 1>} : vector<4096x8xi32>
    %argmax3A = tpu.reduce_index %add3A_23 {axis = 1 : i32, kind = #tpu.reduction_kind<arg_max>} : vector<4096x8xf32> -> vector<4096xi32>
    %broadcast_in_dim3A = vector.shape_cast %argmax3A : vector<4096xi32> to vector<4096x1xi32>
    %reduce_max3A = arith.constant dense<0xFF800000> : vector<4096xf32>
    %reduce_max3A_24 = vector.multi_reduction <maximumf>, %add3A_23, %reduce_max3A [1] : vector<4096x8xf32> to vector<4096xf32>
    %broadcast_in_dim3A_25 = vector.shape_cast %reduce_max3A_24 : vector<4096xf32> to vector<4096x1xf32>
    %eq3A = vector.broadcast %broadcast_in_dim3A : vector<4096x1xi32> to vector<4096x8xi32>
    %eq3A_26 = arith.cmpi eq, %iota3A, %eq3A : vector<4096x8xi32>
    %jit3A = arith.constant 0xFF800000 : f32
    %broadcast_in_dim3A_27 = vector.broadcast %jit3A : f32 to vector<4096x8xf32>
    %select_n3A_28 = arith.select %eq3A_26, %broadcast_in_dim3A_27, %add3A_23 : vector<4096x8xi1>, vector<4096x8xf32>
    %argmax3A_29 = tpu.reduce_index %select_n3A_28 {axis = 1 : i32, kind = #tpu.reduction_kind<arg_max>} : vector<4096x8xf32> -> vector<4096xi32>
    %broadcast_in_dim3A_30 = vector.shape_cast %argmax3A_29 : vector<4096xi32> to vector<4096x1xi32>
    %reduce_max3A_31 = arith.constant dense<0xFF800000> : vector<4096xf32>
    %reduce_max3A_32 = vector.multi_reduction <maximumf>, %select_n3A_28, %reduce_max3A_31 [1] : vector<4096x8xf32> to vector<4096xf32>
    %broadcast_in_dim3A_33 = vector.shape_cast %reduce_max3A_32 : vector<4096xf32> to vector<4096x1xf32>
    %eq3A_34 = vector.broadcast %broadcast_in_dim3A_30 : vector<4096x1xi32> to vector<4096x8xi32>
    %eq3A_35 = arith.cmpi eq, %iota3A, %eq3A_34 : vector<4096x8xi32>
    %jit3A_36 = arith.constant 0xFF800000 : f32
    %broadcast_in_dim3A_37 = vector.broadcast %jit3A_36 : f32 to vector<4096x8xf32>
    %select_n3A_38 = arith.select %eq3A_35, %broadcast_in_dim3A_37, %select_n3A_28 : vector<4096x8xi1>, vector<4096x8xf32>
    %reduce_max3A_39 = arith.constant dense<0xFF800000> : vector<4096xf32>
    %reduce_max3A_40 = vector.multi_reduction <maximumf>, %select_n3A_38, %reduce_max3A_39 [1] : vector<4096x8xf32> to vector<4096xf32>
    %broadcast_in_dim3A_41 = vector.shape_cast %reduce_max3A_40 : vector<4096xf32> to vector<4096x1xf32>
    %sub3A_42 = arith.subf %broadcast_in_dim3A_33, %broadcast_in_dim3A_25 : vector<4096x1xf32>
    %exp3A_43 = math.exp %sub3A_42 : vector<4096x1xf32>
    %add3A_44 = arith.constant 1.000000e+00 : f32
    %add3A_45 = vector.broadcast %add3A_44 : f32 to vector<4096x1xf32>
    %add3A_46 = arith.addf %add3A_45, %exp3A_43 : vector<4096x1xf32>
    %div3A = arith.constant 1.000000e+00 : f32
    %div3A_47 = vector.broadcast %div3A : f32 to vector<4096x1xf32>
    %div3A_48 = arith.divf %div3A_47, %add3A_46 : vector<4096x1xf32>
    %jit3A_49 = arith.constant 0.000000e+00 : f32
    %broadcast_in_dim3A_50 = vector.shape_cast %div3A_48 : vector<4096x1xf32> to vector<4096x1xf32>
    %broadcast_in_dim3A_51 = vector.broadcast %broadcast_in_dim3A_50 : vector<4096x1xf32> to vector<4096x8xf32>
    %broadcast_in_dim3A_52 = vector.broadcast %jit3A_49 : f32 to vector<4096x8xf32>
    %select_n3A_53 = arith.select %eq3A_26, %broadcast_in_dim3A_51, %broadcast_in_dim3A_52 : vector<4096x8xi1>, vector<4096x8xf32>
    %div3A_54 = arith.divf %exp3A_43, %add3A_46 : vector<4096x1xf32>
    %jit3A_55 = arith.constant 0.000000e+00 : f32
    %broadcast_in_dim3A_56 = vector.shape_cast %div3A_54 : vector<4096x1xf32> to vector<4096x1xf32>
    %broadcast_in_dim3A_57 = vector.broadcast %broadcast_in_dim3A_56 : vector<4096x1xf32> to vector<4096x8xf32>
    %broadcast_in_dim3A_58 = vector.broadcast %jit3A_55 : f32 to vector<4096x8xf32>
    %select_n3A_59 = arith.select %eq3A_35, %broadcast_in_dim3A_57, %broadcast_in_dim3A_58 : vector<4096x8xi1>, vector<4096x8xf32>
    %add3A_60 = arith.addf %select_n3A_53, %select_n3A_59 : vector<4096x8xf32>
    %div3A_61 = arith.constant 1.000000e+00 : f32
    %div3A_62 = vector.broadcast %div3A_61 : f32 to vector<4096x8xf32>
    %div3A_63 = arith.divf %div3A_62, %add3A_22 : vector<4096x8xf32>
    %sub3A_64 = vector.broadcast %broadcast_in_dim3A_41 : vector<4096x1xf32> to vector<4096x8xf32>
    %sub3A_65 = arith.subf %dot_general3A_8, %sub3A_64 : vector<4096x8xf32>
    %mul3A_66 = arith.mulf %sub3A_65, %div3A_63 : vector<4096x8xf32>
    %mul3A_67 = arith.constant 0.707106769 : f32
    %mul3A_68 = vector.broadcast %mul3A_67 : f32 to vector<4096x8xf32>
    %mul3A_69 = arith.mulf %mul3A_66, %mul3A_68 : vector<4096x8xf32>
    %erf3A = math.erf %mul3A_69 : vector<4096x8xf32>
    %add3A_70 = arith.constant 1.000000e+00 : f32
    %add3A_71 = vector.broadcast %add3A_70 : f32 to vector<4096x8xf32>
    %add3A_72 = arith.addf %add3A_71, %erf3A : vector<4096x8xf32>
    %mul3A_73 = arith.constant 5.000000e-01 : f32
    %mul3A_74 = vector.broadcast %mul3A_73 : f32 to vector<4096x8xf32>
    %mul3A_75 = arith.mulf %mul3A_74, %add3A_72 : vector<4096x8xf32>
    %sub3A_76 = vector.broadcast %broadcast_in_dim3A_33 : vector<4096x1xf32> to vector<4096x8xf32>
    %sub3A_77 = arith.subf %dot_general3A_8, %sub3A_76 : vector<4096x8xf32>
    %mul3A_78 = arith.mulf %sub3A_77, %div3A_63 : vector<4096x8xf32>
    %mul3A_79 = arith.constant 0.707106769 : f32
    %mul3A_80 = vector.broadcast %mul3A_79 : f32 to vector<4096x8xf32>
    %mul3A_81 = arith.mulf %mul3A_78, %mul3A_80 : vector<4096x8xf32>
    %erf3A_82 = math.erf %mul3A_81 : vector<4096x8xf32>
    %add3A_83 = arith.constant 1.000000e+00 : f32
    %add3A_84 = vector.broadcast %add3A_83 : f32 to vector<4096x8xf32>
    %add3A_85 = arith.addf %add3A_84, %erf3A_82 : vector<4096x8xf32>
    %mul3A_86 = arith.constant 5.000000e-01 : f32
    %mul3A_87 = vector.broadcast %mul3A_86 : f32 to vector<4096x8xf32>
    %mul3A_88 = arith.mulf %mul3A_87, %add3A_85 : vector<4096x8xf32>
    %gt3A = vector.broadcast %broadcast_in_dim3A_41 : vector<4096x1xf32> to vector<4096x8xf32>
    %gt3A_89 = arith.cmpf ogt, %add3A_23, %gt3A : vector<4096x8xf32>
    %select_n3A_90 = arith.select %gt3A_89, %mul3A_75, %mul3A_88 : vector<4096x8xi1>, vector<4096x8xf32>
    %get3A_91 = arith.constant 0 : index
    %get3A_92 = arith.constant 0 : index
    %get3A_93 = vector.load %arg5[%get3A_91, %get3A_92] : memref<8x64xf32, #tpu.memory_space<vmem>>, vector<8x64xf32>
    %ge3A = arith.constant 0.000000e+00 : f32
    %ge3A_94 = vector.broadcast %ge3A : f32 to vector<8x64xf32>
    %ge3A_95 = arith.cmpf oge, %get3A_93, %ge3A_94 : vector<8x64xf32>
    %get3A_96 = arith.constant 0 : index
    %get3A_97 = arith.constant 0 : index
    %get3A_98 = vector.load %arg6[%get3A_96, %get3A_97] : memref<8x1xf32, #tpu.memory_space<vmem>>, vector<8x1xf32>
    %mul3A_99 = vector.broadcast %get3A_98 : vector<8x1xf32> to vector<8x64xf32>
    %mul3A_100 = arith.mulf %mul3A_99, %get3A_93 : vector<8x64xf32>
    %select_n3A_101 = arith.select %ge3A_95, %get3A_93, %mul3A_100 : vector<8x64xi1>, vector<8x64xf32>
    %iota3A_102 = tpu.iota {dimensions = array<i32: 0>} : vector<64x256xi32>
    %iota3A_103 = tpu.iota {dimensions = array<i32: 1>} : vector<64x256xi32>
    %jit3A_104 = arith.constant 4 : i32
    %div3A_105 = vector.broadcast %jit3A_104 : i32 to vector<64x256xi32>
    %div3A_106 = arith.divsi %iota3A_103, %div3A_105 : vector<64x256xi32>
    %sign3A = arith.constant 0 : i32
    %sign3A_107 = vector.broadcast %sign3A : i32 to vector<64x256xi32>
    %sign3A_108 = arith.cmpi sgt, %iota3A_103, %sign3A_107 : vector<64x256xi32>
    %sign3A_109 = arith.extui %sign3A_108 : vector<64x256xi1> to vector<64x256xi32>
    %sign3A_110 = arith.constant 0 : i32
    %sign3A_111 = vector.broadcast %sign3A_110 : i32 to vector<64x256xi32>
    %sign3A_112 = arith.cmpi slt, %iota3A_103, %sign3A_111 : vector<64x256xi32>
    %sign3A_113 = arith.extui %sign3A_112 : vector<64x256xi1> to vector<64x256xi32>
    %sign3A_114 = arith.subi %sign3A_109, %sign3A_113 : vector<64x256xi32>
    %sign3A_115 = arith.constant 0 : i32
    %sign3A_116 = arith.cmpi sgt, %jit3A_104, %sign3A_115 : i32
    %sign3A_117 = arith.extui %sign3A_116 : i1 to i32
    %sign3A_118 = arith.constant 0 : i32
    %sign3A_119 = arith.cmpi slt, %jit3A_104, %sign3A_118 : i32
    %sign3A_120 = arith.extui %sign3A_119 : i1 to i32
    %sign3A_121 = arith.subi %sign3A_117, %sign3A_120 : i32
    %ne3A_122 = vector.broadcast %sign3A_121 : i32 to vector<64x256xi32>
    %ne3A_123 = arith.cmpi ne, %sign3A_114, %ne3A_122 : vector<64x256xi32>
    %rem3A = vector.broadcast %jit3A_104 : i32 to vector<64x256xi32>
    %rem3A_124 = arith.remsi %iota3A_103, %rem3A : vector<64x256xi32>
    %ne3A_125 = arith.constant 0 : i32
    %ne3A_126 = vector.broadcast %ne3A_125 : i32 to vector<64x256xi32>
    %ne3A_127 = arith.cmpi ne, %rem3A_124, %ne3A_126 : vector<64x256xi32>
    %and3A = arith.andi %ne3A_123, %ne3A_127 : vector<64x256xi1>
    %sub3A_128 = arith.constant 1 : i32
    %sub3A_129 = vector.broadcast %sub3A_128 : i32 to vector<64x256xi32>
    %sub3A_130 = arith.subi %div3A_106, %sub3A_129 : vector<64x256xi32>
    %select_n3A_131 = arith.select %and3A, %sub3A_130, %div3A_106 : vector<64x256xi1>, vector<64x256xi32>
    %eq3A_132 = arith.cmpi eq, %select_n3A_131, %iota3A_102 : vector<64x256xi32>
    %convert_element_type3A = arith.extui %eq3A_132 : vector<64x256xi1> to vector<64x256xi32>
    %convert_element_type3A_133 = arith.sitofp %convert_element_type3A : vector<64x256xi32> to vector<64x256xf32>
    %dot_general3A_134 = arith.constant dense<0.000000e+00> : vector<8x256xf32>
    %dot_general3A_135 = tpu.matmul %select_n3A_101, %convert_element_type3A_133, %dot_general3A_134 {dimension_numbers = #tpu.dot_dimension_numbers<[1], [0], [0], [1], [0, 0, 1, 1], [], []>, transpose_lhs_hint = false} : vector<8x64xf32>, vector<64x256xf32>, vector<8x256xf32> -> vector<8x256xf32>
    %dot_general3A_136 = arith.constant dense<0.000000e+00> : vector<4096x256xf32>
    %dot_general3A_137 = tpu.matmul %add3A_60, %dot_general3A_135, %dot_general3A_136 {dimension_numbers = #tpu.dot_dimension_numbers<[1], [0], [0], [1], [0, 0, 1, 1], [], []>, transpose_lhs_hint = false} : vector<4096x8xf32>, vector<8x256xf32>, vector<4096x256xf32> -> vector<4096x256xf32>
    %mul3A_138 = arith.mulf %get3A_1, %dot_general3A_137 : vector<4096x256xf32>
    %iota3A_139 = tpu.iota {dimensions = array<i32: 0>} : vector<256x4xi32>
    %iota3A_140 = tpu.iota {dimensions = array<i32: 1>} : vector<256x4xi32>
    %jit3A_141 = arith.constant 4 : i32
    %eq3A_142 = arith.constant 0 : i32
    %eq3A_143 = arith.cmpi eq, %jit3A_141, %eq3A_142 : i32
    %jit3A_144 = arith.constant 1 : i32
    %select_n3A_145 = arith.select %eq3A_143, %jit3A_144, %jit3A_141 : i32
    %rem3A_146 = vector.broadcast %select_n3A_145 : i32 to vector<256x4xi32>
    %rem3A_147 = arith.remsi %iota3A_139, %rem3A_146 : vector<256x4xi32>
    %ne3A_148 = arith.constant 0 : i32
    %ne3A_149 = vector.broadcast %ne3A_148 : i32 to vector<256x4xi32>
    %ne3A_150 = arith.cmpi ne, %rem3A_147, %ne3A_149 : vector<256x4xi32>
    %lt3A = arith.constant 0 : i32
    %lt3A_151 = vector.broadcast %lt3A : i32 to vector<256x4xi32>
    %lt3A_152 = arith.cmpi slt, %rem3A_147, %lt3A_151 : vector<256x4xi32>
    %lt3A_153 = arith.constant 0 : i32
    %lt3A_154 = arith.cmpi slt, %select_n3A_145, %lt3A_153 : i32
    %ne3A_155 = vector.broadcast %lt3A_154 : i1 to vector<256x4xi1>
    %ne3A_156 = vector.broadcast %ne3A_155 : vector<256x4xi1> to vector<256x4xi1>
    %ne3A_157 = arith.xori %lt3A_152, %ne3A_156 : vector<256x4xi1>
    %and3A_158 = arith.andi %ne3A_157, %ne3A_150 : vector<256x4xi1>
    %add3A_159 = vector.broadcast %select_n3A_145 : i32 to vector<256x4xi32>
    %add3A_160 = arith.addi %rem3A_147, %add3A_159 : vector<256x4xi32>
    %select_n3A_161 = arith.select %and3A_158, %add3A_160, %rem3A_147 : vector<256x4xi1>, vector<256x4xi32>
    %eq3A_162 = arith.cmpi eq, %select_n3A_161, %iota3A_140 : vector<256x4xi32>
    %convert_element_type3A_163 = arith.extui %eq3A_162 : vector<256x4xi1> to vector<256x4xi32>
    %convert_element_type3A_164 = arith.sitofp %convert_element_type3A_163 : vector<256x4xi32> to vector<256x4xf32>
    %dot_general3A_165 = arith.constant dense<0.000000e+00> : vector<4096x4xf32>
    %dot_general3A_166 = tpu.matmul %mul3A_138, %convert_element_type3A_164, %dot_general3A_165 {dimension_numbers = #tpu.dot_dimension_numbers<[1], [0], [0], [1], [0, 0, 1, 1], [], []>, transpose_lhs_hint = false} : vector<4096x256xf32>, vector<256x4xf32>, vector<4096x4xf32> -> vector<4096x4xf32>
    %swap3A = arith.constant 0 : index
    %swap3A_167 = arith.constant 0 : index
    %swap3A_168 = vector.load %arg7[%swap3A, %swap3A_167] : memref<4096x4xf32, #tpu.memory_space<vmem>>, vector<4096x4xf32>
    tpu.vector_store %arg7[%swap3A, %swap3A_167], %dot_general3A_166 {strides = array<i32>} : memref<4096x4xf32, #tpu.memory_space<vmem>>, vector<4096x4xf32>,
    %eq3A_169 = arith.constant 0 : i32
    %eq3A_170 = arith.cmpi eq, %arg0, %eq3A_169 : i32
    %convert_element_type3A_171 = arith.extui %eq3A_170 : i1 to i32
    %cond3A = arith.constant 0 : i32
    %cond3A_172 = arith.cmpi ne, %convert_element_type3A_171, %cond3A : i32
    scf.if %cond3A_172 {
      %broadcast_in_dim3A_192 = arith.constant 0.000000e+00 : f32
      %broadcast_in_dim3A_193 = vector.broadcast %broadcast_in_dim3A_192 : f32 to vector<1x8xf32>
      %swap3A_194 = arith.constant 0 : index
      %swap3A_195 = arith.constant 0 : index
      %swap3A_196 = vector.load %arg8[%swap3A_194, %swap3A_195] : memref<1x8xf32, #tpu.memory_space<vmem>>, vector<1x8xf32>
      tpu.vector_store %arg8[%swap3A_194, %swap3A_195], %broadcast_in_dim3A_193 {strides = array<i32>} : memref<1x8xf32, #tpu.memory_space<vmem>>, vector<1x8xf32>,
      %broadcast_in_dim3A_197 = arith.constant 0.000000e+00 : f32
      %broadcast_in_dim3A_198 = vector.broadcast %broadcast_in_dim3A_197 : f32 to vector<1x8xf32>
      %swap3A_199 = arith.constant 0 : index
      %swap3A_200 = arith.constant 0 : index
      %swap3A_201 = vector.load %arg9[%swap3A_199, %swap3A_200] : memref<1x8xf32, #tpu.memory_space<vmem>>, vector<1x8xf32>
      tpu.vector_store %arg9[%swap3A_199, %swap3A_200], %broadcast_in_dim3A_198 {strides = array<i32>} : memref<1x8xf32, #tpu.memory_space<vmem>>, vector<1x8xf32>,
    } else {
    }
    %get3A_173 = arith.constant 0 : index
    %get3A_174 = arith.constant 0 : index
    %get3A_175 = vector.load %arg8[%get3A_173, %get3A_174] : memref<1x8xf32, #tpu.memory_space<vmem>>, vector<1x8xf32>
    %reduce_sum3A = arith.constant dense<0.000000e+00> : vector<8xf32>
    %reduce_sum3A_176 = vector.multi_reduction <add>, %add3A_60, %reduce_sum3A [0] : vector<4096x8xf32> to vector<8xf32>
    %broadcast_in_dim3A_177 = vector.shape_cast %reduce_sum3A_176 : vector<8xf32> to vector<1x8xf32>
    %add3A_178 = arith.addf %get3A_175, %broadcast_in_dim3A_177 : vector<1x8xf32>
    %swap3A_179 = arith.constant 0 : index
    %swap3A_180 = arith.constant 0 : index
    %swap3A_181 = vector.load %arg8[%swap3A_179, %swap3A_180] : memref<1x8xf32, #tpu.memory_space<vmem>>, vector<1x8xf32>
    tpu.vector_store %arg8[%swap3A_179, %swap3A_180], %add3A_178 {strides = array<i32>} : memref<1x8xf32, #tpu.memory_space<vmem>>, vector<1x8xf32>,
    %get3A_182 = arith.constant 0 : index
    %get3A_183 = arith.constant 0 : index
    %get3A_184 = vector.load %arg9[%get3A_182, %get3A_183] : memref<1x8xf32, #tpu.memory_space<vmem>>, vector<1x8xf32>
    %reduce_sum3A_185 = arith.constant dense<0.000000e+00> : vector<8xf32>
    %reduce_sum3A_186 = vector.multi_reduction <add>, %select_n3A_90, %reduce_sum3A_185 [0] : vector<4096x8xf32> to vector<8xf32>
    %broadcast_in_dim3A_187 = vector.shape_cast %reduce_sum3A_186 : vector<8xf32> to vector<1x8xf32>
    %add3A_188 = arith.addf %get3A_184, %broadcast_in_dim3A_187 : vector<1x8xf32>
    %swap3A_189 = arith.constant 0 : index
    %swap3A_190 = arith.constant 0 : index
    %swap3A_191 = vector.load %arg9[%swap3A_189, %swap3A_190] : memref<1x8xf32, #tpu.memory_space<vmem>>, vector<1x8xf32>
    tpu.vector_store %arg9[%swap3A_189, %swap3A_190], %add3A_188 {strides = array<i32>} : memref<1x8xf32, #tpu.memory_space<vmem>>, vector<1x8xf32>,
    return
  }
  func.func @transform_0(%arg0: i32) -> (i32, i32) {
    %c0_i32 = arith.constant 0 : i32
    %c0_i32_0 = arith.constant 0 : i32
    return %arg0, %c0_i32 : i32, i32
  }
  func.func @transform_1(%arg0: i32) -> (i32, i32) {
    %c0_i32 = arith.constant 0 : i32
    %c0_i32_0 = arith.constant 0 : i32
    return %arg0, %c0_i32 : i32, i32
  }
  func.func @transform_2(%arg0: i32) -> (i32, i32) {
    %c0_i32 = arith.constant 0 : i32
    %c0_i32_0 = arith.constant 0 : i32
    %c0_i32_1 = arith.constant 0 : i32
    return %c0_i32, %c0_i32_0 : i32, i32
  }
  func.func @transform_3(%arg0: i32) -> (i32, i32) {
    %c0_i32 = arith.constant 0 : i32
    %c0_i32_0 = arith.constant 0 : i32
    %c0_i32_1 = arith.constant 0 : i32
    return %c0_i32, %c0_i32_0 : i32, i32
  }
  func.func @transform_4(%arg0: i32) -> (i32, i32) {
    %c0_i32 = arith.constant 0 : i32
    %c0_i32_0 = arith.constant 0 : i32
    %c0_i32_1 = arith.constant 0 : i32
    return %c0_i32, %c0_i32_0 : i32, i32
  }
  func.func @transform_5(%arg0: i32) -> (i32, i32) {
    %c0_i32 = arith.constant 0 : i32
    %c0_i32_0 = arith.constant 0 : i32
    %c0_i32_1 = arith.constant 0 : i32
    return %c0_i32, %c0_i32_0 : i32, i32
  }
  func.func @transform_6(%arg0: i32) -> (i32, i32) {
    %c0_i32 = arith.constant 0 : i32
    %c0_i32_0 = arith.constant 0 : i32
    return %arg0, %c0_i32 : i32, i32
  }
  func.func @transform_7(%arg0: i32) -> (i32, i32) {
    %c0_i32 = arith.constant 0 : i32
    %c0_i32_0 = arith.constant 0 : i32
    %c0_i32_1 = arith.constant 0 : i32
    return %c0_i32, %c0_i32_0 : i32, i32
  }
  func.func @transform_8(%arg0: i32) -> (i32, i32) {
    %c0_i32 = arith.constant 0 : i32
    %c0_i32_0 = arith.constant 0 : i32
    %c0_i32_1 = arith.constant 0 : i32
    return %c0_i32, %c0_i32_0 : i32, i32
  }
}

module attributes {stable_mosaic.version = 14 : i64} {
  func.func @_loss_kernel(%arg0: memref<1x8xf32, #tpu.memory_space<vmem>>, %arg1: memref<1x8xf32, #tpu.memory_space<vmem>>, %arg2: memref<256x16xf32, #tpu.memory_space<vmem>>, %arg3: memref<256x16xf32, #tpu.memory_space<vmem>>, %arg4: memref<1x1xf32, #tpu.memory_space<vmem>>) attributes {dimension_semantics = [], scalar_prefetch = 0 : i64, scratch_operands = 0 : i64, tpu.core_type = #tpu.core_type<tc>} {
    %iota3A = tpu.iota {dimensions = array<i32: 0>} : vector<256x16xi32>
    %jit3A = arith.constant 8 : i32
    %eq3A = arith.constant 0 : i32
    %eq3A_0 = arith.cmpi eq, %jit3A, %eq3A : i32
    %jit3A_1 = arith.constant 1 : i32
    %select_n3A = arith.select %eq3A_0, %jit3A_1, %jit3A : i32
    %rem3A = vector.broadcast %select_n3A : i32 to vector<256x16xi32>
    %rem3A_2 = arith.remsi %iota3A, %rem3A : vector<256x16xi32>
    %ne3A = arith.constant 0 : i32
    %ne3A_3 = vector.broadcast %ne3A : i32 to vector<256x16xi32>
    %ne3A_4 = arith.cmpi ne, %rem3A_2, %ne3A_3 : vector<256x16xi32>
    %lt3A = arith.constant 0 : i32
    %lt3A_5 = vector.broadcast %lt3A : i32 to vector<256x16xi32>
    %lt3A_6 = arith.cmpi slt, %rem3A_2, %lt3A_5 : vector<256x16xi32>
    %lt3A_7 = arith.constant 0 : i32
    %lt3A_8 = arith.cmpi slt, %select_n3A, %lt3A_7 : i32
    %ne3A_9 = vector.broadcast %lt3A_8 : i1 to vector<256x16xi1>
    %ne3A_10 = vector.broadcast %ne3A_9 : vector<256x16xi1> to vector<256x16xi1>
    %ne3A_11 = arith.xori %lt3A_6, %ne3A_10 : vector<256x16xi1>
    %and3A = arith.andi %ne3A_11, %ne3A_4 : vector<256x16xi1>
    %add3A = vector.broadcast %select_n3A : i32 to vector<256x16xi32>
    %add3A_12 = arith.addi %rem3A_2, %add3A : vector<256x16xi32>
    %select_n3A_13 = arith.select %and3A, %add3A_12, %rem3A_2 : vector<256x16xi1>, vector<256x16xi32>
    %iota3A_14 = tpu.iota {dimensions = array<i32: 1>} : vector<1x8xi32>
    %get3A = arith.constant 0 : index
    %get3A_15 = arith.constant 0 : index
    %get3A_16 = vector.load %arg2[%get3A, %get3A_15] : memref<256x16xf32, #tpu.memory_space<vmem>>, vector<256x16xf32>
    %get3A_17 = arith.constant 0 : index
    %get3A_18 = arith.constant 0 : index
    %get3A_19 = vector.load %arg3[%get3A_17, %get3A_18] : memref<256x16xf32, #tpu.memory_space<vmem>>, vector<256x16xf32>
    %get3A_20 = arith.constant 0 : index
    %get3A_21 = arith.constant 0 : index
    %get3A_22 = vector.load %arg0[%get3A_20, %get3A_21] : memref<1x8xf32, #tpu.memory_space<vmem>>, vector<1x8xf32>
    %get3A_23 = arith.constant 0 : index
    %get3A_24 = arith.constant 0 : index
    %get3A_25 = vector.load %arg1[%get3A_23, %get3A_24] : memref<1x8xf32, #tpu.memory_space<vmem>>, vector<1x8xf32>
    %eq3A_26 = arith.constant 0 : i32
    %eq3A_27 = vector.broadcast %eq3A_26 : i32 to vector<256x16xi32>
    %eq3A_28 = arith.cmpi eq, %select_n3A_13, %eq3A_27 : vector<256x16xi32>
    %jit3A_29 = arith.constant 0.000000e+00 : f32
    %broadcast_in_dim3A = vector.broadcast %jit3A_29 : f32 to vector<256x16xf32>
    %select_n3A_30 = arith.select %eq3A_28, %get3A_16, %broadcast_in_dim3A : vector<256x16xi1>, vector<256x16xf32>
    %reduce_sum3A = vector.shape_cast %select_n3A_30 : vector<256x16xf32> to vector<1x256x16xf32>
    %reduce_sum3A_31 = arith.constant dense<0.000000e+00> : vector<1xf32>
    %reduce_sum3A_32 = vector.multi_reduction <add>, %reduce_sum3A, %reduce_sum3A_31 [1, 2] : vector<1x256x16xf32> to vector<1xf32>
    %reduce_sum3A_33 = vector.shape_cast %reduce_sum3A_32 : vector<1xf32> to vector<1x1x1xf32>
    %reduce_sum3A_34 = vector.extract %reduce_sum3A_33[0, 0, 0] : f32 from vector<1x1x1xf32>
    %eq3A_35 = arith.constant 0 : i32
    %eq3A_36 = vector.broadcast %eq3A_35 : i32 to vector<1x8xi32>
    %eq3A_37 = arith.cmpi eq, %iota3A_14, %eq3A_36 : vector<1x8xi32>
    %jit3A_38 = arith.constant 0.000000e+00 : f32
    %broadcast_in_dim3A_39 = vector.broadcast %jit3A_38 : f32 to vector<1x8xf32>
    %select_n3A_40 = arith.select %eq3A_37, %get3A_22, %broadcast_in_dim3A_39 : vector<1x8xi1>, vector<1x8xf32>
    %reduce_sum3A_41 = vector.shape_cast %select_n3A_40 : vector<1x8xf32> to vector<1x1x8xf32>
    %reduce_sum3A_42 = arith.constant dense<0.000000e+00> : vector<1xf32>
    %reduce_sum3A_43 = vector.multi_reduction <add>, %reduce_sum3A_41, %reduce_sum3A_42 [1, 2] : vector<1x1x8xf32> to vector<1xf32>
    %reduce_sum3A_44 = vector.shape_cast %reduce_sum3A_43 : vector<1xf32> to vector<1x1x1xf32>
    %reduce_sum3A_45 = vector.extract %reduce_sum3A_44[0, 0, 0] : f32 from vector<1x1x1xf32>
    %add3A_46 = arith.addf %reduce_sum3A_34, %reduce_sum3A_45 : f32
    %eq3A_47 = arith.constant 1 : i32
    %eq3A_48 = vector.broadcast %eq3A_47 : i32 to vector<256x16xi32>
    %eq3A_49 = arith.cmpi eq, %select_n3A_13, %eq3A_48 : vector<256x16xi32>
    %jit3A_50 = arith.constant 0.000000e+00 : f32
    %broadcast_in_dim3A_51 = vector.broadcast %jit3A_50 : f32 to vector<256x16xf32>
    %select_n3A_52 = arith.select %eq3A_49, %get3A_16, %broadcast_in_dim3A_51 : vector<256x16xi1>, vector<256x16xf32>
    %reduce_sum3A_53 = vector.shape_cast %select_n3A_52 : vector<256x16xf32> to vector<1x256x16xf32>
    %reduce_sum3A_54 = arith.constant dense<0.000000e+00> : vector<1xf32>
    %reduce_sum3A_55 = vector.multi_reduction <add>, %reduce_sum3A_53, %reduce_sum3A_54 [1, 2] : vector<1x256x16xf32> to vector<1xf32>
    %reduce_sum3A_56 = vector.shape_cast %reduce_sum3A_55 : vector<1xf32> to vector<1x1x1xf32>
    %reduce_sum3A_57 = vector.extract %reduce_sum3A_56[0, 0, 0] : f32 from vector<1x1x1xf32>
    %eq3A_58 = arith.constant 1 : i32
    %eq3A_59 = vector.broadcast %eq3A_58 : i32 to vector<1x8xi32>
    %eq3A_60 = arith.cmpi eq, %iota3A_14, %eq3A_59 : vector<1x8xi32>
    %jit3A_61 = arith.constant 0.000000e+00 : f32
    %broadcast_in_dim3A_62 = vector.broadcast %jit3A_61 : f32 to vector<1x8xf32>
    %select_n3A_63 = arith.select %eq3A_60, %get3A_22, %broadcast_in_dim3A_62 : vector<1x8xi1>, vector<1x8xf32>
    %reduce_sum3A_64 = vector.shape_cast %select_n3A_63 : vector<1x8xf32> to vector<1x1x8xf32>
    %reduce_sum3A_65 = arith.constant dense<0.000000e+00> : vector<1xf32>
    %reduce_sum3A_66 = vector.multi_reduction <add>, %reduce_sum3A_64, %reduce_sum3A_65 [1, 2] : vector<1x1x8xf32> to vector<1xf32>
    %reduce_sum3A_67 = vector.shape_cast %reduce_sum3A_66 : vector<1xf32> to vector<1x1x1xf32>
    %reduce_sum3A_68 = vector.extract %reduce_sum3A_67[0, 0, 0] : f32 from vector<1x1x1xf32>
    %add3A_69 = arith.addf %reduce_sum3A_57, %reduce_sum3A_68 : f32
    %eq3A_70 = arith.constant 2 : i32
    %eq3A_71 = vector.broadcast %eq3A_70 : i32 to vector<256x16xi32>
    %eq3A_72 = arith.cmpi eq, %select_n3A_13, %eq3A_71 : vector<256x16xi32>
    %jit3A_73 = arith.constant 0.000000e+00 : f32
    %broadcast_in_dim3A_74 = vector.broadcast %jit3A_73 : f32 to vector<256x16xf32>
    %select_n3A_75 = arith.select %eq3A_72, %get3A_16, %broadcast_in_dim3A_74 : vector<256x16xi1>, vector<256x16xf32>
    %reduce_sum3A_76 = vector.shape_cast %select_n3A_75 : vector<256x16xf32> to vector<1x256x16xf32>
    %reduce_sum3A_77 = arith.constant dense<0.000000e+00> : vector<1xf32>
    %reduce_sum3A_78 = vector.multi_reduction <add>, %reduce_sum3A_76, %reduce_sum3A_77 [1, 2] : vector<1x256x16xf32> to vector<1xf32>
    %reduce_sum3A_79 = vector.shape_cast %reduce_sum3A_78 : vector<1xf32> to vector<1x1x1xf32>
    %reduce_sum3A_80 = vector.extract %reduce_sum3A_79[0, 0, 0] : f32 from vector<1x1x1xf32>
    %eq3A_81 = arith.constant 2 : i32
    %eq3A_82 = vector.broadcast %eq3A_81 : i32 to vector<1x8xi32>
    %eq3A_83 = arith.cmpi eq, %iota3A_14, %eq3A_82 : vector<1x8xi32>
    %jit3A_84 = arith.constant 0.000000e+00 : f32
    %broadcast_in_dim3A_85 = vector.broadcast %jit3A_84 : f32 to vector<1x8xf32>
    %select_n3A_86 = arith.select %eq3A_83, %get3A_22, %broadcast_in_dim3A_85 : vector<1x8xi1>, vector<1x8xf32>
    %reduce_sum3A_87 = vector.shape_cast %select_n3A_86 : vector<1x8xf32> to vector<1x1x8xf32>
    %reduce_sum3A_88 = arith.constant dense<0.000000e+00> : vector<1xf32>
    %reduce_sum3A_89 = vector.multi_reduction <add>, %reduce_sum3A_87, %reduce_sum3A_88 [1, 2] : vector<1x1x8xf32> to vector<1xf32>
    %reduce_sum3A_90 = vector.shape_cast %reduce_sum3A_89 : vector<1xf32> to vector<1x1x1xf32>
    %reduce_sum3A_91 = vector.extract %reduce_sum3A_90[0, 0, 0] : f32 from vector<1x1x1xf32>
    %add3A_92 = arith.addf %reduce_sum3A_80, %reduce_sum3A_91 : f32
    %eq3A_93 = arith.constant 3 : i32
    %eq3A_94 = vector.broadcast %eq3A_93 : i32 to vector<256x16xi32>
    %eq3A_95 = arith.cmpi eq, %select_n3A_13, %eq3A_94 : vector<256x16xi32>
    %jit3A_96 = arith.constant 0.000000e+00 : f32
    %broadcast_in_dim3A_97 = vector.broadcast %jit3A_96 : f32 to vector<256x16xf32>
    %select_n3A_98 = arith.select %eq3A_95, %get3A_16, %broadcast_in_dim3A_97 : vector<256x16xi1>, vector<256x16xf32>
    %reduce_sum3A_99 = vector.shape_cast %select_n3A_98 : vector<256x16xf32> to vector<1x256x16xf32>
    %reduce_sum3A_100 = arith.constant dense<0.000000e+00> : vector<1xf32>
    %reduce_sum3A_101 = vector.multi_reduction <add>, %reduce_sum3A_99, %reduce_sum3A_100 [1, 2] : vector<1x256x16xf32> to vector<1xf32>
    %reduce_sum3A_102 = vector.shape_cast %reduce_sum3A_101 : vector<1xf32> to vector<1x1x1xf32>
    %reduce_sum3A_103 = vector.extract %reduce_sum3A_102[0, 0, 0] : f32 from vector<1x1x1xf32>
    %eq3A_104 = arith.constant 3 : i32
    %eq3A_105 = vector.broadcast %eq3A_104 : i32 to vector<1x8xi32>
    %eq3A_106 = arith.cmpi eq, %iota3A_14, %eq3A_105 : vector<1x8xi32>
    %jit3A_107 = arith.constant 0.000000e+00 : f32
    %broadcast_in_dim3A_108 = vector.broadcast %jit3A_107 : f32 to vector<1x8xf32>
    %select_n3A_109 = arith.select %eq3A_106, %get3A_22, %broadcast_in_dim3A_108 : vector<1x8xi1>, vector<1x8xf32>
    %reduce_sum3A_110 = vector.shape_cast %select_n3A_109 : vector<1x8xf32> to vector<1x1x8xf32>
    %reduce_sum3A_111 = arith.constant dense<0.000000e+00> : vector<1xf32>
    %reduce_sum3A_112 = vector.multi_reduction <add>, %reduce_sum3A_110, %reduce_sum3A_111 [1, 2] : vector<1x1x8xf32> to vector<1xf32>
    %reduce_sum3A_113 = vector.shape_cast %reduce_sum3A_112 : vector<1xf32> to vector<1x1x1xf32>
    %reduce_sum3A_114 = vector.extract %reduce_sum3A_113[0, 0, 0] : f32 from vector<1x1x1xf32>
    %add3A_115 = arith.addf %reduce_sum3A_103, %reduce_sum3A_114 : f32
    %eq3A_116 = arith.constant 4 : i32
    %eq3A_117 = vector.broadcast %eq3A_116 : i32 to vector<256x16xi32>
    %eq3A_118 = arith.cmpi eq, %select_n3A_13, %eq3A_117 : vector<256x16xi32>
    %jit3A_119 = arith.constant 0.000000e+00 : f32
    %broadcast_in_dim3A_120 = vector.broadcast %jit3A_119 : f32 to vector<256x16xf32>
    %select_n3A_121 = arith.select %eq3A_118, %get3A_16, %broadcast_in_dim3A_120 : vector<256x16xi1>, vector<256x16xf32>
    %reduce_sum3A_122 = vector.shape_cast %select_n3A_121 : vector<256x16xf32> to vector<1x256x16xf32>
    %reduce_sum3A_123 = arith.constant dense<0.000000e+00> : vector<1xf32>
    %reduce_sum3A_124 = vector.multi_reduction <add>, %reduce_sum3A_122, %reduce_sum3A_123 [1, 2] : vector<1x256x16xf32> to vector<1xf32>
    %reduce_sum3A_125 = vector.shape_cast %reduce_sum3A_124 : vector<1xf32> to vector<1x1x1xf32>
    %reduce_sum3A_126 = vector.extract %reduce_sum3A_125[0, 0, 0] : f32 from vector<1x1x1xf32>
    %eq3A_127 = arith.constant 4 : i32
    %eq3A_128 = vector.broadcast %eq3A_127 : i32 to vector<1x8xi32>
    %eq3A_129 = arith.cmpi eq, %iota3A_14, %eq3A_128 : vector<1x8xi32>
    %jit3A_130 = arith.constant 0.000000e+00 : f32
    %broadcast_in_dim3A_131 = vector.broadcast %jit3A_130 : f32 to vector<1x8xf32>
    %select_n3A_132 = arith.select %eq3A_129, %get3A_22, %broadcast_in_dim3A_131 : vector<1x8xi1>, vector<1x8xf32>
    %reduce_sum3A_133 = vector.shape_cast %select_n3A_132 : vector<1x8xf32> to vector<1x1x8xf32>
    %reduce_sum3A_134 = arith.constant dense<0.000000e+00> : vector<1xf32>
    %reduce_sum3A_135 = vector.multi_reduction <add>, %reduce_sum3A_133, %reduce_sum3A_134 [1, 2] : vector<1x1x8xf32> to vector<1xf32>
    %reduce_sum3A_136 = vector.shape_cast %reduce_sum3A_135 : vector<1xf32> to vector<1x1x1xf32>
    %reduce_sum3A_137 = vector.extract %reduce_sum3A_136[0, 0, 0] : f32 from vector<1x1x1xf32>
    %add3A_138 = arith.addf %reduce_sum3A_126, %reduce_sum3A_137 : f32
    %eq3A_139 = arith.constant 5 : i32
    %eq3A_140 = vector.broadcast %eq3A_139 : i32 to vector<256x16xi32>
    %eq3A_141 = arith.cmpi eq, %select_n3A_13, %eq3A_140 : vector<256x16xi32>
    %jit3A_142 = arith.constant 0.000000e+00 : f32
    %broadcast_in_dim3A_143 = vector.broadcast %jit3A_142 : f32 to vector<256x16xf32>
    %select_n3A_144 = arith.select %eq3A_141, %get3A_16, %broadcast_in_dim3A_143 : vector<256x16xi1>, vector<256x16xf32>
    %reduce_sum3A_145 = vector.shape_cast %select_n3A_144 : vector<256x16xf32> to vector<1x256x16xf32>
    %reduce_sum3A_146 = arith.constant dense<0.000000e+00> : vector<1xf32>
    %reduce_sum3A_147 = vector.multi_reduction <add>, %reduce_sum3A_145, %reduce_sum3A_146 [1, 2] : vector<1x256x16xf32> to vector<1xf32>
    %reduce_sum3A_148 = vector.shape_cast %reduce_sum3A_147 : vector<1xf32> to vector<1x1x1xf32>
    %reduce_sum3A_149 = vector.extract %reduce_sum3A_148[0, 0, 0] : f32 from vector<1x1x1xf32>
    %eq3A_150 = arith.constant 5 : i32
    %eq3A_151 = vector.broadcast %eq3A_150 : i32 to vector<1x8xi32>
    %eq3A_152 = arith.cmpi eq, %iota3A_14, %eq3A_151 : vector<1x8xi32>
    %jit3A_153 = arith.constant 0.000000e+00 : f32
    %broadcast_in_dim3A_154 = vector.broadcast %jit3A_153 : f32 to vector<1x8xf32>
    %select_n3A_155 = arith.select %eq3A_152, %get3A_22, %broadcast_in_dim3A_154 : vector<1x8xi1>, vector<1x8xf32>
    %reduce_sum3A_156 = vector.shape_cast %select_n3A_155 : vector<1x8xf32> to vector<1x1x8xf32>
    %reduce_sum3A_157 = arith.constant dense<0.000000e+00> : vector<1xf32>
    %reduce_sum3A_158 = vector.multi_reduction <add>, %reduce_sum3A_156, %reduce_sum3A_157 [1, 2] : vector<1x1x8xf32> to vector<1xf32>
    %reduce_sum3A_159 = vector.shape_cast %reduce_sum3A_158 : vector<1xf32> to vector<1x1x1xf32>
    %reduce_sum3A_160 = vector.extract %reduce_sum3A_159[0, 0, 0] : f32 from vector<1x1x1xf32>
    %add3A_161 = arith.addf %reduce_sum3A_149, %reduce_sum3A_160 : f32
    %eq3A_162 = arith.constant 6 : i32
    %eq3A_163 = vector.broadcast %eq3A_162 : i32 to vector<256x16xi32>
    %eq3A_164 = arith.cmpi eq, %select_n3A_13, %eq3A_163 : vector<256x16xi32>
    %jit3A_165 = arith.constant 0.000000e+00 : f32
    %broadcast_in_dim3A_166 = vector.broadcast %jit3A_165 : f32 to vector<256x16xf32>
    %select_n3A_167 = arith.select %eq3A_164, %get3A_16, %broadcast_in_dim3A_166 : vector<256x16xi1>, vector<256x16xf32>
    %reduce_sum3A_168 = vector.shape_cast %select_n3A_167 : vector<256x16xf32> to vector<1x256x16xf32>
    %reduce_sum3A_169 = arith.constant dense<0.000000e+00> : vector<1xf32>
    %reduce_sum3A_170 = vector.multi_reduction <add>, %reduce_sum3A_168, %reduce_sum3A_169 [1, 2] : vector<1x256x16xf32> to vector<1xf32>
    %reduce_sum3A_171 = vector.shape_cast %reduce_sum3A_170 : vector<1xf32> to vector<1x1x1xf32>
    %reduce_sum3A_172 = vector.extract %reduce_sum3A_171[0, 0, 0] : f32 from vector<1x1x1xf32>
    %eq3A_173 = arith.constant 6 : i32
    %eq3A_174 = vector.broadcast %eq3A_173 : i32 to vector<1x8xi32>
    %eq3A_175 = arith.cmpi eq, %iota3A_14, %eq3A_174 : vector<1x8xi32>
    %jit3A_176 = arith.constant 0.000000e+00 : f32
    %broadcast_in_dim3A_177 = vector.broadcast %jit3A_176 : f32 to vector<1x8xf32>
    %select_n3A_178 = arith.select %eq3A_175, %get3A_22, %broadcast_in_dim3A_177 : vector<1x8xi1>, vector<1x8xf32>
    %reduce_sum3A_179 = vector.shape_cast %select_n3A_178 : vector<1x8xf32> to vector<1x1x8xf32>
    %reduce_sum3A_180 = arith.constant dense<0.000000e+00> : vector<1xf32>
    %reduce_sum3A_181 = vector.multi_reduction <add>, %reduce_sum3A_179, %reduce_sum3A_180 [1, 2] : vector<1x1x8xf32> to vector<1xf32>
    %reduce_sum3A_182 = vector.shape_cast %reduce_sum3A_181 : vector<1xf32> to vector<1x1x1xf32>
    %reduce_sum3A_183 = vector.extract %reduce_sum3A_182[0, 0, 0] : f32 from vector<1x1x1xf32>
    %add3A_184 = arith.addf %reduce_sum3A_172, %reduce_sum3A_183 : f32
    %eq3A_185 = arith.constant 7 : i32
    %eq3A_186 = vector.broadcast %eq3A_185 : i32 to vector<256x16xi32>
    %eq3A_187 = arith.cmpi eq, %select_n3A_13, %eq3A_186 : vector<256x16xi32>
    %jit3A_188 = arith.constant 0.000000e+00 : f32
    %broadcast_in_dim3A_189 = vector.broadcast %jit3A_188 : f32 to vector<256x16xf32>
    %select_n3A_190 = arith.select %eq3A_187, %get3A_16, %broadcast_in_dim3A_189 : vector<256x16xi1>, vector<256x16xf32>
    %reduce_sum3A_191 = vector.shape_cast %select_n3A_190 : vector<256x16xf32> to vector<1x256x16xf32>
    %reduce_sum3A_192 = arith.constant dense<0.000000e+00> : vector<1xf32>
    %reduce_sum3A_193 = vector.multi_reduction <add>, %reduce_sum3A_191, %reduce_sum3A_192 [1, 2] : vector<1x256x16xf32> to vector<1xf32>
    %reduce_sum3A_194 = vector.shape_cast %reduce_sum3A_193 : vector<1xf32> to vector<1x1x1xf32>
    %reduce_sum3A_195 = vector.extract %reduce_sum3A_194[0, 0, 0] : f32 from vector<1x1x1xf32>
    %eq3A_196 = arith.constant 7 : i32
    %eq3A_197 = vector.broadcast %eq3A_196 : i32 to vector<1x8xi32>
    %eq3A_198 = arith.cmpi eq, %iota3A_14, %eq3A_197 : vector<1x8xi32>
    %jit3A_199 = arith.constant 0.000000e+00 : f32
    %broadcast_in_dim3A_200 = vector.broadcast %jit3A_199 : f32 to vector<1x8xf32>
    %select_n3A_201 = arith.select %eq3A_198, %get3A_22, %broadcast_in_dim3A_200 : vector<1x8xi1>, vector<1x8xf32>
    %reduce_sum3A_202 = vector.shape_cast %select_n3A_201 : vector<1x8xf32> to vector<1x1x8xf32>
    %reduce_sum3A_203 = arith.constant dense<0.000000e+00> : vector<1xf32>
    %reduce_sum3A_204 = vector.multi_reduction <add>, %reduce_sum3A_202, %reduce_sum3A_203 [1, 2] : vector<1x1x8xf32> to vector<1xf32>
    %reduce_sum3A_205 = vector.shape_cast %reduce_sum3A_204 : vector<1xf32> to vector<1x1x1xf32>
    %reduce_sum3A_206 = vector.extract %reduce_sum3A_205[0, 0, 0] : f32 from vector<1x1x1xf32>
    %add3A_207 = arith.addf %reduce_sum3A_195, %reduce_sum3A_206 : f32
    %eq3A_208 = arith.constant 0 : i32
    %eq3A_209 = vector.broadcast %eq3A_208 : i32 to vector<256x16xi32>
    %eq3A_210 = arith.cmpi eq, %select_n3A_13, %eq3A_209 : vector<256x16xi32>
    %jit3A_211 = arith.constant 0.000000e+00 : f32
    %broadcast_in_dim3A_212 = vector.broadcast %jit3A_211 : f32 to vector<256x16xf32>
    %select_n3A_213 = arith.select %eq3A_210, %get3A_19, %broadcast_in_dim3A_212 : vector<256x16xi1>, vector<256x16xf32>
    %reduce_sum3A_214 = vector.shape_cast %select_n3A_213 : vector<256x16xf32> to vector<1x256x16xf32>
    %reduce_sum3A_215 = arith.constant dense<0.000000e+00> : vector<1xf32>
    %reduce_sum3A_216 = vector.multi_reduction <add>, %reduce_sum3A_214, %reduce_sum3A_215 [1, 2] : vector<1x256x16xf32> to vector<1xf32>
    %reduce_sum3A_217 = vector.shape_cast %reduce_sum3A_216 : vector<1xf32> to vector<1x1x1xf32>
    %reduce_sum3A_218 = vector.extract %reduce_sum3A_217[0, 0, 0] : f32 from vector<1x1x1xf32>
    %eq3A_219 = arith.constant 0 : i32
    %eq3A_220 = vector.broadcast %eq3A_219 : i32 to vector<1x8xi32>
    %eq3A_221 = arith.cmpi eq, %iota3A_14, %eq3A_220 : vector<1x8xi32>
    %jit3A_222 = arith.constant 0.000000e+00 : f32
    %broadcast_in_dim3A_223 = vector.broadcast %jit3A_222 : f32 to vector<1x8xf32>
    %select_n3A_224 = arith.select %eq3A_221, %get3A_25, %broadcast_in_dim3A_223 : vector<1x8xi1>, vector<1x8xf32>
    %reduce_sum3A_225 = vector.shape_cast %select_n3A_224 : vector<1x8xf32> to vector<1x1x8xf32>
    %reduce_sum3A_226 = arith.constant dense<0.000000e+00> : vector<1xf32>
    %reduce_sum3A_227 = vector.multi_reduction <add>, %reduce_sum3A_225, %reduce_sum3A_226 [1, 2] : vector<1x1x8xf32> to vector<1xf32>
    %reduce_sum3A_228 = vector.shape_cast %reduce_sum3A_227 : vector<1xf32> to vector<1x1x1xf32>
    %reduce_sum3A_229 = vector.extract %reduce_sum3A_228[0, 0, 0] : f32 from vector<1x1x1xf32>
    %add3A_230 = arith.addf %reduce_sum3A_218, %reduce_sum3A_229 : f32
    %eq3A_231 = arith.constant 1 : i32
    %eq3A_232 = vector.broadcast %eq3A_231 : i32 to vector<256x16xi32>
    %eq3A_233 = arith.cmpi eq, %select_n3A_13, %eq3A_232 : vector<256x16xi32>
    %jit3A_234 = arith.constant 0.000000e+00 : f32
    %broadcast_in_dim3A_235 = vector.broadcast %jit3A_234 : f32 to vector<256x16xf32>
    %select_n3A_236 = arith.select %eq3A_233, %get3A_19, %broadcast_in_dim3A_235 : vector<256x16xi1>, vector<256x16xf32>
    %reduce_sum3A_237 = vector.shape_cast %select_n3A_236 : vector<256x16xf32> to vector<1x256x16xf32>
    %reduce_sum3A_238 = arith.constant dense<0.000000e+00> : vector<1xf32>
    %reduce_sum3A_239 = vector.multi_reduction <add>, %reduce_sum3A_237, %reduce_sum3A_238 [1, 2] : vector<1x256x16xf32> to vector<1xf32>
    %reduce_sum3A_240 = vector.shape_cast %reduce_sum3A_239 : vector<1xf32> to vector<1x1x1xf32>
    %reduce_sum3A_241 = vector.extract %reduce_sum3A_240[0, 0, 0] : f32 from vector<1x1x1xf32>
    %eq3A_242 = arith.constant 1 : i32
    %eq3A_243 = vector.broadcast %eq3A_242 : i32 to vector<1x8xi32>
    %eq3A_244 = arith.cmpi eq, %iota3A_14, %eq3A_243 : vector<1x8xi32>
    %jit3A_245 = arith.constant 0.000000e+00 : f32
    %broadcast_in_dim3A_246 = vector.broadcast %jit3A_245 : f32 to vector<1x8xf32>
    %select_n3A_247 = arith.select %eq3A_244, %get3A_25, %broadcast_in_dim3A_246 : vector<1x8xi1>, vector<1x8xf32>
    %reduce_sum3A_248 = vector.shape_cast %select_n3A_247 : vector<1x8xf32> to vector<1x1x8xf32>
    %reduce_sum3A_249 = arith.constant dense<0.000000e+00> : vector<1xf32>
    %reduce_sum3A_250 = vector.multi_reduction <add>, %reduce_sum3A_248, %reduce_sum3A_249 [1, 2] : vector<1x1x8xf32> to vector<1xf32>
    %reduce_sum3A_251 = vector.shape_cast %reduce_sum3A_250 : vector<1xf32> to vector<1x1x1xf32>
    %reduce_sum3A_252 = vector.extract %reduce_sum3A_251[0, 0, 0] : f32 from vector<1x1x1xf32>
    %add3A_253 = arith.addf %reduce_sum3A_241, %reduce_sum3A_252 : f32
    %eq3A_254 = arith.constant 2 : i32
    %eq3A_255 = vector.broadcast %eq3A_254 : i32 to vector<256x16xi32>
    %eq3A_256 = arith.cmpi eq, %select_n3A_13, %eq3A_255 : vector<256x16xi32>
    %jit3A_257 = arith.constant 0.000000e+00 : f32
    %broadcast_in_dim3A_258 = vector.broadcast %jit3A_257 : f32 to vector<256x16xf32>
    %select_n3A_259 = arith.select %eq3A_256, %get3A_19, %broadcast_in_dim3A_258 : vector<256x16xi1>, vector<256x16xf32>
    %reduce_sum3A_260 = vector.shape_cast %select_n3A_259 : vector<256x16xf32> to vector<1x256x16xf32>
    %reduce_sum3A_261 = arith.constant dense<0.000000e+00> : vector<1xf32>
    %reduce_sum3A_262 = vector.multi_reduction <add>, %reduce_sum3A_260, %reduce_sum3A_261 [1, 2] : vector<1x256x16xf32> to vector<1xf32>
    %reduce_sum3A_263 = vector.shape_cast %reduce_sum3A_262 : vector<1xf32> to vector<1x1x1xf32>
    %reduce_sum3A_264 = vector.extract %reduce_sum3A_263[0, 0, 0] : f32 from vector<1x1x1xf32>
    %eq3A_265 = arith.constant 2 : i32
    %eq3A_266 = vector.broadcast %eq3A_265 : i32 to vector<1x8xi32>
    %eq3A_267 = arith.cmpi eq, %iota3A_14, %eq3A_266 : vector<1x8xi32>
    %jit3A_268 = arith.constant 0.000000e+00 : f32
    %broadcast_in_dim3A_269 = vector.broadcast %jit3A_268 : f32 to vector<1x8xf32>
    %select_n3A_270 = arith.select %eq3A_267, %get3A_25, %broadcast_in_dim3A_269 : vector<1x8xi1>, vector<1x8xf32>
    %reduce_sum3A_271 = vector.shape_cast %select_n3A_270 : vector<1x8xf32> to vector<1x1x8xf32>
    %reduce_sum3A_272 = arith.constant dense<0.000000e+00> : vector<1xf32>
    %reduce_sum3A_273 = vector.multi_reduction <add>, %reduce_sum3A_271, %reduce_sum3A_272 [1, 2] : vector<1x1x8xf32> to vector<1xf32>
    %reduce_sum3A_274 = vector.shape_cast %reduce_sum3A_273 : vector<1xf32> to vector<1x1x1xf32>
    %reduce_sum3A_275 = vector.extract %reduce_sum3A_274[0, 0, 0] : f32 from vector<1x1x1xf32>
    %add3A_276 = arith.addf %reduce_sum3A_264, %reduce_sum3A_275 : f32
    %eq3A_277 = arith.constant 3 : i32
    %eq3A_278 = vector.broadcast %eq3A_277 : i32 to vector<256x16xi32>
    %eq3A_279 = arith.cmpi eq, %select_n3A_13, %eq3A_278 : vector<256x16xi32>
    %jit3A_280 = arith.constant 0.000000e+00 : f32
    %broadcast_in_dim3A_281 = vector.broadcast %jit3A_280 : f32 to vector<256x16xf32>
    %select_n3A_282 = arith.select %eq3A_279, %get3A_19, %broadcast_in_dim3A_281 : vector<256x16xi1>, vector<256x16xf32>
    %reduce_sum3A_283 = vector.shape_cast %select_n3A_282 : vector<256x16xf32> to vector<1x256x16xf32>
    %reduce_sum3A_284 = arith.constant dense<0.000000e+00> : vector<1xf32>
    %reduce_sum3A_285 = vector.multi_reduction <add>, %reduce_sum3A_283, %reduce_sum3A_284 [1, 2] : vector<1x256x16xf32> to vector<1xf32>
    %reduce_sum3A_286 = vector.shape_cast %reduce_sum3A_285 : vector<1xf32> to vector<1x1x1xf32>
    %reduce_sum3A_287 = vector.extract %reduce_sum3A_286[0, 0, 0] : f32 from vector<1x1x1xf32>
    %eq3A_288 = arith.constant 3 : i32
    %eq3A_289 = vector.broadcast %eq3A_288 : i32 to vector<1x8xi32>
    %eq3A_290 = arith.cmpi eq, %iota3A_14, %eq3A_289 : vector<1x8xi32>
    %jit3A_291 = arith.constant 0.000000e+00 : f32
    %broadcast_in_dim3A_292 = vector.broadcast %jit3A_291 : f32 to vector<1x8xf32>
    %select_n3A_293 = arith.select %eq3A_290, %get3A_25, %broadcast_in_dim3A_292 : vector<1x8xi1>, vector<1x8xf32>
    %reduce_sum3A_294 = vector.shape_cast %select_n3A_293 : vector<1x8xf32> to vector<1x1x8xf32>
    %reduce_sum3A_295 = arith.constant dense<0.000000e+00> : vector<1xf32>
    %reduce_sum3A_296 = vector.multi_reduction <add>, %reduce_sum3A_294, %reduce_sum3A_295 [1, 2] : vector<1x1x8xf32> to vector<1xf32>
    %reduce_sum3A_297 = vector.shape_cast %reduce_sum3A_296 : vector<1xf32> to vector<1x1x1xf32>
    %reduce_sum3A_298 = vector.extract %reduce_sum3A_297[0, 0, 0] : f32 from vector<1x1x1xf32>
    %add3A_299 = arith.addf %reduce_sum3A_287, %reduce_sum3A_298 : f32
    %eq3A_300 = arith.constant 4 : i32
    %eq3A_301 = vector.broadcast %eq3A_300 : i32 to vector<256x16xi32>
    %eq3A_302 = arith.cmpi eq, %select_n3A_13, %eq3A_301 : vector<256x16xi32>
    %jit3A_303 = arith.constant 0.000000e+00 : f32
    %broadcast_in_dim3A_304 = vector.broadcast %jit3A_303 : f32 to vector<256x16xf32>
    %select_n3A_305 = arith.select %eq3A_302, %get3A_19, %broadcast_in_dim3A_304 : vector<256x16xi1>, vector<256x16xf32>
    %reduce_sum3A_306 = vector.shape_cast %select_n3A_305 : vector<256x16xf32> to vector<1x256x16xf32>
    %reduce_sum3A_307 = arith.constant dense<0.000000e+00> : vector<1xf32>
    %reduce_sum3A_308 = vector.multi_reduction <add>, %reduce_sum3A_306, %reduce_sum3A_307 [1, 2] : vector<1x256x16xf32> to vector<1xf32>
    %reduce_sum3A_309 = vector.shape_cast %reduce_sum3A_308 : vector<1xf32> to vector<1x1x1xf32>
    %reduce_sum3A_310 = vector.extract %reduce_sum3A_309[0, 0, 0] : f32 from vector<1x1x1xf32>
    %eq3A_311 = arith.constant 4 : i32
    %eq3A_312 = vector.broadcast %eq3A_311 : i32 to vector<1x8xi32>
    %eq3A_313 = arith.cmpi eq, %iota3A_14, %eq3A_312 : vector<1x8xi32>
    %jit3A_314 = arith.constant 0.000000e+00 : f32
    %broadcast_in_dim3A_315 = vector.broadcast %jit3A_314 : f32 to vector<1x8xf32>
    %select_n3A_316 = arith.select %eq3A_313, %get3A_25, %broadcast_in_dim3A_315 : vector<1x8xi1>, vector<1x8xf32>
    %reduce_sum3A_317 = vector.shape_cast %select_n3A_316 : vector<1x8xf32> to vector<1x1x8xf32>
    %reduce_sum3A_318 = arith.constant dense<0.000000e+00> : vector<1xf32>
    %reduce_sum3A_319 = vector.multi_reduction <add>, %reduce_sum3A_317, %reduce_sum3A_318 [1, 2] : vector<1x1x8xf32> to vector<1xf32>
    %reduce_sum3A_320 = vector.shape_cast %reduce_sum3A_319 : vector<1xf32> to vector<1x1x1xf32>
    %reduce_sum3A_321 = vector.extract %reduce_sum3A_320[0, 0, 0] : f32 from vector<1x1x1xf32>
    %add3A_322 = arith.addf %reduce_sum3A_310, %reduce_sum3A_321 : f32
    %eq3A_323 = arith.constant 5 : i32
    %eq3A_324 = vector.broadcast %eq3A_323 : i32 to vector<256x16xi32>
    %eq3A_325 = arith.cmpi eq, %select_n3A_13, %eq3A_324 : vector<256x16xi32>
    %jit3A_326 = arith.constant 0.000000e+00 : f32
    %broadcast_in_dim3A_327 = vector.broadcast %jit3A_326 : f32 to vector<256x16xf32>
    %select_n3A_328 = arith.select %eq3A_325, %get3A_19, %broadcast_in_dim3A_327 : vector<256x16xi1>, vector<256x16xf32>
    %reduce_sum3A_329 = vector.shape_cast %select_n3A_328 : vector<256x16xf32> to vector<1x256x16xf32>
    %reduce_sum3A_330 = arith.constant dense<0.000000e+00> : vector<1xf32>
    %reduce_sum3A_331 = vector.multi_reduction <add>, %reduce_sum3A_329, %reduce_sum3A_330 [1, 2] : vector<1x256x16xf32> to vector<1xf32>
    %reduce_sum3A_332 = vector.shape_cast %reduce_sum3A_331 : vector<1xf32> to vector<1x1x1xf32>
    %reduce_sum3A_333 = vector.extract %reduce_sum3A_332[0, 0, 0] : f32 from vector<1x1x1xf32>
    %eq3A_334 = arith.constant 5 : i32
    %eq3A_335 = vector.broadcast %eq3A_334 : i32 to vector<1x8xi32>
    %eq3A_336 = arith.cmpi eq, %iota3A_14, %eq3A_335 : vector<1x8xi32>
    %jit3A_337 = arith.constant 0.000000e+00 : f32
    %broadcast_in_dim3A_338 = vector.broadcast %jit3A_337 : f32 to vector<1x8xf32>
    %select_n3A_339 = arith.select %eq3A_336, %get3A_25, %broadcast_in_dim3A_338 : vector<1x8xi1>, vector<1x8xf32>
    %reduce_sum3A_340 = vector.shape_cast %select_n3A_339 : vector<1x8xf32> to vector<1x1x8xf32>
    %reduce_sum3A_341 = arith.constant dense<0.000000e+00> : vector<1xf32>
    %reduce_sum3A_342 = vector.multi_reduction <add>, %reduce_sum3A_340, %reduce_sum3A_341 [1, 2] : vector<1x1x8xf32> to vector<1xf32>
    %reduce_sum3A_343 = vector.shape_cast %reduce_sum3A_342 : vector<1xf32> to vector<1x1x1xf32>
    %reduce_sum3A_344 = vector.extract %reduce_sum3A_343[0, 0, 0] : f32 from vector<1x1x1xf32>
    %add3A_345 = arith.addf %reduce_sum3A_333, %reduce_sum3A_344 : f32
    %eq3A_346 = arith.constant 6 : i32
    %eq3A_347 = vector.broadcast %eq3A_346 : i32 to vector<256x16xi32>
    %eq3A_348 = arith.cmpi eq, %select_n3A_13, %eq3A_347 : vector<256x16xi32>
    %jit3A_349 = arith.constant 0.000000e+00 : f32
    %broadcast_in_dim3A_350 = vector.broadcast %jit3A_349 : f32 to vector<256x16xf32>
    %select_n3A_351 = arith.select %eq3A_348, %get3A_19, %broadcast_in_dim3A_350 : vector<256x16xi1>, vector<256x16xf32>
    %reduce_sum3A_352 = vector.shape_cast %select_n3A_351 : vector<256x16xf32> to vector<1x256x16xf32>
    %reduce_sum3A_353 = arith.constant dense<0.000000e+00> : vector<1xf32>
    %reduce_sum3A_354 = vector.multi_reduction <add>, %reduce_sum3A_352, %reduce_sum3A_353 [1, 2] : vector<1x256x16xf32> to vector<1xf32>
    %reduce_sum3A_355 = vector.shape_cast %reduce_sum3A_354 : vector<1xf32> to vector<1x1x1xf32>
    %reduce_sum3A_356 = vector.extract %reduce_sum3A_355[0, 0, 0] : f32 from vector<1x1x1xf32>
    %eq3A_357 = arith.constant 6 : i32
    %eq3A_358 = vector.broadcast %eq3A_357 : i32 to vector<1x8xi32>
    %eq3A_359 = arith.cmpi eq, %iota3A_14, %eq3A_358 : vector<1x8xi32>
    %jit3A_360 = arith.constant 0.000000e+00 : f32
    %broadcast_in_dim3A_361 = vector.broadcast %jit3A_360 : f32 to vector<1x8xf32>
    %select_n3A_362 = arith.select %eq3A_359, %get3A_25, %broadcast_in_dim3A_361 : vector<1x8xi1>, vector<1x8xf32>
    %reduce_sum3A_363 = vector.shape_cast %select_n3A_362 : vector<1x8xf32> to vector<1x1x8xf32>
    %reduce_sum3A_364 = arith.constant dense<0.000000e+00> : vector<1xf32>
    %reduce_sum3A_365 = vector.multi_reduction <add>, %reduce_sum3A_363, %reduce_sum3A_364 [1, 2] : vector<1x1x8xf32> to vector<1xf32>
    %reduce_sum3A_366 = vector.shape_cast %reduce_sum3A_365 : vector<1xf32> to vector<1x1x1xf32>
    %reduce_sum3A_367 = vector.extract %reduce_sum3A_366[0, 0, 0] : f32 from vector<1x1x1xf32>
    %add3A_368 = arith.addf %reduce_sum3A_356, %reduce_sum3A_367 : f32
    %eq3A_369 = arith.constant 7 : i32
    %eq3A_370 = vector.broadcast %eq3A_369 : i32 to vector<256x16xi32>
    %eq3A_371 = arith.cmpi eq, %select_n3A_13, %eq3A_370 : vector<256x16xi32>
    %jit3A_372 = arith.constant 0.000000e+00 : f32
    %broadcast_in_dim3A_373 = vector.broadcast %jit3A_372 : f32 to vector<256x16xf32>
    %select_n3A_374 = arith.select %eq3A_371, %get3A_19, %broadcast_in_dim3A_373 : vector<256x16xi1>, vector<256x16xf32>
    %reduce_sum3A_375 = vector.shape_cast %select_n3A_374 : vector<256x16xf32> to vector<1x256x16xf32>
    %reduce_sum3A_376 = arith.constant dense<0.000000e+00> : vector<1xf32>
    %reduce_sum3A_377 = vector.multi_reduction <add>, %reduce_sum3A_375, %reduce_sum3A_376 [1, 2] : vector<1x256x16xf32> to vector<1xf32>
    %reduce_sum3A_378 = vector.shape_cast %reduce_sum3A_377 : vector<1xf32> to vector<1x1x1xf32>
    %reduce_sum3A_379 = vector.extract %reduce_sum3A_378[0, 0, 0] : f32 from vector<1x1x1xf32>
    %eq3A_380 = arith.constant 7 : i32
    %eq3A_381 = vector.broadcast %eq3A_380 : i32 to vector<1x8xi32>
    %eq3A_382 = arith.cmpi eq, %iota3A_14, %eq3A_381 : vector<1x8xi32>
    %jit3A_383 = arith.constant 0.000000e+00 : f32
    %broadcast_in_dim3A_384 = vector.broadcast %jit3A_383 : f32 to vector<1x8xf32>
    %select_n3A_385 = arith.select %eq3A_382, %get3A_25, %broadcast_in_dim3A_384 : vector<1x8xi1>, vector<1x8xf32>
    %reduce_sum3A_386 = vector.shape_cast %select_n3A_385 : vector<1x8xf32> to vector<1x1x8xf32>
    %reduce_sum3A_387 = arith.constant dense<0.000000e+00> : vector<1xf32>
    %reduce_sum3A_388 = vector.multi_reduction <add>, %reduce_sum3A_386, %reduce_sum3A_387 [1, 2] : vector<1x1x8xf32> to vector<1xf32>
    %reduce_sum3A_389 = vector.shape_cast %reduce_sum3A_388 : vector<1xf32> to vector<1x1x1xf32>
    %reduce_sum3A_390 = vector.extract %reduce_sum3A_389[0, 0, 0] : f32 from vector<1x1x1xf32>
    %add3A_391 = arith.addf %reduce_sum3A_379, %reduce_sum3A_390 : f32
    %add3A_392 = arith.constant 0.000000e+00 : f32
    %add3A_393 = arith.addf %add3A_392, %add3A_46 : f32
    %add3A_394 = arith.addf %add3A_393, %add3A_69 : f32
    %add3A_395 = arith.addf %add3A_394, %add3A_92 : f32
    %add3A_396 = arith.addf %add3A_395, %add3A_115 : f32
    %add3A_397 = arith.addf %add3A_396, %add3A_138 : f32
    %add3A_398 = arith.addf %add3A_397, %add3A_161 : f32
    %add3A_399 = arith.addf %add3A_398, %add3A_184 : f32
    %add3A_400 = arith.addf %add3A_399, %add3A_207 : f32
    %div3A = arith.constant 8.000000e+00 : f32
    %div3A_401 = arith.divf %add3A_400, %div3A : f32
    %sub3A = arith.subf %add3A_46, %div3A_401 : f32
    %integer_pow3A = arith.mulf %sub3A, %sub3A : f32
    %add3A_402 = arith.constant 0.000000e+00 : f32
    %add3A_403 = arith.addf %add3A_402, %integer_pow3A : f32
    %sub3A_404 = arith.subf %add3A_69, %div3A_401 : f32
    %integer_pow3A_405 = arith.mulf %sub3A_404, %sub3A_404 : f32
    %add3A_406 = arith.addf %add3A_403, %integer_pow3A_405 : f32
    %sub3A_407 = arith.subf %add3A_92, %div3A_401 : f32
    %integer_pow3A_408 = arith.mulf %sub3A_407, %sub3A_407 : f32
    %add3A_409 = arith.addf %add3A_406, %integer_pow3A_408 : f32
    %sub3A_410 = arith.subf %add3A_115, %div3A_401 : f32
    %integer_pow3A_411 = arith.mulf %sub3A_410, %sub3A_410 : f32
    %add3A_412 = arith.addf %add3A_409, %integer_pow3A_411 : f32
    %sub3A_413 = arith.subf %add3A_138, %div3A_401 : f32
    %integer_pow3A_414 = arith.mulf %sub3A_413, %sub3A_413 : f32
    %add3A_415 = arith.addf %add3A_412, %integer_pow3A_414 : f32
    %sub3A_416 = arith.subf %add3A_161, %div3A_401 : f32
    %integer_pow3A_417 = arith.mulf %sub3A_416, %sub3A_416 : f32
    %add3A_418 = arith.addf %add3A_415, %integer_pow3A_417 : f32
    %sub3A_419 = arith.subf %add3A_184, %div3A_401 : f32
    %integer_pow3A_420 = arith.mulf %sub3A_419, %sub3A_419 : f32
    %add3A_421 = arith.addf %add3A_418, %integer_pow3A_420 : f32
    %sub3A_422 = arith.subf %add3A_207, %div3A_401 : f32
    %integer_pow3A_423 = arith.mulf %sub3A_422, %sub3A_422 : f32
    %add3A_424 = arith.addf %add3A_421, %integer_pow3A_423 : f32
    %div3A_425 = arith.constant 7.000000e+00 : f32
    %div3A_426 = arith.divf %add3A_424, %div3A_425 : f32
    %mul3A = arith.mulf %div3A_401, %div3A_401 : f32
    %add3A_427 = arith.constant 1.000000e-10 : f32
    %add3A_428 = arith.addf %mul3A, %add3A_427 : f32
    %div3A_429 = arith.divf %div3A_426, %add3A_428 : f32
    %add3A_430 = arith.constant 0.000000e+00 : f32
    %add3A_431 = arith.addf %add3A_430, %add3A_230 : f32
    %add3A_432 = arith.addf %add3A_431, %add3A_253 : f32
    %add3A_433 = arith.addf %add3A_432, %add3A_276 : f32
    %add3A_434 = arith.addf %add3A_433, %add3A_299 : f32
    %add3A_435 = arith.addf %add3A_434, %add3A_322 : f32
    %add3A_436 = arith.addf %add3A_435, %add3A_345 : f32
    %add3A_437 = arith.addf %add3A_436, %add3A_368 : f32
    %add3A_438 = arith.addf %add3A_437, %add3A_391 : f32
    %div3A_439 = arith.constant 8.000000e+00 : f32
    %div3A_440 = arith.divf %add3A_438, %div3A_439 : f32
    %sub3A_441 = arith.subf %add3A_230, %div3A_440 : f32
    %integer_pow3A_442 = arith.mulf %sub3A_441, %sub3A_441 : f32
    %add3A_443 = arith.constant 0.000000e+00 : f32
    %add3A_444 = arith.addf %add3A_443, %integer_pow3A_442 : f32
    %sub3A_445 = arith.subf %add3A_253, %div3A_440 : f32
    %integer_pow3A_446 = arith.mulf %sub3A_445, %sub3A_445 : f32
    %add3A_447 = arith.addf %add3A_444, %integer_pow3A_446 : f32
    %sub3A_448 = arith.subf %add3A_276, %div3A_440 : f32
    %integer_pow3A_449 = arith.mulf %sub3A_448, %sub3A_448 : f32
    %add3A_450 = arith.addf %add3A_447, %integer_pow3A_449 : f32
    %sub3A_451 = arith.subf %add3A_299, %div3A_440 : f32
    %integer_pow3A_452 = arith.mulf %sub3A_451, %sub3A_451 : f32
    %add3A_453 = arith.addf %add3A_450, %integer_pow3A_452 : f32
    %sub3A_454 = arith.subf %add3A_322, %div3A_440 : f32
    %integer_pow3A_455 = arith.mulf %sub3A_454, %sub3A_454 : f32
    %add3A_456 = arith.addf %add3A_453, %integer_pow3A_455 : f32
    %sub3A_457 = arith.subf %add3A_345, %div3A_440 : f32
    %integer_pow3A_458 = arith.mulf %sub3A_457, %sub3A_457 : f32
    %add3A_459 = arith.addf %add3A_456, %integer_pow3A_458 : f32
    %sub3A_460 = arith.subf %add3A_368, %div3A_440 : f32
    %integer_pow3A_461 = arith.mulf %sub3A_460, %sub3A_460 : f32
    %add3A_462 = arith.addf %add3A_459, %integer_pow3A_461 : f32
    %sub3A_463 = arith.subf %add3A_391, %div3A_440 : f32
    %integer_pow3A_464 = arith.mulf %sub3A_463, %sub3A_463 : f32
    %add3A_465 = arith.addf %add3A_462, %integer_pow3A_464 : f32
    %div3A_466 = arith.constant 7.000000e+00 : f32
    %div3A_467 = arith.divf %add3A_465, %div3A_466 : f32
    %mul3A_468 = arith.mulf %div3A_440, %div3A_440 : f32
    %add3A_469 = arith.constant 1.000000e-10 : f32
    %add3A_470 = arith.addf %mul3A_468, %add3A_469 : f32
    %div3A_471 = arith.divf %div3A_467, %add3A_470 : f32
    %add3A_472 = arith.addf %div3A_429, %div3A_471 : f32
    %broadcast_in_dim3A_473 = vector.broadcast %add3A_472 : f32 to vector<1x1xf32>
    %swap3A = arith.constant 0 : index
    %swap3A_474 = arith.constant 0 : index
    %swap3A_475 = vector.load %arg4[%swap3A, %swap3A_474] : memref<1x1xf32, #tpu.memory_space<vmem>>, vector<1x1xf32>
    tpu.vector_store %arg4[%swap3A, %swap3A_474], %broadcast_in_dim3A_473 {strides = array<i32>} : memref<1x1xf32, #tpu.memory_space<vmem>>, vector<1x1xf32>,
    return
  }
}

</mosaic_0001>

<sc_bundles>
// kernel: kernel.5.cloned.1.call-start
scs
__scs_entry_jumppad:
0x0: {  	(pc) =	sbr.rel $0x88, $3  }
0x1: {  	(tag) =	ssettag $0x0;
	lr =	simm.s32 $0x1  }
0x2: {  	[smem:$0x3F9B] =	sst lr;
	_ =	strace $0xD0000000  }
0x3: {  	_ = 	snop  }
0x4: {  	_ = 	snop  }
0x5: {  	_ = 	snop  }
0x6: {  	_ = 	snop  }
0x7: {  	_ = 	snop  }
__scs_overlays_trampoline_lowered:
0x8: {  	[smem:$0x3FAA] =	sst s0  }
0x9: {  	[smem:$0x3FAB] =	sst s1  }
0xa: {  	[smem:$0x3FAC] =	sst s2  }
0xb: {  	[smem:$0x3FAD] =	sst s3  }
0xc: {  	[smem:$0x3FAE] =	sst s4  }
0xd: {  	[smem:$0x3FAF] =	sst s5  }
0xe: {  	[smem:$0x3FB0] =	sst s6  }
0xf: {  	[smem:$0x3FB1] =	sst s7  }
0x10: {  	[smem:$0x3FB2] =	sst s8  }
0x11: {  	[smem:$0x3FB3] =	sst s9;
	s0 =	simm.s32 @!p0 $0x0  }
0x12: {  	s1 =	sld [smem:$0x3F99];
	s0 =	simm.s32 @p0 $0x1  }
0x13: {  	[smem:$0x3FB4] =	sst s0;
	s0 =	simm.s32 @!p1 $0x0  }
0x14: {  	s2 =	sld [smem:$0x3F98];
	s0 =	simm.s32 @p1 $0x1  }
0x15: {  	[smem:$0x3FB5] =	sst s0;
	s0 =	simm.s32 @!p2 $0x0  }
0x16: {  	s3 =	sld [smem:$0x3FDB];
	s0 =	simm.s32 @p2 $0x1  }
0x17: {  	s4 =	simm.s32 $0x1BF5;
	[smem:$0x3FB7] =	sst s0  }
0x18: {  	s0 =	sld [smem:$0x3F9A];
	_ =	swait.ge [sflag:s4], $0x0  }
0x19: {  	s7 =	sld [smem:$0x3F9B]  }
0x1a: {  	s8 =	sadd.s32 $0xFFFFE003, lr  }
0x1b: {  	s9 =	sadd.s32 $0xFFFFFEF7, lr;
	s5 =	simm.s32 $0xFFFFFFFF;
	p2 =	slt.u32 s8, $0xFFFFF086  }
0x1c: {  	p1 =	slt.u32 s9, $0xF7A;
	s5 =	simm.s32 @!p2 $0x0  }
0x1d: {  	s5 =	simm.s32 @p1 $0x1;
	p0 =	seq.s32 s7, s2  }
0x1e: {  	s7 =	smul.u32 @!p0 $0xF7A, s2;
	p2 =	seq.s32 @!p0 s5, $0x0  }
0x1f: {  	s9 =	smul.u32 $0xF7A, s1;
	s8 =	simm.s32 @!p0 $0x1BF5;
	p2 =	por !p2, p0  }
0x20: {  	[sflag:s8] =	ssyncset.s32 @!p0 $0xFFFFF086;
	s6 =	sadd.s32 @!p0 s3, s7;
	s7 =	simm.s32 @!p0 $0x108  }
0x21: {  	s3 =	sadd.s32 s3, s9;
	s6 =	sadd.s32 @!p0 $0x88, s6;
	s7 =	simm.s32 @p2 $0x1082  }
0x22: {  	[simem:s7], [sflag:s8] =	dma.local @!p0 [hbm:s6], $0xF7A  }
0x23: {  	s9 =	sor.u32 $0xD0000000, s2;
	s6 =	simm.s32 $0x108;
	_ =	swait.ge @!p0 [sflag:s8], $0x0  }
0x24: {  	s3 =	sadd.s32 $0x88, s3;
	s6 =	simm.s32 @!p1 $0x1082;
	[sflag:s4] =	ssyncset.s32 $0xFFFFF086  }
0x25: {  	[simem:s6], [sflag:s4] =	dma.local [hbm:s3], $0xF7A  }
0x26: {  	[smem:$0x3F9B] =	sst s1;
	(tag) =	ssettag s2;
	_ =	strace s9  }
0x27: {  	s1 =	sld [smem:$0x3FAB]  }
0x28: {  	s2 =	sld [smem:$0x3FAC]  }
0x29: {  	s4 =	sld [smem:$0x3FAE]  }
0x2a: {  	p0 =	seq.s32 s5, $0x0;
	s5 =	sld [smem:$0x3FAF]  }
0x2b: {  	s6 =	sld [smem:$0x3FB0]  }
0x2c: {  	s7 =	sld [smem:$0x3FB1]  }
0x2d: {  	s3 =	simm.s32 $0x108;
	s8 =	sld [smem:$0x3FB2]  }
0x2e: {  	s3 =	simm.s32 @!p0 $0x1082;
	s9 =	sld [smem:$0x3FB3]  }
0x2f: {  	lr =	sadd.s32 s0, s3;
	s0 =	sld [smem:$0x3FAA]  }
0x30: {  	s3 =	sld [smem:$0x3FAD]  }
0x31: {  	[smem:$0x3FB6] =	sst s10  }
0x32: {  	s10 =	sld [smem:$0x3FB4];
	_ =	sdelay $0x3  }
0x33: {  	p0 =	seq.s32 s10, $0x1;
	s10 =	sld [smem:$0x3FB6];
	_ =	sdelay $0x3  }
0x34: {  	[smem:$0x3FB6] =	sst s10  }
0x35: {  	s10 =	sld [smem:$0x3FB5];
	_ =	sdelay $0x3  }
0x36: {  	p1 =	seq.s32 s10, $0x1;
	s10 =	sld [smem:$0x3FB6];
	_ =	sdelay $0x3  }
0x37: {  	[smem:$0x3FB6] =	sst s10  }
0x38: {  	s10 =	sld [smem:$0x3FB7]  }
0x39: {  	_ = 	snop;
	(pc) =	sbr.ind lr, $3  }
0x3a: {  	_ = 	snop  }
0x3b: {  	_ = 	snop  }
0x3c: {  	p2 =	seq.s32 s10, $0x1;
	s10 =	sld [smem:$0x3FB6]  }
0x3d: {  	_ =	shalt  }
0x3e: {  	_ =	shalt  }
0x3f: {  	_ =	shalt  }
0x40: {  	_ =	shalt  }
0x41: {  	_ =	shalt  }
0x42: {  	_ =	shalt  }
0x43: {  	_ =	shalt  }
0x44: {  	_ =	shalt  }
0x45: {  	_ =	shalt  }
0x46: {  	_ =	shalt  }
0x47: {  	_ =	shalt  }
0x48: {  	_ =	shalt  }
0x49: {  	_ =	shalt  }
0x4a: {  	_ =	shalt  }
0x4b: {  	_ =	shalt  }
0x4c: {  	_ =	shalt  }
0x4d: {  	_ =	shalt  }
0x4e: {  	_ =	shalt  }
0x4f: {  	_ =	shalt  }
0x50: {  	_ =	shalt  }
0x51: {  	_ =	shalt  }
0x52: {  	_ =	shalt  }
0x53: {  	_ =	shalt  }
0x54: {  	_ =	shalt  }
0x55: {  	_ =	shalt  }
0x56: {  	_ =	shalt  }
0x57: {  	_ =	shalt  }
0x58: {  	_ =	shalt  }
0x59: {  	_ =	shalt  }
0x5a: {  	_ =	shalt  }
0x5b: {  	_ =	shalt  }
0x5c: {  	_ =	shalt  }
0x5d: {  	_ =	shalt  }
0x5e: {  	_ =	shalt  }
0x5f: {  	_ =	shalt  }
0x60: {  	_ =	shalt  }
0x61: {  	_ =	shalt  }
0x62: {  	_ =	shalt  }
0x63: {  	_ =	shalt  }
0x64: {  	_ =	shalt  }
0x65: {  	_ =	shalt  }
0x66: {  	_ =	shalt  }
0x67: {  	_ =	shalt  }
0x68: {  	_ =	shalt  }
0x69: {  	_ =	shalt  }
0x6a: {  	_ =	shalt  }
0x6b: {  	_ =	shalt  }
0x6c: {  	_ =	shalt  }
0x6d: {  	_ =	shalt  }
0x6e: {  	_ =	shalt  }
0x6f: {  	_ =	shalt  }
0x70: {  	_ =	shalt  }
0x71: {  	_ =	shalt  }
0x72: {  	_ =	shalt  }
0x73: {  	_ =	shalt  }
0x74: {  	_ =	shalt  }
0x75: {  	_ =	shalt  }
0x76: {  	_ =	shalt  }
0x77: {  	_ =	shalt  }
0x78: {  	_ =	shalt  }
0x79: {  	_ =	shalt  }
0x7a: {  	_ =	shalt  }
0x7b: {  	_ =	shalt  }
0x7c: {  	_ =	shalt  }
0x7d: {  	_ =	shalt  }
0x7e: {  	_ =	shalt  }
0x7f: {  	_ =	shalt  }
0x80: {  	_ =	shalt  }
0x81: {  	_ =	shalt  }
0x82: {  	_ =	shalt  }
0x83: {  	_ =	shalt  }
0x84: {  	_ =	shalt  }
0x85: {  	_ =	shalt  }
0x86: {  	_ =	shalt  }
0x87: {  	_ =	shalt  }
.Lfunc_end0:
.L_simem_size_0:
called_computation_lowered:
.L_overlay_start_0:
0x88: {  	s2 =	sld [smem:$0x3FD9]  }
0x89: {  	s3 =	sld [smem:$0x3FFE];
	_ =	sdelay $0x1  }
0x8a: {  	s1 =	srdreg.scid  }
0x8b: {  	s0 =	sand.u32 $0x1, s1  }
0x8c: {  	s14 =	sshll.u32 s0, $0xA;
	s2 =	sadd.s32 s3, s2  }
0x8d: {  	s2 =	sadd.s32 s2, s14  }
0x8e: {  	[smem:$0x3FC2] =	sst s2  }
0x8f: {  	_ = 	snop  }
0x90: {  	s2 =	sld [smem:$0x3FD0];
	_ =	sdelay $0x2  }
0x91: {  	s4 =	simm.s32 $0xA;
	s5 =	simm.s32 $0x10;
	s15 =	sld [smem:$0x3FC5]  }
0x92: {  	[smem:s5], [sflag:s4] =	dma.local [hbm:s2], $0x1  }
0x93: {  	_ =	swait.eq [sflag:s4], $0x1  }
0x94: {  	[sflag:s4] =	ssyncset.done $0x0  }
0x95: {  	s16 =	sld [smem:$0x10];
	[sflag:s4] =	ssyncadd.s32 $0xFFFFFFFF  }
0x96: {  	s17 =	sld [smem:$0x11];
	(tm) =	ssettm $0x1  }
0x97: {  	s18 =	sld [smem:$0x3FFB];
	_ =	sdelay $0x3  }
0x98: {  	_ =	strace s18  }
0x99: {  	s5 =	sld [smem:$0x3FFC];
	_ =	sdelay $0x3  }
0x9a: {  	_ =	strace s5  }
0x9b: {  	s5 =	sld [smem:$0x3FFD];
	_ =	sdelay $0x3  }
0x9c: {  	_ =	strace s5  }
0x9d: {  	_ =	strace $0x8FFFFFFF  }
0x9e: {  	s19 =	sld [smem:$0x3FDB];
	_ =	sdelay $0x1  }
0x9f: {  	s6 =	simm.s32 $_scs_section_size  }
0xa0: {  	s7 =	simm.s32 $_size__tile_overlayer_lowered;
	s8 =	simm.s32 $_tile_overlayer_lowered  }
0xa1: {  	s22 =	simm.s32 $0x1BFF;
	s21 =	sshll.u32 s8, $0x1;
	s5 =	sadd.s32 s6, s19  }
0xa2: {  	s9 =	simm.s32 $0x0;
	s20 =	sshll.u32 s7, $0x1;
	s7 =	sadd.s32 s21, s5  }
0xa3: {  	[timem:s9], [sflag:s22] =	dma.local [hbm:s7], s20  }
0xa4: {  	_ =	swait.ge [sflag:s22], s20  }
0xa5: {  	s6 =	ssub.s32 $0x0, s20;
	[sflag:s22] =	ssyncset.done $0x0  }
0xa6: {  	[sflag:s22] =	ssyncadd.s32 s6;
	_ =	sdelay $0x1  }
0xa7: {  	s23 =	simm.s32 $0x1B8B  }
0xa8: {  	_ =	swait.ge [sflag:s23], $0x1  }
0xa9: {  	[sflag:s23] =	ssyncset.done $0x0  }
0xaa: {  	s25 =	simm.s32 $0x1B8E;
	s24 =	sld [smem:$0x3FFE];
	[sflag:s23] =	ssyncadd.s32 $0xFFFFFFFF  }
0xab: {  	s26 =	simm.s32 $execute0_lowered;
	[smem:$0x3FD2] =	sst s25  }
0xac: {  	s7 =	sshll.u32 s26, $0x1;
	_ =	strace $0x80000046;
	[dreg:$0x1] =	wrdreg $0xFFFFFFFF  }
0xad: {  	s28 =	simm.s32 $_size_execute0_lowered;
	s5 =	sadd.s32 s5, s7;
	[dreg:$0x0] =	wrdreg $0x0  }
0xae: {  	s7 =	sshll.u32 s28, $0x1;
	[dreg:$0x2] =	wrdreg s5  }
0xaf: {  	[dreg:$0x3] =	wrdreg s7  }
0xb0: {  	[dreg:$0x4] =	wrdreg $0xC0  }
0xb1: {  	_ =	task [dreg:s9], $0x5FFFF  }
0xb2: {  	[dreg:$0x1] =	wrdreg $0xFFFFFFFF  }
0xb3: {  	[dreg:$0x0] =	wrdreg $0x60  }
0xb4: {  	[dreg:$0x2] =	wrdreg s24  }
0xb5: {  	[dreg:$0x3] =	wrdreg s16  }
0xb6: {  	[dreg:$0x4] =	wrdreg s15  }
0xb7: {  	[dreg:$0x5] =	wrdreg s17  }
0xb8: {  	[dreg:$0x6] =	wrdreg $0x9  }
0xb9: {  	_ =	task.clear_ibuf [dreg:s9], $0x7FFFF;
	_ =	strace $0x90000046  }
0xba: {  	s29 =	simm.s32 $0x9;
	_ =	strace $0x80000048  }
0xbb: {  	_ =	swait.ge [sflag:s29], $0x1  }
0xbc: {  	[sflag:s29] =	ssyncadd.s32 $0xFFFFFFFF  }
0xbd: {  	_ =	strace $0x90000048  }
0xbe: {  	_ =	sfence  }
0xbf: {  	s30 =	sld [smem:$0x0];
	_ =	sdelay $0x2  }
0xc0: {  	s31 =	sshll.u32 s1, $0xD;
	s1 =	sshrl.u32 s1, $0x2  }
0xc1: {  	s3 =	sand.u32 $0x4000, s31;
	s1 =	sadd.s32 s1, s30  }
0xc2: {  	s0 =	sor.u32 s3, s0;
	s1 =	sshll.u32 s1, $0x11  }
0xc3: {  	s0 =	sor.u32 s1, s0  }
0xc4: {  	s0 =	sadd.s32 $0x8F2B, s0  }
0xc5: {  	[sflag:s0] =	ssyncadd.remote.s32 $0x1  }
0xc6: {  	_ =	sfence.sel $0xFFFF  }
0xc7: {  	[dreg:$0x0] =	wrdreg $0xFFFFFFFF;
	(pc) =	sbr.abs _section_cstart, $3  }
0xc8: {  	[dreg:$0x1] =	wrdreg $0xFFFFFFFF  }
0xc9: {  	_ =	task.clear_ibuf [dreg:s9], $0x2FFFF;
	_ =	strace $0x9FFFFFFF  }
0xca: {  	(tm) =	ssettm $0x7FFFFFFF  }
0xcb: {  	_ =	shalt  }
tec
execute0_lowered:
.L_overlay_start_1:
0x0: {  	(tag) =	ssettag $0x1  }
0x1: {  	s0 =	rddreg [dreg:$0x0];
	v0 =	vlaneseq.u32  }
0x2: {  	s1 =	rddreg [dreg:$0x1];
	v1 =	vmul.u32 $0x80, v0  }
0x3: {  	s2 =	rddreg [dreg:$0x2];
	s4 =	simm.s32 $0x0  }
0x4: {  	[smem:$0x7FF] =	sst s4;
	v3 =	vor.u32 $0x800, v1  }
0x5: {  	s3 =	rddreg [dreg:$0x3];
	_ =	strace $0x80000047;
	[tilespmem:$0x1FEB0] =	vst v3;
	v3 =	vor.u32 $0x1000, v1  }
0x6: {  	[tilespmem:$0x1FEC0] =	vst v3;
	v3 =	vor.u32 $0x1800, v1  }
0x7: {  	[tilespmem:$0x1FED0] =	vst v3;
	v3 =	vor.u32 $0x1, v1  }
0x8: {  	[tilespmem:$0x1FEE0] =	vst v3;
	v3 =	vor.u32 $0x801, v1  }
0x9: {  	[tilespmem:$0x1FEF0] =	vst v3;
	v3 =	vor.u32 $0x1001, v1  }
0xa: {  	[tilespmem:$0x1FF00] =	vst v3;
	v3 =	vor.u32 $0x1801, v1  }
0xb: {  	[tilespmem:$0x1FF10] =	vst v3;
	v3 =	vor.u32 $0x2, v1  }
0xc: {  	[tilespmem:$0x1FF20] =	vst v3;
	v3 =	vor.u32 $0x802, v1  }
0xd: {  	[tilespmem:$0x1FF30] =	vst v3;
	v3 =	vor.u32 $0x1002, v1  }
0xe: {  	[tilespmem:$0x1FF40] =	vst v3;
	v3 =	vor.u32 $0x1802, v1  }
0xf: {  	[tilespmem:$0x1FF50] =	vst v3;
	v3 =	vor.u32 $0x3, v1  }
0x10: {  	v2 =	vimm.f32 $9.000000000e+00;
	[tilespmem:$0x1FF60] =	vst v3;
	v3 =	vor.u32 $0x803, v1  }
0x11: {  	(erf) = vrcp.f32 v2;
	[tilespmem:$0x1FF70] =	vst v3;
	v3 =	vor.u32 $0x1003, v1  }
0x12: {  	s6 =	srdreg.scid;
	s5 =	stileid.u32;
	s13 =	simm.s32 $0x10800;
	[tilespmem:$0x1FF80] =	vst v3;
	v3 =	vor.u32 $0x1803, v1  }
0x13: {  	s14 =	simm.s32 $0x1;
	s15 =	simm.s32 $0x18800;
	s16 =	simm.s32 $0x18C00;
	[tilespmem:$0x1FF90] =	vst v3;
	v3 =	vor.u32 $0x4, v1  }
0x14: {  	s17 =	simm.s32 $0x18C80;
	s18 =	simm.s32 $0x8000;
	s19 =	simm.s32 $0xC000;
	[tilespmem:$0x1FFA0] =	vst v3;
	v3 =	vor.u32 $0x804, v1  }
0x15: {  	s20 =	simm.s32 $0x10000;
	s21 =	simm.s32 $0x10400;
	s22 =	simm.s32 $0x0;
	v2 =	vimm.f32 $0.0e+00;
	[tilespmem:$0x1FFB0] =	vst v3;
	v3 =	vor.u32 $0x1004, v1  }
0x16: {  	s8 =	sand.u32 $0x1, s6;
	s7 =	sshll.u32 s5, $0x1;
	s6 =	sadd.s32 $0x101800, s0;
	v24 =	vor.u32 $0x1005, v1;
	v25 =	vor.u32 $0x1805, v1;
	[tilespmem:$0x1FFC0] =	vst v3;
	v3 =	vor.u32 $0x1804, v1  }
0x17: {  	s9 =	sor.u32 s8, s7;
	s7 =	sadd.s32 $0x1800, s0;
	s11 =	ssub.s32 $0x2, s8;
	v26 =	vor.u32 $0x6, v1;
	v27 =	vor.u32 $0x806, v1;
	[tilespmem:$0x1FFD0] =	vst v3;
	v3 =	vor.u32 $0x5, v1  }
0x18: {  	s8 =	sadd.s32 $0x81800, s0;
	s10 =	sshll.u32 s9, $0x7;
	s31 =	sshrl.u32 s11, $0x1;
	v28 =	vor.u32 $0x1006, v1;
	v29 =	vor.u32 $0x1806, v1;
	[tilespmem:$0x1FFE0] =	vst v3;
	v3 =	vor.u32 $0x805, v1  }
0x19: {  	s9 =	sshll.u32 s9, $0x9;
	v30 =	vor.u32 $0x7, v1;
	v31 =	vor.u32 $0x807, v1;
	s0 =	sadd.s32 s10, s0;
	s12 =	ssub.s32 s11, s31;
	[tilespmem:$0x1FFF0] =	vst v3;
	v3 =	vand.u32 $0x7, v0  }
0x1a: {  	v33 =	vor.u32 $0x1007, v1;
	v34 =	vor.u32 $0x1807, v1;
	s10 =	sadd.s32 $0xC1800, s0;
	s11 =	sadd.s32 $0xC2800, s0;
	s12 =	smax.u32 s12, $0x1;
	v32 =	vpop (erf);
	v35 =	vmul.u32 $0x80, v3  }
.LBB2_1:
0x1b: {  	[tilespmem:s13], [sflag:$0x1] =	stream.linear.gather [hbm4b:s1+s4], $0x8000, $0x38;
	[tilespmem:$0x1AC80] =	vst v63  }
0x1c: {  	_ =	swait.ge [sflag:s14], $0x8000  }
0x1d: {  	[sflag:s14] =	ssyncset.done $0x0  }
0x1e: {  	[sflag:s14] =	ssyncadd.s32 $0xFFFF8000  }
0x1f: {  	[tilespmem:s15], [sflag:$0x1] =	stream.linear.gather [hbm4b:s2+s4], $0x400, $0x38;
	[tilespmem:$0x1AC80] =	vst v63  }
0x20: {  	_ =	swait.ge [sflag:s14], $0x400  }
0x21: {  	[sflag:s14] =	ssyncset.done $0x0  }
0x22: {  	[sflag:s14] =	ssyncadd.s32 $0xFFFFFC00  }
0x23: {  	[tilespmem:s16], [sflag:$0x1] =	stream.linear.gather [hbm4b:s3+s4], $0x80, $0x38;
	[tilespmem:$0x1AC80] =	vst v63  }
0x24: {  	_ =	swait.ge [sflag:s14], $0x80  }
0x25: {  	[sflag:s14] =	ssyncset.done $0x0  }
0x26: {  	[sflag:s14] =	ssyncadd.s32 $0xFFFFFF80  }
0x27: {  	v3 =	vld [tilespmem:$0x18C00];
	_ =	sdelay $0x1  }
0x28: {  	v4 =	vld [tilespmem:$0x18800];
	_ =	sdelay $0x2  }
0x29: {  	v5 =	vbroadcast v3, $0x0;
	_ =	sdelay $0x1  }
0x2a: {  	v6 =	vmul.f32 v4, v5  }
0x2b: {  	vm0 =	vge.f32 v4, $0.0e+00  }
0x2c: {  	v4 =	vsel vm0, v4, v6  }
0x2d: {  	v58 =	vld [tilespmem:$0x1FEB0];
	[tilespmem:v1+s17+$0x0] =	vst.idx.msk $0xffff, v4  }
0x2e: {  	v4 =	vld [tilespmem:$0x18810];
	_ =	sdelay $0x4  }
0x2f: {  	v57 =	vmul.f32 v4, v5  }
0x30: {  	vm9 =	vge.f32 v4, $0.0e+00  }
0x31: {  	v4 =	vsel vm9, v4, v57  }
0x32: {  	v60 =	vld [tilespmem:$0x1FEC0];
	[tilespmem:v58+s17+$0x0] =	vst.idx.msk $0xffff, v4  }
0x33: {  	v4 =	vld [tilespmem:$0x18820];
	_ =	sdelay $0x4  }
0x34: {  	v59 =	vmul.f32 v4, v5  }
0x35: {  	vm10 =	vge.f32 v4, $0.0e+00  }
0x36: {  	v4 =	vsel vm10, v4, v59  }
0x37: {  	v61 =	vld [tilespmem:$0x1FED0];
	[tilespmem:v60+s17+$0x0] =	vst.idx.msk $0xffff, v4  }
0x38: {  	v4 =	vld [tilespmem:$0x18830];
	_ =	sdelay $0x4  }
0x39: {  	v5 =	vmul.f32 v4, v5  }
0x3a: {  	vm11 =	vge.f32 v4, $0.0e+00  }
0x3b: {  	v4 =	vsel vm11, v4, v5  }
0x3c: {  	v9 =	vld [tilespmem:$0x1FEE0];
	[tilespmem:v61+s17+$0x0] =	vst.idx.msk $0xffff, v4  }
0x3d: {  	v4 =	vld [tilespmem:$0x18880];
	_ =	sdelay $0x2  }
0x3e: {  	v62 =	vbroadcast v3, $0x1;
	_ =	sdelay $0x1  }
0x3f: {  	v63 =	vmul.f32 v4, v62  }
0x40: {  	vm12 =	vge.f32 v4, $0.0e+00  }
0x41: {  	v4 =	vsel vm12, v4, v63  }
0x42: {  	v11 =	vld [tilespmem:$0x1FEF0];
	[tilespmem:v9+s17+$0x0] =	vst.idx.msk $0xffff, v4  }
0x43: {  	v4 =	vld [tilespmem:$0x18890];
	_ =	sdelay $0x4  }
0x44: {  	v10 =	vmul.f32 v4, v62  }
0x45: {  	vm13 =	vge.f32 v4, $0.0e+00  }
0x46: {  	v4 =	vsel vm13, v4, v10  }
0x47: {  	v13 =	vld [tilespmem:$0x1FF00];
	[tilespmem:v11+s17+$0x0] =	vst.idx.msk $0xffff, v4  }
0x48: {  	v4 =	vld [tilespmem:$0x188A0];
	_ =	sdelay $0x4  }
0x49: {  	v12 =	vmul.f32 v4, v62  }
0x4a: {  	vm14 =	vge.f32 v4, $0.0e+00  }
0x4b: {  	v4 =	vsel vm14, v4, v12  }
0x4c: {  	v14 =	vld [tilespmem:$0x1FF10];
	[tilespmem:v13+s17+$0x0] =	vst.idx.msk $0xffff, v4  }
0x4d: {  	v4 =	vld [tilespmem:$0x188B0];
	_ =	sdelay $0x4  }
0x4e: {  	v5 =	vmul.f32 v4, v62  }
0x4f: {  	vm15 =	vge.f32 v4, $0.0e+00  }
0x50: {  	v4 =	vsel vm15, v4, v5  }
0x51: {  	v17 =	vld [tilespmem:$0x1FF20];
	[tilespmem:v14+s17+$0x0] =	vst.idx.msk $0xffff, v4  }
0x52: {  	v4 =	vld [tilespmem:$0x18900];
	_ =	sdelay $0x2  }
0x53: {  	v15 =	vbroadcast v3, $0x2;
	_ =	sdelay $0x1  }
0x54: {  	v16 =	vmul.f32 v4, v15  }
0x55: {  	vm4 =	vge.f32 v4, $0.0e+00  }
0x56: {  	v4 =	vsel vm4, v4, v16  }
0x57: {  	v19 =	vld [tilespmem:$0x1FF30];
	[tilespmem:v17+s17+$0x0] =	vst.idx.msk $0xffff, v4  }
0x58: {  	v4 =	vld [tilespmem:$0x18910];
	_ =	sdelay $0x4  }
0x59: {  	v18 =	vmul.f32 v4, v15  }
0x5a: {  	vm5 =	vge.f32 v4, $0.0e+00  }
0x5b: {  	v4 =	vsel vm5, v4, v18  }
0x5c: {  	v21 =	vld [tilespmem:$0x1FF40];
	[tilespmem:v19+s17+$0x0] =	vst.idx.msk $0xffff, v4  }
0x5d: {  	v4 =	vld [tilespmem:$0x18920];
	_ =	sdelay $0x4  }
0x5e: {  	v20 =	vmul.f32 v4, v15  }
0x5f: {  	vm6 =	vge.f32 v4, $0.0e+00  }
0x60: {  	v4 =	vsel vm6, v4, v20  }
0x61: {  	v22 =	vld [tilespmem:$0x1FF50];
	[tilespmem:v21+s17+$0x0] =	vst.idx.msk $0xffff, v4  }
0x62: {  	v4 =	vld [tilespmem:$0x18930];
	_ =	sdelay $0x4  }
0x63: {  	v5 =	vmul.f32 v4, v15  }
0x64: {  	vm7 =	vge.f32 v4, $0.0e+00  }
0x65: {  	v4 =	vsel vm7, v4, v5  }
0x66: {  	v37 =	vld [tilespmem:$0x1FF60];
	[tilespmem:v22+s17+$0x0] =	vst.idx.msk $0xffff, v4  }
0x67: {  	v4 =	vld [tilespmem:$0x18980];
	_ =	sdelay $0x2  }
0x68: {  	v23 =	vbroadcast v3, $0x3;
	_ =	sdelay $0x1  }
0x69: {  	v36 =	vmul.f32 v4, v23  }
0x6a: {  	vm8 =	vge.f32 v4, $0.0e+00  }
0x6b: {  	v4 =	vsel vm8, v4, v36  }
0x6c: {  	v39 =	vld [tilespmem:$0x1FF70];
	[tilespmem:v37+s17+$0x0] =	vst.idx.msk $0xffff, v4  }
0x6d: {  	v4 =	vld [tilespmem:$0x18990];
	_ =	sdelay $0x4  }
0x6e: {  	v38 =	vmul.f32 v4, v23  }
0x6f: {  	vm9 =	vge.f32 v4, $0.0e+00  }
0x70: {  	v4 =	vsel vm9, v4, v38  }
0x71: {  	v41 =	vld [tilespmem:$0x1FF80];
	[tilespmem:v39+s17+$0x0] =	vst.idx.msk $0xffff, v4  }
0x72: {  	v4 =	vld [tilespmem:$0x189A0];
	_ =	sdelay $0x4  }
0x73: {  	v40 =	vmul.f32 v4, v23  }
0x74: {  	vm10 =	vge.f32 v4, $0.0e+00  }
0x75: {  	v4 =	vsel vm10, v4, v40  }
0x76: {  	v42 =	vld [tilespmem:$0x1FF90];
	[tilespmem:v41+s17+$0x0] =	vst.idx.msk $0xffff, v4  }
0x77: {  	v4 =	vld [tilespmem:$0x189B0];
	_ =	sdelay $0x4  }
0x78: {  	v5 =	vmul.f32 v4, v23  }
0x79: {  	vm11 =	vge.f32 v4, $0.0e+00  }
0x7a: {  	v4 =	vsel vm11, v4, v5  }
0x7b: {  	v45 =	vld [tilespmem:$0x1FFA0];
	[tilespmem:v42+s17+$0x0] =	vst.idx.msk $0xffff, v4  }
0x7c: {  	v4 =	vld [tilespmem:$0x18A00];
	_ =	sdelay $0x2  }
0x7d: {  	v43 =	vbroadcast v3, $0x4;
	_ =	sdelay $0x1  }
0x7e: {  	v44 =	vmul.f32 v4, v43  }
0x7f: {  	vm12 =	vge.f32 v4, $0.0e+00  }
0x80: {  	v4 =	vsel vm12, v4, v44  }
0x81: {  	v47 =	vld [tilespmem:$0x1FFB0];
	[tilespmem:v45+s17+$0x0] =	vst.idx.msk $0xffff, v4  }
0x82: {  	v4 =	vld [tilespmem:$0x18A10];
	_ =	sdelay $0x4  }
0x83: {  	v46 =	vmul.f32 v4, v43  }
0x84: {  	vm13 =	vge.f32 v4, $0.0e+00  }
0x85: {  	v4 =	vsel vm13, v4, v46  }
0x86: {  	v49 =	vld [tilespmem:$0x1FFC0];
	[tilespmem:v47+s17+$0x0] =	vst.idx.msk $0xffff, v4  }
0x87: {  	v4 =	vld [tilespmem:$0x18A20];
	_ =	sdelay $0x4  }
0x88: {  	v48 =	vmul.f32 v4, v43  }
0x89: {  	vm14 =	vge.f32 v4, $0.0e+00  }
0x8a: {  	v4 =	vsel vm14, v4, v48  }
0x8b: {  	v50 =	vld [tilespmem:$0x1FFD0];
	[tilespmem:v49+s17+$0x0] =	vst.idx.msk $0xffff, v4  }
0x8c: {  	v4 =	vld [tilespmem:$0x18A30];
	_ =	sdelay $0x4  }
0x8d: {  	v5 =	vmul.f32 v4, v43  }
0x8e: {  	vm15 =	vge.f32 v4, $0.0e+00  }
0x8f: {  	v4 =	vsel vm15, v4, v5  }
0x90: {  	v53 =	vld [tilespmem:$0x1FFE0];
	[tilespmem:v50+s17+$0x0] =	vst.idx.msk $0xffff, v4  }
0x91: {  	v4 =	vld [tilespmem:$0x18A80];
	_ =	sdelay $0x2  }
0x92: {  	v51 =	vbroadcast v3, $0x5;
	_ =	sdelay $0x1  }
0x93: {  	v52 =	vmul.f32 v4, v51  }
0x94: {  	vm4 =	vge.f32 v4, $0.0e+00  }
0x95: {  	v4 =	vsel vm4, v4, v52  }
0x96: {  	v55 =	vld [tilespmem:$0x1FFF0];
	[tilespmem:v53+s17+$0x0] =	vst.idx.msk $0xffff, v4  }
0x97: {  	v4 =	vld [tilespmem:$0x18A90];
	_ =	sdelay $0x4  }
0x98: {  	v54 =	vmul.f32 v4, v51  }
0x99: {  	vm5 =	vge.f32 v4, $0.0e+00  }
0x9a: {  	v4 =	vsel vm5, v4, v54  }
0x9b: {  	[tilespmem:v55+s17+$0x0] =	vst.idx.msk $0xffff, v4  }
0x9c: {  	v4 =	vld [tilespmem:$0x18AA0];
	_ =	sdelay $0x4  }
0x9d: {  	v56 =	vmul.f32 v4, v51  }
0x9e: {  	vm6 =	vge.f32 v4, $0.0e+00  }
0x9f: {  	v4 =	vsel vm6, v4, v56  }
0xa0: {  	[tilespmem:v24+s17+$0x0] =	vst.idx.msk $0xffff, v4  }
0xa1: {  	v4 =	vld [tilespmem:$0x18AB0];
	_ =	sdelay $0x4  }
0xa2: {  	v5 =	vmul.f32 v4, v51  }
0xa3: {  	vm7 =	vge.f32 v4, $0.0e+00  }
0xa4: {  	v4 =	vsel vm7, v4, v5  }
0xa5: {  	[tilespmem:v25+s17+$0x0] =	vst.idx.msk $0xffff, v4  }
0xa6: {  	v4 =	vld [tilespmem:$0x18B00];
	_ =	sdelay $0x2  }
0xa7: {  	v57 =	vbroadcast v3, $0x6;
	_ =	sdelay $0x1  }
0xa8: {  	v58 =	vmul.f32 v4, v57  }
0xa9: {  	vm8 =	vge.f32 v4, $0.0e+00  }
0xaa: {  	v4 =	vsel vm8, v4, v58  }
0xab: {  	[tilespmem:v26+s17+$0x0] =	vst.idx.msk $0xffff, v4  }
0xac: {  	v4 =	vld [tilespmem:$0x18B10];
	_ =	sdelay $0x4  }
0xad: {  	v59 =	vmul.f32 v4, v57  }
0xae: {  	vm9 =	vge.f32 v4, $0.0e+00  }
0xaf: {  	v4 =	vsel vm9, v4, v59  }
0xb0: {  	[tilespmem:v27+s17+$0x0] =	vst.idx.msk $0xffff, v4  }
0xb1: {  	v4 =	vld [tilespmem:$0x18B20];
	_ =	sdelay $0x4  }
0xb2: {  	v60 =	vmul.f32 v4, v57  }
0xb3: {  	vm10 =	vge.f32 v4, $0.0e+00  }
0xb4: {  	v4 =	vsel vm10, v4, v60  }
0xb5: {  	[tilespmem:v28+s17+$0x0] =	vst.idx.msk $0xffff, v4  }
0xb6: {  	v4 =	vld [tilespmem:$0x18B30];
	_ =	sdelay $0x4  }
0xb7: {  	v5 =	vmul.f32 v4, v57  }
0xb8: {  	vm11 =	vge.f32 v4, $0.0e+00  }
0xb9: {  	v4 =	vsel vm11, v4, v5  }
0xba: {  	[tilespmem:v29+s17+$0x0] =	vst.idx.msk $0xffff, v4  }
0xbb: {  	v4 =	vld [tilespmem:$0x18B80];
	_ =	sdelay $0x2  }
0xbc: {  	v3 =	vbroadcast v3, $0x7;
	_ =	sdelay $0x1  }
0xbd: {  	v61 =	vmul.f32 v4, v3  }
0xbe: {  	vm12 =	vge.f32 v4, $0.0e+00  }
0xbf: {  	v4 =	vsel vm12, v4, v61  }
0xc0: {  	[tilespmem:v30+s17+$0x0] =	vst.idx.msk $0xffff, v4  }
0xc1: {  	v4 =	vld [tilespmem:$0x18B90];
	_ =	sdelay $0x4  }
0xc2: {  	v62 =	vmul.f32 v4, v3  }
0xc3: {  	vm13 =	vge.f32 v4, $0.0e+00  }
0xc4: {  	v4 =	vsel vm13, v4, v62  }
0xc5: {  	[tilespmem:v31+s17+$0x0] =	vst.idx.msk $0xffff, v4  }
0xc6: {  	v4 =	vld [tilespmem:$0x18BA0];
	_ =	sdelay $0x4  }
0xc7: {  	v63 =	vmul.f32 v4, v3  }
0xc8: {  	vm14 =	vge.f32 v4, $0.0e+00  }
0xc9: {  	v4 =	vsel vm14, v4, v63  }
0xca: {  	[tilespmem:v33+s17+$0x0] =	vst.idx.msk $0xffff, v4  }
0xcb: {  	v4 =	vld [tilespmem:$0x18BB0];
	_ =	sdelay $0x4  }
0xcc: {  	v3 =	vmul.f32 v4, v3  }
0xcd: {  	vm15 =	vge.f32 v4, $0.0e+00  }
0xce: {  	v3 =	vsel vm15, v4, v3  }
0xcf: {  	[tilespmem:v34+s17+$0x0] =	vst.idx.msk $0xffff, v3  }
0xd0: {  	[tilespmem:$0x10000] =	vst v2  }
0xd1: {  	[tilespmem:$0x10400] =	vst v2  }
0xd2: {  	[tilespmem:$0x10080] =	vst v2  }
0xd3: {  	[tilespmem:$0x10480] =	vst v2  }
0xd4: {  	[tilespmem:$0x10100] =	vst v2  }
0xd5: {  	[tilespmem:$0x10500] =	vst v2  }
0xd6: {  	[tilespmem:$0x10180] =	vst v2  }
0xd7: {  	[tilespmem:$0x10580] =	vst v2  }
0xd8: {  	[tilespmem:$0x10200] =	vst v2  }
0xd9: {  	[tilespmem:$0x10600] =	vst v2  }
0xda: {  	[tilespmem:$0x10280] =	vst v2  }
0xdb: {  	[tilespmem:$0x10680] =	vst v2  }
0xdc: {  	[tilespmem:$0x10300] =	vst v2  }
0xdd: {  	[tilespmem:$0x10700] =	vst v2  }
0xde: {  	[tilespmem:$0x10380] =	vst v2  }
0xdf: {  	s23 =	simm.s32 $0x0;
	[tilespmem:$0x10780] =	vst v2  }
.LBB2_2:
0xe0: {  	s0 =	sshll.u32 s23, $0x7  }
0xe1: {  	s24 =	sadd.s32 s9, s0  }
0xe2: {  	s0 =	sor.u32 $0x4000, s24  }
0xe3: {  	s25 =	sshll.u32 s0, $0x5  }
0xe4: {  	s26 =	sadd.s32 s6, s25;
	s25 =	simm.s32 $0x0  }
0xe5: {  	[tilespmem:s25], [sflag:$0x1] =	stream.linear.gather [hbm4b:s26+s25], $0x8000, $0x38;
	[tilespmem:$0x1AC80] =	vst v63  }
0xe6: {  	_ =	swait.ge [sflag:s14], $0x8000  }
0xe7: {  	s0 =	sshll.u32 s0, $0x4;
	[sflag:s14] =	ssyncset.done $0x0  }
0xe8: {  	s0 =	sadd.s32 s7, s0;
	[sflag:s14] =	ssyncadd.s32 $0xFFFF8000  }
0xe9: {  	[tilespmem:s18], [sflag:$0x1] =	stream.linear.gather [hbm4b:s0+s25], $0x4000, $0x38;
	[tilespmem:$0x1AC80] =	vst v63  }
0xea: {  	_ =	swait.ge [sflag:s14], $0x4000  }
0xeb: {  	[sflag:s14] =	ssyncset.done $0x0  }
0xec: {  	s26 =	simm.s32 $0x0;
	[sflag:s14] =	ssyncadd.s32 $0xFFFFC000  }
.LBB2_3:
0xed: {  	s0 =	sshll.u32 s26, $0x4  }
0xee: {  	v3 =	vmov s25;
	v37 =	vor.u32 s0, v0  }
0xef: {  	v5 =	vshll.u32 v3, $0x3;
	v4 =	vshll.u32 v37, $0x8  }
0xf0: {  	v3 =	vand.u32 $0x7F, v3;
	v5 =	vand.u32 $0x400, v5;
	v4 =	vand.u32 $0x7800, v4  }
0xf1: {  	s28 =	simm.s32 $0x10880;
	v3 =	vor.u32 v5, v3;
	v36 =	vor.u32 v35, v4  }
0xf2: {  	v51 =	vld [tilespmem:s28+$0x0];
	v3 =	vor.u32 v36, v3  }
0xf3: {  	s31 =	simm.s32 $0x10800  }
0xf4: {  	v4 =	vld [tilespmem:s31+$0x0]  }
0xf5: {  	s30 =	simm.s32 $0x1  }
0xf6: {  	v9 =	vmov s30  }
0xf7: {  	v38 =	vshll.u32 v9, $0x3;
	v59 =	vbroadcast v51, $0x0;
	v3 =	vld.idx.msk [tilespmem:v3+s4+$0x0], $0xffff  }
0xf8: {  	v9 =	vand.u32 $0x7F, v9;
	v61 =	vbroadcast v51, $0x1;
	v62 =	vbroadcast v51, $0x2  }
0xf9: {  	v38 =	vand.u32 $0x400, v38;
	v60 =	vbroadcast v51, $0x3;
	v6 =	vbroadcast v4, $0xF  }
0xfa: {  	v9 =	vor.u32 v38, v9;
	v7 =	vbroadcast v4, $0x1;
	v8 =	vbroadcast v4, $0x2  }
0xfb: {  	v9 =	vor.u32 v36, v9;
	v39 =	vbroadcast v4, $0x3;
	v41 =	vbroadcast v4, $0x4  }
0xfc: {  	v42 =	vbroadcast v4, $0x5;
	v43 =	vbroadcast v4, $0x6;
	v5 =	vshrl.u32 v3, $0x10  }
0xfd: {  	v44 =	vbroadcast v4, $0x7;
	v45 =	vbroadcast v4, $0x8;
	v5 =	vand.u32 $0x1, v5  }
0xfe: {  	v46 =	vbroadcast v4, $0x9;
	v48 =	vbroadcast v4, $0xA;
	v3 =	vadd.s32 v5, v3  }
0xff: {  	v49 =	vbroadcast v4, $0xB;
	v50 =	vbroadcast v4, $0xC;
	v3 =	vadd.s32 $0x7FFF, v3  }
0x100: {  	v52 =	vbroadcast v4, $0xD;
	v5 =	vbroadcast v4, $0x0;
	v3 =	vand.u32 $0xFFFF0000, v3  }
0x101: {  	v4 =	vbroadcast v4, $0xE;
	v6 =	vmul.f32 v3, v6  }
0x102: {  	v5 =	vmul.f32 v3, v5;
	v63 =	vmul.f32 v3, v43  }
0x103: {  	v53 =	vmul.f32 v3, v45;
	v54 =	vmul.f32 v3, v46  }
0x104: {  	v47 =	vimm.f32 $0.0e+00;
	v48 =	vmul.f32 v3, v48;
	v55 =	vmul.f32 v3, v49  }
0x105: {  	v38 =	vadd.f32 v6, v47;
	v6 =	vmul.f32 v3, v7;
	v7 =	vmul.f32 v3, v8;
	v8 =	vld.idx.msk [tilespmem:v9+s4+$0x0], $0xffff  }
0x106: {  	v58 =	vmul.f32 v3, v52;
	v57 =	vmul.f32 v3, v4  }
0x107: {  	v40 =	vadd.f32 v5, v47;
	v5 =	vmul.f32 v3, v39;
	v46 =	vadd.f32 v63, v47  }
0x108: {  	v9 =	vmul.f32 v3, v41;
	v49 =	vadd.f32 v54, v47;
	v41 =	vadd.f32 v6, v47  }
0x109: {  	v6 =	vmul.f32 v3, v42;
	v42 =	vadd.f32 v7, v47;
	v7 =	vmul.f32 v3, v44  }
0x10a: {  	v43 =	vadd.f32 v5, v47;
	v5 =	vmul.f32 v3, v50;
	v3 =	vshrl.u32 v8, $0x10  }
0x10b: {  	v4 =	vadd.f32 v55, v47;
	v55 =	vimm.f32 $0.0e+00;
	v3 =	vand.u32 $0x1, v3  }
0x10c: {  	v44 =	vadd.f32 v9, v47;
	v9 =	vadd.f32 v53, v47;
	v3 =	vadd.s32 v3, v8  }
0x10d: {  	v39 =	vadd.f32 v7, v47;
	v7 =	vbroadcast v51, $0xF;
	v3 =	vadd.s32 $0x7FFF, v3  }
0x10e: {  	s31 =	simm.s32 $0x2;
	v45 =	vadd.f32 v6, v47;
	v6 =	vadd.f32 v48, v47;
	v48 =	vand.u32 $0xFFFF0000, v3  }
0x10f: {  	s29 =	simm.s32 $0x3;
	v53 =	vimm.f32 $0.0e+00;
	v3 =	vmov s31;
	v8 =	vmul.f32 v48, v7  }
.LBB2_4:
0x110: {  	p0 =	sne.s32 s29, $0xFF;
	v7 =	vshll.u32 v3, $0x3;
	v50 =	vbroadcast v51, $0x4;
	v52 =	vbroadcast v51, $0x5  }
0x111: {  	v3 =	vand.u32 $0x7F, v3;
	v7 =	vand.u32 $0x400, v7;
	v38 =	vadd.f32 v8, v38  }
0x112: {  	v8 =	vbroadcast v51, $0x7;
	v3 =	vor.u32 v7, v3;
	v7 =	vbroadcast v51, $0x6  }
0x113: {  	v54 =	vbroadcast v51, $0x8;
	v56 =	vbroadcast v51, $0x9;
	v3 =	vor.u32 v36, v3  }
0x114: {  	v63 =	vbroadcast v51, $0xA;
	v10 =	vbroadcast v51, $0xB;
	v47 =	vadd.f32 v5, v47  }
0x115: {  	v5 =	vbroadcast v51, $0xC;
	v11 =	vbroadcast v51, $0xD;
	v53 =	vadd.f32 v58, v53  }
0x116: {  	v58 =	vmul.f32 v48, v59;
	v59 =	vbroadcast v51, $0xE;
	v55 =	vadd.f32 v57, v55  }
0x117: {  	v57 =	vmul.f32 v48, v62;
	v51 =	vmul.f32 v48, v61  }
0x118: {  	v40 =	vadd.f32 v58, v40;
	v58 =	vmul.f32 v48, v60;
	v50 =	vmul.f32 v48, v50;
	v3 =	vld.idx.msk [tilespmem:v3+s4+$0x0], $0xffff  }
0x119: {  	v52 =	vmul.f32 v48, v52;
	v41 =	vadd.f32 v51, v41;
	v7 =	vmul.f32 v48, v7  }
0x11a: {  	v42 =	vadd.f32 v57, v42;
	v54 =	vmul.f32 v48, v54;
	v8 =	vmul.f32 v48, v8  }
0x11b: {  	s28 =	sadd.s32 $0x80, s28;
	v56 =	vmul.f32 v48, v56;
	v60 =	vmul.f32 v48, v63;
	v43 =	vadd.f32 v58, v43  }
0x11c: {  	v10 =	vmul.f32 v48, v10;
	v5 =	vmul.f32 v48, v5;
	v44 =	vadd.f32 v50, v44;
	v51 =	vld [tilespmem:s28+$0x0]  }
0x11d: {  	v57 =	vmul.f32 v48, v59;
	v45 =	vadd.f32 v52, v45;
	v58 =	vmul.f32 v48, v11  }
0x11e: {  	v39 =	vadd.f32 v8, v39;
	v46 =	vadd.f32 v7, v46;
	v11 =	vshrl.u32 v3, $0x10  }
.Ltmp0:
0x11f: {  	v9 =	vadd.f32 v54, v9;
	v49 =	vadd.f32 v56, v49;
	v7 =	vand.u32 $0x1, v11;
	(pc) =	sbr.rel @p0 .LBB2_4-.Ltmp0, $4  }
0x120: {  	v6 =	vadd.f32 v60, v6;
	v4 =	vadd.f32 v10, v4;
	v3 =	vadd.s32 v7, v3  }
0x121: {  	v3 =	vadd.s32 $0x7FFF, v3;
	v59 =	vbroadcast v51, $0x0;
	v7 =	vbroadcast v51, $0xF  }
0x122: {  	v48 =	vand.u32 $0xFFFF0000, v3;
	v61 =	vbroadcast v51, $0x1;
	v62 =	vbroadcast v51, $0x2  }
0x123: {  	v3 =	vmov s29;
	s29 =	sadd.s32 $0x1, s29;
	v60 =	vbroadcast v51, $0x3;
	v8 =	vmul.f32 v48, v7  }
0x124: {  	v7 =	vshll.u32 v3, $0x3  }
0x125: {  	v3 =	vand.u32 $0x7F, v3;
	v7 =	vand.u32 $0x400, v7  }
0x126: {  	v3 =	vor.u32 v7, v3  }
0x127: {  	v3 =	vor.u32 v36, v3;
	_ =	sdelay $0x4  }
0x128: {  	v3 =	vld.idx.msk [tilespmem:v3+s4+$0x0], $0xffff;
	_ =	sdelay $0x1  }
0x129: {  	s0 =	sadd.s32 $0x80, s28  }
0x12a: {  	v7 =	vld [tilespmem:s0+$0x0];
	_ =	sdelay $0x1  }
0x12b: {  	v10 =	vshrl.u32 v3, $0x10  }
0x12c: {  	v11 =	vbroadcast v51, $0x8;
	v10 =	vand.u32 $0x1, v10  }
0x12d: {  	v3 =	vadd.s32 v10, v3  }
0x12e: {  	v10 =	vmul.f32 v48, v11;
	v11 =	vbroadcast v7, $0x8;
	v3 =	vadd.s32 $0x7FFF, v3  }
0x12f: {  	v3 =	vand.u32 $0xFFFF0000, v3  }
0x130: {  	v9 =	vadd.f32 v10, v9;
	v10 =	vmul.f32 v3, v11;
	_ =	sdelay $0x1  }
0x131: {  	v56 =	vadd.f32 v10, v9;
	_ =	sdelay $0x1  }
0x132: {  	v9 =	vand.u32 $0x7FFFFFFF, v56  }
0x133: {  	v9 =	vsub.f32 $0.0e+00, v9;
	_ =	sdelay $0x1  }
0x134: {  	v9 =	vmul.f32 $1.442695020e+00, v9;
	_ =	sdelay $0x1  }
0x135: {  	v10 =	vbroadcast v51, $0x9;
	(erf) = vpow2.f32 v9;
	_ =	sdelay $0x1  }
0x136: {  	v9 =	vmul.f32 v48, v10;
	v10 =	vbroadcast v7, $0x9;
	_ =	sdelay $0x1  }
0x137: {  	v9 =	vadd.f32 v9, v49;
	v10 =	vmul.f32 v3, v10;
	_ =	sdelay $0x1  }
0x138: {  	v54 =	vadd.f32 v10, v9;
	_ =	sdelay $0x1  }
0x139: {  	v9 =	vand.u32 $0x7FFFFFFF, v54  }
0x13a: {  	v9 =	vsub.f32 $0.0e+00, v9;
	v10 =	vpop (erf)  }
0x13b: {  	v11 =	vadd.f32 $2.000000000e+00, v10  }
0x13c: {  	v9 =	vmul.f32 $1.442695020e+00, v9  }
0x13d: {  	(erf) = vrcp.f32 v11  }
0x13e: {  	v11 =	vbroadcast v51, $0xA;
	(erf) = vpow2.f32 v9;
	_ =	sdelay $0x1  }
0x13f: {  	v9 =	vmul.f32 v48, v11;
	v11 =	vbroadcast v7, $0xA;
	_ =	sdelay $0x1  }
0x140: {  	v6 =	vadd.f32 v9, v6;
	v9 =	vmul.f32 v3, v11;
	_ =	sdelay $0x1  }
0x141: {  	v52 =	vadd.f32 v9, v6;
	_ =	sdelay $0x1  }
0x142: {  	v9 =	vand.u32 $0x7FFFFFFF, v52;
	v6 =	vpop (erf)  }
0x143: {  	v9 =	vsub.f32 $0.0e+00, v9;
	v11 =	vpop (erf)  }
0x144: {  	v22 =	vadd.f32 $2.000000000e+00, v11  }
0x145: {  	v9 =	vmul.f32 $1.442695020e+00, v9  }
0x146: {  	(erf) = vrcp.f32 v22  }
0x147: {  	v23 =	vbroadcast v51, $0xB;
	(erf) = vpow2.f32 v9;
	_ =	sdelay $0x1  }
0x148: {  	v63 =	vbroadcast v7, $0xB;
	v9 =	vmul.f32 v48, v23;
	_ =	sdelay $0x1  }
0x149: {  	v4 =	vadd.f32 v9, v4;
	v9 =	vmul.f32 v3, v63;
	_ =	sdelay $0x1  }
0x14a: {  	v50 =	vadd.f32 v9, v4;
	_ =	sdelay $0x1  }
0x14b: {  	v9 =	vand.u32 $0x7FFFFFFF, v50;
	v4 =	vpop (erf)  }
0x14c: {  	v9 =	vsub.f32 $0.0e+00, v9;
	v63 =	vpop (erf)  }
0x14d: {  	v12 =	vadd.f32 $2.000000000e+00, v63  }
0x14e: {  	v9 =	vmul.f32 $1.442695020e+00, v9  }
0x14f: {  	(erf) = vrcp.f32 v12  }
0x150: {  	v13 =	vbroadcast v51, $0xC;
	(erf) = vpow2.f32 v9;
	_ =	sdelay $0x1  }
0x151: {  	v5 =	vadd.f32 v5, v47;
	v14 =	vbroadcast v7, $0xC;
	v9 =	vmul.f32 v48, v13;
	_ =	sdelay $0x1  }
0x152: {  	v5 =	vadd.f32 v9, v5;
	v9 =	vmul.f32 v3, v14;
	_ =	sdelay $0x1  }
0x153: {  	v49 =	vadd.f32 v9, v5;
	_ =	sdelay $0x1  }
0x154: {  	v9 =	vand.u32 $0x7FFFFFFF, v49;
	v5 =	vpop (erf)  }
0x155: {  	v9 =	vsub.f32 $0.0e+00, v9;
	v12 =	vpop (erf)  }
0x156: {  	v15 =	vadd.f32 $2.000000000e+00, v12  }
0x157: {  	v9 =	vmul.f32 $1.442695020e+00, v9  }
0x158: {  	(erf) = vrcp.f32 v15  }
0x159: {  	v16 =	vbroadcast v51, $0xD;
	(erf) = vpow2.f32 v9;
	_ =	sdelay $0x1  }
0x15a: {  	v47 =	vmul.f32 v48, v16;
	v17 =	vbroadcast v7, $0xD;
	v9 =	vadd.f32 v58, v53;
	_ =	sdelay $0x1  }
0x15b: {  	v18 =	vmul.f32 v3, v17;
	v9 =	vadd.f32 v47, v9;
	_ =	sdelay $0x1  }
0x15c: {  	v53 =	vadd.f32 v18, v9;
	_ =	sdelay $0x1  }
0x15d: {  	v47 =	vand.u32 $0x7FFFFFFF, v53;
	v9 =	vpop (erf)  }
0x15e: {  	v47 =	vsub.f32 $0.0e+00, v47;
	v58 =	vpop (erf)  }
0x15f: {  	v13 =	vadd.f32 $2.000000000e+00, v58  }
0x160: {  	v47 =	vmul.f32 $1.442695020e+00, v47  }
0x161: {  	(erf) = vrcp.f32 v13  }
0x162: {  	v19 =	vbroadcast v51, $0xE;
	(erf) = vpow2.f32 v47;
	_ =	sdelay $0x1  }
0x163: {  	v20 =	vadd.f32 v57, v55;
	v21 =	vbroadcast v7, $0xE;
	v13 =	vmul.f32 v48, v19;
	_ =	sdelay $0x1  }
0x164: {  	v59 =	vmul.f32 v48, v59;
	v22 =	vmul.f32 v3, v21;
	v13 =	vadd.f32 v13, v20  }
0x165: {  	v61 =	vmul.f32 v48, v61;
	v60 =	vmul.f32 v48, v60;
	v8 =	vadd.f32 v8, v38  }
0x166: {  	v62 =	vmul.f32 v48, v62;
	v38 =	vadd.f32 v59, v40;
	v55 =	vadd.f32 v22, v13  }
0x167: {  	v43 =	vadd.f32 v60, v43;
	v6 =	vmul.f32 v6, v10;
	v21 =	vbroadcast v51, $0x6  }
0x168: {  	v60 =	vbroadcast v7, $0x5;
	v23 =	vbroadcast v51, $0x4;
	v15 =	vand.u32 $0x7FFFFFFF, v55;
	v14 =	vpop (erf)  }
0x169: {  	v59 =	vmul.f32 v6, v6;
	v40 =	vmul.f32 v48, v21;
	v15 =	vsub.f32 $0.0e+00, v15;
	v16 =	vpop (erf)  }
0x16a: {  	v21 =	vbroadcast v7, $0x3;
	v57 =	vmul.f32 v48, v23;
	v17 =	vadd.f32 $2.000000000e+00, v16  }
0x16b: {  	v23 =	vbroadcast v7, $0x0;
	v15 =	vmul.f32 $1.442695020e+00, v15  }
0x16c: {  	v4 =	vmul.f32 v4, v11;
	(erf) = vrcp.f32 v17  }
0x16d: {  	v40 =	vadd.f32 v40, v46;
	v46 =	vbroadcast v7, $0x6;
	(erf) = vpow2.f32 v15  }
0x16e: {  	v44 =	vadd.f32 v57, v44;
	v57 =	vmul.f32 v4, v4;
	v5 =	vmul.f32 v5, v63  }
0x16f: {  	v18 =	vbroadcast v7, $0xF;
	v9 =	vmul.f32 v9, v12  }
0x170: {  	v19 =	vbroadcast v7, $0x1;
	v20 =	vbroadcast v51, $0x5  }
0x171: {  	v47 =	vmul.f32 v3, v18;
	v22 =	vbroadcast v51, $0x7  }
0x172: {  	v13 =	vmul.f32 v48, v20;
	v20 =	vbroadcast v7, $0x2  }
0x173: {  	v51 =	vadd.f32 v47, v8;
	v8 =	vmul.f32 v3, v23;
	v23 =	vmul.f32 v3, v19  }
0x174: {  	v19 =	vmul.f32 v59, v32;
	v17 =	vadd.f32 v61, v41;
	v41 =	vmul.f32 v48, v22  }
0x175: {  	v11 =	vmul.f32 v3, v20;
	v18 =	vand.u32 $0x7FFFFFFF, v51;
	v15 =	vadd.f32 v62, v42;
	v61 =	vpop (erf)  }
0x176: {  	v22 =	vbroadcast v7, $0x4;
	v10 =	vadd.f32 v41, v39;
	v41 =	vsub.f32 $0.0e+00, v18;
	v62 =	vpop (erf)  }
0x177: {  	v48 =	vadd.f32 v8, v38;
	v8 =	vmul.f32 v57, v32;
	v20 =	vadd.f32 $2.000000000e+00, v62  }
0x178: {  	v37 =	vshll.u32 v37, $0x7;
	v42 =	vmul.f32 v3, v21;
	v21 =	vmul.f32 $1.442695020e+00, v41  }
0x179: {  	v18 =	vmul.f32 v3, v22;
	v22 =	vadd.f32 $1.428571490e-01, v19;
	(erf) = vrcp.f32 v20  }
0x17a: {  	v7 =	vbroadcast v7, $0x7;
	v8 =	vadd.f32 $1.428571490e-01, v8;
	(erf) = vpow2.f32 v21  }
0x17b: {  	v6 =	vadd.f32 v6, v6;
	v19 =	vmul.f32 v22, v59;
	v20 =	vmul.f32 v5, v5  }
0x17c: {  	v4 =	vadd.f32 v4, v4;
	v8 =	vmul.f32 v8, v57;
	v21 =	vmul.f32 v3, v46  }
0x17d: {  	v46 =	vadd.f32 v11, v15;
	v11 =	vadd.f32 $2.000000030e-01, v19;
	v22 =	vmul.f32 v20, v32  }
0x17e: {  	v47 =	vadd.f32 v23, v17;
	v23 =	vmul.f32 v3, v60;
	v8 =	vadd.f32 $2.000000030e-01, v8  }
0x17f: {  	v3 =	vmul.f32 v3, v7;
	v7 =	vmul.f32 v11, v59;
	v11 =	vadd.f32 $1.428571490e-01, v22  }
0x180: {  	v13 =	vadd.f32 v13, v45;
	v38 =	vor.u32 $0x3, v37;
	v45 =	vadd.f32 v42, v43  }
0x181: {  	v41 =	vadd.f32 v3, v10;
	v3 =	vadd.f32 $3.333333430e-01, v7;
	v7 =	vmul.f32 v8, v57  }
0x182: {  	v44 =	vadd.f32 v18, v44;
	v43 =	vadd.f32 v23, v13;
	v8 =	vmul.f32 v11, v20;
	v10 =	vpop (erf)  }
0x183: {  	v12 =	vmul.f32 v61, v16;
	v3 =	vmul.f32 v3, v59;
	v7 =	vadd.f32 $3.333333430e-01, v7;
	v11 =	vpop (erf)  }
0x184: {  	v39 =	vor.u32 $0x2, v37;
	v8 =	vadd.f32 $2.000000030e-01, v8;
	v23 =	vadd.f32 $2.000000000e+00, v11  }
0x185: {  	v18 =	vmul.f32 v12, v12;
	v3 =	vadd.f32 $1.000000000e+00, v3;
	v7 =	vmul.f32 v7, v57  }
0x186: {  	v17 =	vor.u32 $0x5, v37;
	v8 =	vmul.f32 v8, v20;
	(erf) = vrcp.f32 v23  }
0x187: {  	v12 =	vadd.f32 v12, v12;
	v15 =	vmul.f32 v9, v9;
	v3 =	vmul.f32 v3, v6  }
0x188: {  	v6 =	vmax.f32 v56, $0.0e+00;
	v7 =	vadd.f32 $1.000000000e+00, v7;
	v8 =	vadd.f32 $3.333333430e-01, v8  }
0x189: {  	v59 =	vmul.f32 v15, v32;
	v3 =	vadd.f32 v3, v6;
	v6 =	vmul.f32 v14, v58  }
0x18a: {  	v5 =	vadd.f32 v5, v5;
	v4 =	vmul.f32 v7, v4;
	v7 =	vmul.f32 v8, v20  }
0x18b: {  	v8 =	vadd.f32 $1.428571490e-01, v59;
	v57 =	vadd.f32 $9.999999770e-03, v3;
	v3 =	vmul.f32 v6, v6  }
0x18c: {  	v61 =	vmax.f32 v54, $0.0e+00;
	v9 =	vadd.f32 v9, v9;
	v7 =	vadd.f32 $1.000000000e+00, v7  }
0x18d: {  	v42 =	vadd.f32 v21, v40;
	v8 =	vmul.f32 v8, v15;
	v63 =	vmul.f32 v3, v32  }
0x18e: {  	v4 =	vadd.f32 v4, v61;
	v5 =	vmul.f32 v7, v5;
	v7 =	vmul.f32 v10, v62  }
0x18f: {  	v20 =	vmul.f32 v18, v32;
	v8 =	vadd.f32 $2.000000030e-01, v8;
	v10 =	vadd.f32 $1.428571490e-01, v63;
	v21 =	vpop (erf)  }
0x190: {  	v54 =	vadd.f32 $9.999999770e-03, v4;
	v4 =	vmul.f32 v7, v7;
	v11 =	vmul.f32 v21, v11  }
0x191: {  	v14 =	vadd.f32 $1.428571490e-01, v20;
	v8 =	vmul.f32 v8, v15;
	v10 =	vmul.f32 v10, v3  }
0x192: {  	v22 =	vmax.f32 v52, $0.0e+00;
	v23 =	vmul.f32 v4, v32;
	v60 =	vmul.f32 v11, v11  }
0x193: {  	v14 =	vmul.f32 v14, v18;
	v5 =	vadd.f32 v5, v22;
	v8 =	vadd.f32 $3.333333430e-01, v8  }
0x194: {  	v10 =	vadd.f32 $2.000000030e-01, v10;
	v61 =	vadd.f32 $1.428571490e-01, v23;
	v62 =	vmul.f32 v60, v32  }
0x195: {  	v52 =	vadd.f32 $9.999999770e-03, v5;
	v5 =	vmul.f32 v8, v15;
	v8 =	vadd.f32 $2.000000030e-01, v14  }
0x196: {  	v10 =	vmul.f32 v10, v3;
	v63 =	vmul.f32 v61, v4;
	v19 =	vadd.f32 $1.428571490e-01, v62  }
0x197: {  	v40 =	vor.u32 $0x1, v37;
	v5 =	vadd.f32 $1.000000000e+00, v5;
	v8 =	vmul.f32 v8, v18  }
0x198: {  	v10 =	vadd.f32 $3.333333430e-01, v10;
	v14 =	vadd.f32 $2.000000030e-01, v63;
	v15 =	vmul.f32 v19, v60  }
0x199: {  	v5 =	vmul.f32 v5, v9;
	v9 =	vmax.f32 v50, $0.0e+00;
	v8 =	vadd.f32 $3.333333430e-01, v8  }
0x19a: {  	v3 =	vmul.f32 v10, v3;
	v10 =	vmul.f32 v14, v4;
	v20 =	vadd.f32 $2.000000030e-01, v15  }
0x19b: {  	v6 =	vadd.f32 v6, v6;
	v5 =	vadd.f32 v5, v9;
	v8 =	vmul.f32 v8, v18  }
0x19c: {  	v3 =	vadd.f32 $1.000000000e+00, v3;
	v9 =	vadd.f32 $3.333333430e-01, v10;
	v10 =	vmul.f32 v20, v60  }
0x19d: {  	v13 =	vor.u32 $0x4, v37;
	v7 =	vadd.f32 v7, v7;
	v8 =	vadd.f32 $1.000000000e+00, v8  }
0x19e: {  	v22 =	vld.idx.msk [tilespmem:v40+s18+$0x0], $0xffff;
	v3 =	vmul.f32 v3, v6;
	v4 =	vmul.f32 v9, v4;
	v6 =	vadd.f32 $3.333333430e-01, v10  }
0x19f: {  	v21 =	vmax.f32 v53, $0.0e+00;
	v23 =	vld.idx.msk [tilespmem:v39+s18+$0x0], $0xffff;
	v14 =	vor.u32 $0x6, v37;
	v8 =	vmul.f32 v8, v12  }
0x1a0: {  	v9 =	vld.idx.msk [tilespmem:v37+s18+$0x0], $0xffff;
	v4 =	vadd.f32 $1.000000000e+00, v4;
	v10 =	vmax.f32 v49, $0.0e+00;
	v6 =	vmul.f32 v6, v60  }
0x1a1: {  	v50 =	vor.u32 $0x7, v37;
	v8 =	vadd.f32 v8, v21;
	v3 =	vadd.f32 v3, v10;
	v10 =	vld.idx.msk [tilespmem:v38+s18+$0x0], $0xffff  }
0x1a2: {  	v4 =	vmul.f32 v4, v7;
	v7 =	vadd.f32 v11, v11;
	v11 =	vld.idx.msk [tilespmem:v13+s18+$0x0], $0xffff;
	v6 =	vadd.f32 $1.000000000e+00, v6  }
0x1a3: {  	v60 =	vadd.f32 $9.999999770e-03, v5;
	v5 =	vld.idx.msk [tilespmem:v17+s18+$0x0], $0xffff;
	v58 =	vadd.f32 $9.999999770e-03, v3;
	v3 =	vmax.f32 v55, $0.0e+00  }
0x1a4: {  	v53 =	vadd.f32 $9.999999770e-03, v8;
	v3 =	vadd.f32 v4, v3;
	v4 =	vmul.f32 v6, v7  }
0x1a5: {  	v8 =	vmul.f32 v9, v57;
	v9 =	vmul.f32 v22, v54;
	v6 =	vld.idx.msk [tilespmem:v14+s18+$0x0], $0xffff;
	v7 =	vmax.f32 v51, $0.0e+00  }
0x1a6: {  	v55 =	vld.idx.msk [tilespmem:v50+s18+$0x0], $0xffff;
	v51 =	vadd.f32 $9.999999770e-03, v3;
	v3 =	vadd.f32 v4, v7;
	v4 =	vmul.f32 v23, v52  }
0x1a7: {  	v8 =	vadd.f32 v8, v48;
	v9 =	vadd.f32 v9, v47;
	v7 =	vmul.f32 v10, v60  }
0x1a8: {  	v5 =	vmul.f32 v5, v53;
	v10 =	vmul.f32 v11, v58;
	v4 =	vadd.f32 v4, v46  }
0x1a9: {  	v50 =	vadd.f32 $9.999999770e-03, v3;
	v3 =	vadd.f32 v7, v45;
	v7 =	vmax.f32 v8, v9  }
0x1aa: {  	v61 =	vadd.f32 v10, v44;
	v6 =	vmul.f32 v6, v51;
	v7 =	vmax.f32 v7, v4  }
0x1ab: {  	v59 =	vadd.f32 v5, v43;
	v5 =	vmul.f32 v55, v50;
	v7 =	vmax.f32 v7, v3  }
0x1ac: {  	v55 =	vadd.f32 v6, v42;
	v6 =	vmax.f32 v7, v61  }
0x1ad: {  	v49 =	vadd.f32 v5, v41;
	v5 =	vmax.f32 v6, v59  }
0x1ae: {  	v5 =	vmax.f32 v5, v55  }
0x1af: {  	v5 =	vmax.f32 v5, v49  }
0x1b0: {  	v6 =	vimm.s32 $0x0;
	vm4 =	veq.f32 v8, v5  }
0x1b1: {  	vm0 =	vne.f32 v8, v5;
	vm2 =	veq.f32 v9, v5;
	vm14 =	veq.f32 v4, v5  }
0x1b2: {  	vm6 =	veq.f32 v3, v5;
	vm8 =	veq.f32 v61, v5;
	vm1 =	vmand vm2, vm0  }
0x1b3: {  	vm9 =	veq.f32 v59, v5;
	vm13 =	vmor vm4, vm2;
	v6 =	vsel vm1, $0xFFFFFFFF, v6  }
0x1b4: {  	vm3 =	vmneg vm13;
	vm0 =	vmor vm14, vm13;
	v10 =	vsel vm1, $0xF149F2CA, v9  }
0x1b5: {  	vm7 =	vmneg vm0;
	vm0 =	vmor vm6, vm0;
	vm5 =	vmand vm14, vm3  }
0x1b6: {  	[tilespmem:$0x1FE90] =	vst v6;
	vm14 =	veq.f32 v55, v5;
	v6 =	vsel vm4, $0xF149F2CA, v8;
	vm2 =	vmand vm6, vm7  }
0x1b7: {  	vm15 =	vmor vm8, vm0;
	vm0 =	vmneg vm0;
	v11 =	vsel vm5, $0xF149F2CA, v4  }
0x1b8: {  	v7 =	vmax.f32 v6, v10;
	vm12 =	vmneg vm15;
	vm6 =	vmand vm8, vm0  }
0x1b9: {  	vm13 =	vmor vm9, vm15;
	v62 =	vsel vm2, $0xF149F2CA, v3;
	v7 =	vmax.f32 v7, v11  }
0x1ba: {  	vm15 =	vne.f32 v49, v5;
	vm3 =	vmand vm9, vm12;
	vm7 =	vmneg vm13  }
0x1bb: {  	v63 =	vsel vm6, $0xF149F2CA, v61;
	v7 =	vmax.f32 v7, v62;
	vm8 =	vmor vm14, vm15  }
0x1bc: {  	vm7 =	vmand vm14, vm7;
	v20 =	vsel vm3, $0xF149F2CA, v59;
	v7 =	vmax.f32 v7, v63  }
0x1bd: {  	vm0 =	vmor vm8, vm13;
	v22 =	vsel vm7, $0xF149F2CA, v55;
	v7 =	vmax.f32 v7, v20  }
0x1be: {  	v23 =	vnsel vm0, $0xF149F2CA, v49;
	v7 =	vmax.f32 v7, v22  }
0x1bf: {  	v56 =	vmax.f32 v7, v23  }
0x1c0: {  	v5 =	vsub.f32 v56, v5;
	_ =	sdelay $0x1  }
0x1c1: {  	v5 =	vmul.f32 $1.442695020e+00, v5;
	_ =	sdelay $0x1  }
0x1c2: {  	(erf) = vpow2.f32 v5  }
0x1c3: {  	v21 =	vimm.s32 $0x0  }
0x1c4: {  	v15 =	vsel vm0, $0xFFFFFFFF, v21  }
0x1c5: {  	vm10 =	veq.f32 v6, v56;
	vm0 =	vne.f32 v6, v56;
	vm11 =	veq.f32 v10, v56  }
0x1c6: {  	vm13 =	veq.f32 v62, v56;
	vm9 =	vmand vm11, vm0;
	vm1 =	vmor vm10, vm11  }
0x1c7: {  	vm11 =	veq.f32 v11, v56;
	vm0 =	veq.f32 v63, v56;
	v6 =	vsel vm10, $0xF149F2CA, v6  }
0x1c8: {  	vm12 =	vmneg vm1;
	vm8 =	vmor vm11, vm1;
	v10 =	vsel vm9, $0xF149F2CA, v10  }
0x1c9: {  	vm15 =	vmneg vm8;
	vm8 =	vmor vm13, vm8;
	vm14 =	vmand vm11, vm12  }
0x1ca: {  	vm12 =	veq.f32 v20, v56;
	v6 =	vmax.f32 v6, v10;
	vm11 =	vmand vm13, vm15  }
0x1cb: {  	vm13 =	vmor vm0, vm8;
	vm8 =	vmneg vm8;
	v11 =	vsel vm14, $0xF149F2CA, v11;
	v7 =	vpop (erf)  }
0x1cc: {  	vm1 =	vmneg vm13;
	vm15 =	vmand vm0, vm8;
	v5 =	vadd.f32 $1.000000000e+00, v7  }
0x1cd: {  	vm8 =	veq.f32 v22, v56;
	v6 =	vmax.f32 v6, v11;
	vm0 =	vmand vm12, vm1  }
0x1ce: {  	vm1 =	vmor vm12, vm13;
	v10 =	vsel vm15, $0xF149F2CA, v63;
	(erf) = vrcp.f32 v5  }
0x1cf: {  	vm12 =	vmneg vm1;
	v5 =	vsel vm11, $0xF149F2CA, v62;
	(erf) = vrcp.f32 v57  }
0x1d0: {  	vm13 =	vmand vm8, vm12;
	vm12 =	vne.f32 v23, v56;
	v5 =	vmax.f32 v6, v5  }
0x1d1: {  	vm8 =	vmor vm8, vm12;
	v6 =	vsel vm0, $0xF149F2CA, v20;
	v5 =	vmax.f32 v5, v10  }
0x1d2: {  	vm8 =	vmor vm8, vm1;
	v10 =	vsel vm13, $0xF149F2CA, v22;
	v5 =	vmax.f32 v5, v6  }
0x1d3: {  	v6 =	vnsel vm8, $0xF149F2CA, v23;
	v5 =	vmax.f32 v5, v10  }
0x1d4: {  	v5 =	vmax.f32 v5, v6  }
0x1d5: {  	vm12 =	vgt.f32 v8, v5  }
0x1d6: {  	v6 =	vsel vm12, v5, v56  }
0x1d7: {  	v6 =	vsub.f32 v48, v6;
	v62 =	vpop (erf)  }
0x1d8: {  	v8 =	vpop (erf)  }
0x1d9: {  	v57 =	vmul.f32 v6, v8;
	_ =	sdelay $0x1  }
0x1da: {  	v6 =	vand.u32 $0x7FFFFFFF, v57  }
0x1db: {  	v6 =	vmul.f32 $7.071067690e-01, v6;
	_ =	sdelay $0x1  }
0x1dc: {  	v8 =	vsub.f32 $0.0e+00, v6  }
0x1dd: {  	v10 =	vmul.f32 $3.275910910e-01, v6  }
0x1de: {  	v6 =	vmul.f32 v8, v6  }
0x1df: {  	v8 =	vadd.f32 $1.000000000e+00, v10  }
0x1e0: {  	v6 =	vmul.f32 $1.442695020e+00, v6  }
0x1e1: {  	(erf) = vrcp.f32 v8  }
0x1e2: {  	(erf) = vpow2.f32 v6  }
0x1e3: {  	(erf) = vrcp.f32 v54;
	_ =	sdelay $0x5  }
0x1e4: {  	vm12 =	vgt.f32 v9, v5  }
0x1e5: {  	v9 =	vsel vm12, v5, v56;
	v8 =	vpop (erf)  }
0x1e6: {  	v9 =	vsub.f32 v47, v9;
	v6 =	vpop (erf)  }
0x1e7: {  	v10 =	vpop (erf)  }
0x1e8: {  	v63 =	vmul.f32 v9, v10;
	_ =	sdelay $0x1  }
0x1e9: {  	v9 =	vand.u32 $0x7FFFFFFF, v63  }
0x1ea: {  	v9 =	vmul.f32 $7.071067690e-01, v9;
	_ =	sdelay $0x1  }
0x1eb: {  	v10 =	vsub.f32 $0.0e+00, v9  }
0x1ec: {  	v11 =	vmul.f32 $3.275910910e-01, v9  }
0x1ed: {  	v9 =	vmul.f32 v10, v9  }
0x1ee: {  	v10 =	vadd.f32 $1.000000000e+00, v11  }
0x1ef: {  	v9 =	vmul.f32 $1.442695020e+00, v9  }
0x1f0: {  	(erf) = vrcp.f32 v10  }
0x1f1: {  	(erf) = vpow2.f32 v9  }
0x1f2: {  	(erf) = vrcp.f32 v52;
	_ =	sdelay $0x5  }
0x1f3: {  	vm12 =	vgt.f32 v4, v5  }
0x1f4: {  	v4 =	vsel vm12, v5, v56;
	v10 =	vpop (erf)  }
0x1f5: {  	v4 =	vsub.f32 v46, v4;
	v9 =	vpop (erf)  }
0x1f6: {  	v11 =	vpop (erf)  }
0x1f7: {  	v54 =	vmul.f32 v4, v11;
	_ =	sdelay $0x1  }
0x1f8: {  	v4 =	vand.u32 $0x7FFFFFFF, v54  }
0x1f9: {  	v4 =	vmul.f32 $7.071067690e-01, v4;
	_ =	sdelay $0x1  }
0x1fa: {  	v11 =	vsub.f32 $0.0e+00, v4  }
0x1fb: {  	v46 =	vmul.f32 $3.275910910e-01, v4  }
0x1fc: {  	v4 =	vmul.f32 v11, v4  }
0x1fd: {  	v11 =	vadd.f32 $1.000000000e+00, v46  }
0x1fe: {  	v4 =	vmul.f32 $1.442695020e+00, v4  }
0x1ff: {  	(erf) = vrcp.f32 v11  }
0x200: {  	(erf) = vpow2.f32 v4  }
0x201: {  	(erf) = vrcp.f32 v60;
	_ =	sdelay $0x5  }
0x202: {  	vm12 =	vgt.f32 v3, v5  }
0x203: {  	v3 =	vsel vm12, v5, v56;
	v4 =	vpop (erf)  }
0x204: {  	v3 =	vsub.f32 v45, v3;
	v60 =	vpop (erf)  }
0x205: {  	v11 =	vpop (erf)  }
0x206: {  	v48 =	vmul.f32 v3, v11;
	_ =	sdelay $0x1  }
0x207: {  	v3 =	vand.u32 $0x7FFFFFFF, v48  }
0x208: {  	v3 =	vmul.f32 $7.071067690e-01, v3;
	_ =	sdelay $0x1  }
0x209: {  	v11 =	vsub.f32 $0.0e+00, v3  }
0x20a: {  	v47 =	vmul.f32 $3.275910910e-01, v3  }
0x20b: {  	v3 =	vmul.f32 v11, v3  }
0x20c: {  	v11 =	vadd.f32 $1.000000000e+00, v47  }
0x20d: {  	v3 =	vmul.f32 $1.442695020e+00, v3  }
0x20e: {  	(erf) = vrcp.f32 v11  }
0x20f: {  	(erf) = vpow2.f32 v3  }
0x210: {  	(erf) = vrcp.f32 v58;
	_ =	sdelay $0x5  }
0x211: {  	vm12 =	vgt.f32 v61, v5  }
0x212: {  	v11 =	vsel vm12, v5, v56;
	v3 =	vpop (erf)  }
0x213: {  	v11 =	vsub.f32 v44, v11;
	v58 =	vpop (erf)  }
0x214: {  	v52 =	vpop (erf)  }
0x215: {  	v52 =	vmul.f32 v11, v52;
	_ =	sdelay $0x1  }
0x216: {  	v11 =	vand.u32 $0x7FFFFFFF, v52  }
0x217: {  	v11 =	vmul.f32 $7.071067690e-01, v11;
	_ =	sdelay $0x1  }
0x218: {  	v61 =	vsub.f32 $0.0e+00, v11  }
0x219: {  	v16 =	vmul.f32 $3.275910910e-01, v11  }
0x21a: {  	v11 =	vmul.f32 v61, v11  }
0x21b: {  	v17 =	vadd.f32 $1.000000000e+00, v16  }
0x21c: {  	v11 =	vmul.f32 $1.442695020e+00, v11  }
0x21d: {  	(erf) = vrcp.f32 v17  }
0x21e: {  	(erf) = vpow2.f32 v11  }
0x21f: {  	(erf) = vrcp.f32 v53;
	_ =	sdelay $0x5  }
0x220: {  	vm12 =	vgt.f32 v59, v5  }
0x221: {  	v11 =	vsel vm12, v5, v56;
	v59 =	vpop (erf)  }
0x222: {  	v11 =	vsub.f32 v43, v11;
	v53 =	vpop (erf)  }
0x223: {  	v18 =	vpop (erf)  }
0x224: {  	v47 =	vmul.f32 v11, v18;
	_ =	sdelay $0x1  }
0x225: {  	v11 =	vand.u32 $0x7FFFFFFF, v47  }
0x226: {  	v11 =	vmul.f32 $7.071067690e-01, v11;
	_ =	sdelay $0x1  }
0x227: {  	v19 =	vsub.f32 $0.0e+00, v11  }
0x228: {  	v20 =	vmul.f32 $3.275910910e-01, v11  }
0x229: {  	v11 =	vmul.f32 v19, v11  }
0x22a: {  	v21 =	vadd.f32 $1.000000000e+00, v20  }
0x22b: {  	v11 =	vmul.f32 $1.442695020e+00, v11  }
0x22c: {  	(erf) = vrcp.f32 v21  }
0x22d: {  	(erf) = vpow2.f32 v11  }
0x22e: {  	(erf) = vrcp.f32 v51;
	_ =	sdelay $0x3  }
0x22f: {  	v23 =	vmul.f32 $1.061405420e+00, v8;
	_ =	sdelay $0x1  }
0x230: {  	v12 =	vadd.f32 $-1.453152060e+00, v23;
	vm12 =	vgt.f32 v55, v5  }
0x231: {  	v11 =	vsel vm12, v5, v56;
	v61 =	vpop (erf)  }
0x232: {  	v12 =	vmul.f32 v12, v8;
	v11 =	vsub.f32 v42, v11;
	v55 =	vpop (erf)  }
0x233: {  	v22 =	vpop (erf)  }
0x234: {  	v12 =	vadd.f32 $1.421413780e+00, v12;
	v51 =	vmul.f32 v11, v22  }
0x235: {  	v42 =	vmul.f32 $1.061405420e+00, v10  }
0x236: {  	v12 =	vmul.f32 v12, v8;
	v11 =	vand.u32 $0x7FFFFFFF, v51  }
0x237: {  	v13 =	vadd.f32 $-1.453152060e+00, v42;
	v11 =	vmul.f32 $7.071067690e-01, v11  }
0x238: {  	v12 =	vadd.f32 $-2.844967250e-01, v12  }
0x239: {  	v13 =	vmul.f32 v13, v10;
	v43 =	vsub.f32 $0.0e+00, v11  }
0x23a: {  	v12 =	vmul.f32 v12, v8;
	v44 =	vmul.f32 $3.275910910e-01, v11  }
0x23b: {  	v13 =	vadd.f32 $1.421413780e+00, v13;
	v11 =	vmul.f32 v43, v11  }
0x23c: {  	v12 =	vadd.f32 $2.548295860e-01, v12;
	v45 =	vadd.f32 $1.000000000e+00, v44  }
0x23d: {  	v46 =	vld [tilespmem:$0x1FE90];
	v13 =	vmul.f32 v13, v10;
	v11 =	vmul.f32 $1.442695020e+00, v11  }
0x23e: {  	v8 =	vmul.f32 v12, v8;
	(erf) = vrcp.f32 v45  }
0x23f: {  	v7 =	vmul.f32 v62, v7;
	v13 =	vadd.f32 $-2.844967250e-01, v13;
	(erf) = vpow2.f32 v11  }
0x240: {  	v6 =	vmul.f32 v8, v6;
	(erf) = vrcp.f32 v50  }
0x241: {  	[tilespmem:$0x1FEA0] =	vst v15;
	v15 =	vnsel vm4, $0x0, v62;
	v13 =	vmul.f32 v13, v10  }
0x242: {  	v6 =	vsub.f32 $1.000000000e+00, v6;
	vm4 =	vnez.u8 v46;
	v46 =	vnsel vm11, $0x0, v7  }
0x243: {  	v14 =	vnsel vm4, $0x0, v62;
	vm11 =	vlt.f32 v48, $0.0e+00;
	v13 =	vadd.f32 $2.548295860e-01, v13  }
0x244: {  	v16 =	vnsel vm10, $0x0, v7;
	v17 =	vnsel vm5, $0x0, v62;
	vm5 =	vgt.f32 v49, v5  }
0x245: {  	v18 =	vnsel vm14, $0x0, v7;
	v5 =	vsel vm5, v5, v56;
	v10 =	vmul.f32 v13, v10  }
0x246: {  	v19 =	vnsel vm6, $0x0, v62;
	v20 =	vnsel vm15, $0x0, v7;
	v5 =	vsub.f32 v41, v5  }
0x247: {  	v41 =	vadd.f32 v20, v19;
	v42 =	vnsel vm2, $0x0, v62;
	v8 =	vmul.f32 v10, v9;
	v10 =	vld [tilespmem:$0x1FEA0];
	v23 =	vpop (erf)  }
0x248: {  	v21 =	vnsel vm3, $0x0, v62;
	v42 =	vadd.f32 v46, v42;
	v43 =	vadd.f32 v16, v15;
	v16 =	vpop (erf)  }
0x249: {  	v56 =	vmul.f32 $1.061405420e+00, v4;
	v46 =	vsub.f32 $0.0e+00, v6;
	v44 =	vadd.f32 v18, v17;
	v18 =	vpop (erf)  }
0x24a: {  	v8 =	vsub.f32 $1.000000000e+00, v8;
	v11 =	vnsel vm9, $0x0, v7;
	v5 =	vmul.f32 v5, v18  }
0x24b: {  	v22 =	vnsel vm0, $0x0, v7;
	v45 =	vadd.f32 v11, v14;
	v11 =	vadd.f32 $-1.453152060e+00, v56  }
0x24c: {  	v50 =	vnsel vm7, $0x0, v62;
	vm6 =	vnez.u8 v10;
	v10 =	vand.u32 $0x7FFFFFFF, v5  }
0x24d: {  	vm7 =	vlt.f32 v57, $0.0e+00;
	v9 =	vmul.f32 v11, v4;
	v10 =	vmul.f32 $7.071067690e-01, v10  }
0x24e: {  	vm9 =	vlt.f32 v63, $0.0e+00;
	v57 =	vmul.f32 $1.061405420e+00, v3;
	v6 =	vsel vm7, v46, v6  }
0x24f: {  	v46 =	vadd.f32 v22, v21;
	v9 =	vadd.f32 $1.421413780e+00, v9;
	v18 =	vmul.f32 $3.275910910e-01, v10  }
0x250: {  	v13 =	vld [tilespmem:$0x10400];
	v56 =	vsel vm6, $0x0, v62;
	v62 =	vsub.f32 $0.0e+00, v8;
	v19 =	vadd.f32 $-1.453152060e+00, v57  }
0x251: {  	v22 =	vld [tilespmem:$0x10080];
	v6 =	vadd.f32 $1.000000000e+00, v6;
	v9 =	vmul.f32 v9, v4;
	v20 =	vadd.f32 $1.000000000e+00, v18  }
0x252: {  	vm10 =	vlt.f32 v54, $0.0e+00;
	v8 =	vsel vm9, v62, v8;
	v12 =	vmul.f32 v19, v3  }
0x253: {  	v57 =	vld [tilespmem:$0x10480];
	v6 =	vmul.f32 $5.000000000e-01, v6;
	v9 =	vadd.f32 $-2.844967250e-01, v9;
	(erf) = vrcp.f32 v20  }
0x254: {  	v49 =	vnsel vm13, $0x0, v7;
	v63 =	vmul.f32 $1.061405420e+00, v59;
	v8 =	vadd.f32 $1.000000000e+00, v8  }
0x255: {  	v62 =	vld [tilespmem:$0x10100];
	v12 =	vadd.f32 $1.421413780e+00, v12;
	v6 =	vadd.f32 v6, v13;
	v9 =	vmul.f32 v9, v4  }
0x256: {  	v15 =	vadd.f32 v45, v22;
	v22 =	vmul.f32 $1.061405420e+00, v61;
	v8 =	vmul.f32 $5.000000000e-01, v8  }
0x257: {  	v12 =	vmul.f32 v12, v3;
	v9 =	vadd.f32 $2.548295860e-01, v9;
	v20 =	vadd.f32 $-1.453152060e+00, v63  }
0x258: {  	v13 =	vadd.f32 $-1.453152060e+00, v22;
	v8 =	vadd.f32 v8, v57;
	v57 =	vmul.f32 $1.061405420e+00, v23  }
0x259: {  	v4 =	vmul.f32 v9, v4;
	v9 =	vadd.f32 $-2.844967250e-01, v12;
	v21 =	vmul.f32 v20, v59  }
0x25a: {  	vm13 =	vlt.f32 v47, $0.0e+00;
	v14 =	vadd.f32 v44, v62;
	v13 =	vmul.f32 v13, v61  }
0x25b: {  	v17 =	vadd.f32 $-1.453152060e+00, v57;
	v9 =	vmul.f32 v9, v3;
	v12 =	vadd.f32 $1.421413780e+00, v21  }
0x25c: {  	v11 =	vld [tilespmem:$0x10000];
	v62 =	vadd.f32 $1.421413780e+00, v13;
	v57 =	vsub.f32 $0.0e+00, v10;
	v4 =	vmul.f32 v4, v60;
	v18 =	vpop (erf)  }
0x25d: {  	v9 =	vadd.f32 $2.548295860e-01, v9;
	v12 =	vmul.f32 v12, v59;
	v60 =	vmul.f32 $1.061405420e+00, v18  }
0x25e: {  	v10 =	vmul.f32 v57, v10;
	v4 =	vsub.f32 $1.000000000e+00, v4;
	v63 =	vmul.f32 v17, v23  }
0x25f: {  	v3 =	vmul.f32 v9, v3;
	v9 =	vadd.f32 $-2.844967250e-01, v12;
	v54 =	vadd.f32 $-1.453152060e+00, v60  }
0x260: {  	v10 =	vmul.f32 $1.442695020e+00, v10;
	v13 =	vadd.f32 $1.421413780e+00, v63;
	v12 =	vmul.f32 v62, v61  }
0x261: {  	v11 =	vadd.f32 v43, v11;
	v9 =	vmul.f32 v9, v59;
	v17 =	vmul.f32 v54, v18  }
0x262: {  	v19 =	vsub.f32 $0.0e+00, v4;
	v13 =	vmul.f32 v13, v23;
	v12 =	vadd.f32 $-2.844967250e-01, v12  }
0x263: {  	v3 =	vmul.f32 v3, v58;
	v9 =	vadd.f32 $2.548295860e-01, v9;
	v17 =	vadd.f32 $1.421413780e+00, v17  }
0x264: {  	v13 =	vadd.f32 $-2.844967250e-01, v13;
	(erf) = vpow2.f32 v10;
	v12 =	vmul.f32 v12, v61  }
0x265: {  	v4 =	vsel vm10, v19, v4;
	v10 =	vld [tilespmem:$0x10500];
	v9 =	vmul.f32 v9, v59;
	v17 =	vmul.f32 v17, v18  }
0x266: {  	v4 =	vadd.f32 $1.000000000e+00, v4;
	v3 =	vsub.f32 $1.000000000e+00, v3;
	v13 =	vmul.f32 v13, v23  }
0x267: {  	v12 =	vadd.f32 $2.548295860e-01, v12;
	v9 =	vmul.f32 v9, v53;
	v17 =	vadd.f32 $-2.844967250e-01, v17  }
0x268: {  	v4 =	vmul.f32 $5.000000000e-01, v4;
	v13 =	vadd.f32 $2.548295860e-01, v13;
	v59 =	vsub.f32 $0.0e+00, v3  }
0x269: {  	v60 =	vld [tilespmem:$0x10180];
	v12 =	vmul.f32 v12, v61;
	v9 =	vsub.f32 $1.000000000e+00, v9;
	v17 =	vmul.f32 v17, v18  }
0x26a: {  	v13 =	vmul.f32 v13, v23;
	v4 =	vadd.f32 v4, v10;
	v3 =	vsel vm11, v59, v3  }
0x26b: {  	v10 =	vld [tilespmem:$0x10200];
	v12 =	vmul.f32 v12, v55;
	v62 =	vsub.f32 $0.0e+00, v9;
	v17 =	vadd.f32 $2.548295860e-01, v17  }
0x26c: {  	vm12 =	vlt.f32 v52, $0.0e+00;
	v23 =	vmul.f32 v13, v16;
	v3 =	vadd.f32 $1.000000000e+00, v3  }
0x26d: {  	[tilespmem:$0x10000] =	vst v11;
	v63 =	vld [tilespmem:$0x10580];
	v11 =	vsub.f32 $1.000000000e+00, v12;
	v9 =	vsel vm12, v62, v9;
	v48 =	vmul.f32 v17, v18  }
0x26e: {  	v52 =	vld [tilespmem:$0x10600];
	vm14 =	vlt.f32 v51, $0.0e+00;
	[tilespmem:$0x10400] =	vst v6;
	v6 =	vadd.f32 v42, v60;
	v53 =	vpop (erf);
	v9 =	vadd.f32 $1.000000000e+00, v9  }
0x26f: {  	[tilespmem:$0x10480] =	vst v8;
	v12 =	vsub.f32 $1.000000000e+00, v23;
	v54 =	vsub.f32 $0.0e+00, v11;
	v13 =	vmul.f32 v48, v53  }
0x270: {  	[tilespmem:$0x10500] =	vst v4;
	v3 =	vmul.f32 $5.000000000e-01, v3;
	v4 =	vadd.f32 v41, v10;
	v8 =	vmul.f32 $5.000000000e-01, v9;
	v9 =	vld [tilespmem:$0x10280]  }
0x271: {  	[tilespmem:$0x10080] =	vst v15;
	v55 =	vld [tilespmem:$0x10680];
	v57 =	vsub.f32 $0.0e+00, v12;
	v11 =	vsel vm13, v54, v11;
	v13 =	vsub.f32 $1.000000000e+00, v13  }
0x272: {  	v7 =	vsel vm8, $0x0, v7;
	[tilespmem:$0x10100] =	vst v14;
	v3 =	vadd.f32 v3, v63;
	v10 =	vadd.f32 $1.000000000e+00, v11;
	v11 =	vld [tilespmem:$0x10300]  }
0x273: {  	v58 =	vld [tilespmem:$0x10700];
	[tilespmem:$0x10180] =	vst v6;
	v6 =	vadd.f32 v8, v52;
	v8 =	vsel vm14, v57, v12;
	v59 =	vsub.f32 $0.0e+00, v13  }
0x274: {  	vm15 =	vlt.f32 v5, $0.0e+00;
	[tilespmem:$0x10580] =	vst v3;
	v3 =	vmul.f32 $5.000000000e-01, v10;
	v10 =	vld [tilespmem:$0x10380];
	v8 =	vadd.f32 $1.000000000e+00, v8  }
0x275: {  	v47 =	vadd.f32 v49, v50;
	[tilespmem:$0x10200] =	vst v4;
	v4 =	vadd.f32 v46, v9;
	v9 =	vld [tilespmem:$0x10780];
	v5 =	vsel vm15, v59, v13  }
0x276: {  	[tilespmem:$0x10600] =	vst v6;
	v3 =	vadd.f32 v3, v55;
	v6 =	vmul.f32 $5.000000000e-01, v8;
	v5 =	vadd.f32 $1.000000000e+00, v5  }
0x277: {  	v48 =	vadd.f32 v7, v56;
	[tilespmem:$0x10280] =	vst v4;
	v4 =	vadd.f32 v11, v47  }
0x278: {  	[tilespmem:$0x10680] =	vst v3;
	v3 =	vadd.f32 v6, v58;
	v5 =	vmul.f32 $5.000000000e-01, v5  }
0x279: {  	[tilespmem:$0x10300] =	vst v4;
	v4 =	vadd.f32 v10, v48  }
0x27a: {  	[tilespmem:$0x10700] =	vst v3;
	v3 =	vadd.f32 v5, v9  }
0x27b: {  	[tilespmem:$0x10380] =	vst v4  }
0x27c: {  	s0 =	simm.s32 $0x18C80;
	[tilespmem:$0x10780] =	vst v3  }
0x27d: {  	v3 =	vld [tilespmem:s0+$0x0];
	_ =	sdelay $0x1  }
0x27e: {  	s0 =	simm.s32 $0x0  }
0x27f: {  	v4 =	vmov s0  }
0x280: {  	v49 =	vimm.f32 $0.0e+00;
	s0 =	simm.s32 $0x1;
	v5 =	vand.u32 $0x7C, v4;
	v4 =	vshll.u32 v4, $0x3  }
0x281: {  	v6 =	vmov s0;
	v8 =	vbroadcast v3, $0x0;
	v9 =	vbroadcast v3, $0x1  }
0x282: {  	s0 =	simm.s32 $0x3;
	v4 =	vand.u32 $0x400, v4;
	v10 =	vand.u32 $0x7D, v6;
	v11 =	vbroadcast v3, $0x2  }
0x283: {  	v60 =	vmov s0;
	v8 =	vmul.f32 v8, v43;
	v9 =	vmul.f32 v9, v45  }
0x284: {  	v4 =	vor.u32 v4, v5;
	v5 =	vshll.u32 v6, $0x3;
	v6 =	vshll.u32 v60, $0x3  }
0x285: {  	s28 =	simm.s32 $0x2;
	v8 =	vadd.f32 v9, v8;
	v9 =	vmul.f32 v11, v44;
	v11 =	vbroadcast v3, $0x3  }
0x286: {  	v7 =	vmov s28;
	v12 =	vand.u32 $0x7F, v60;
	v6 =	vand.u32 $0x400, v6  }
0x287: {  	v8 =	vadd.f32 v8, v9;
	v9 =	vmul.f32 v11, v42;
	v11 =	vbroadcast v3, $0x4  }
0x288: {  	v61 =	vshll.u32 v7, $0x3;
	v4 =	vor.u32 v36, v4;
	v6 =	vor.u32 v6, v12  }
0x289: {  	s28 =	simm.s32 $0x4;
	v8 =	vadd.f32 v8, v9;
	v9 =	vmul.f32 v11, v41;
	v11 =	vbroadcast v3, $0x5  }
0x28a: {  	v7 =	vand.u32 $0x7E, v7;
	v54 =	vmov s28;
	v6 =	vor.u32 v36, v6  }
0x28b: {  	v5 =	vand.u32 $0x400, v5;
	v8 =	vadd.f32 v8, v9;
	v9 =	vmul.f32 v11, v46  }
0x28c: {  	v62 =	vand.u32 $0x400, v61;
	v5 =	vor.u32 v5, v10;
	v11 =	vbroadcast v3, $0x6  }
0x28d: {  	v3 =	vbroadcast v3, $0x7;
	v63 =	vadd.f32 v8, v9;
	v9 =	vor.u32 v36, v5  }
0x28e: {  	v53 =	vand.u32 $0x7C, v54;
	v10 =	vor.u32 v62, v7;
	v7 =	vld.idx.msk [tilespmem:v4+s4+$0x0], $0xffff;
	v11 =	vmul.f32 v11, v47  }
0x28f: {  	s29 =	simm.s32 $0x18D00;
	v50 =	vor.u32 v36, v10;
	v4 =	vimm.f32 $0.0e+00;
	v8 =	vld.idx.msk [tilespmem:v6+s4+$0x0], $0xffff;
	v52 =	vmul.f32 v3, v48  }
0x290: {  	s31 =	simm.s32 $0x5;
	s30 =	simm.s32 $0x8;
	s0 =	simm.s32 $0x6;
	v6 =	vld [tilespmem:s29+$0x0];
	v5 =	vimm.f32 $0.0e+00;
	v3 =	vimm.f32 $0.0e+00;
	v51 =	vadd.f32 v63, v11  }
.LBB2_6:
0x291: {  	p0 =	sne.s32 s30, $0xFC;
	v10 =	vshll.u32 v54, $0x3;
	v11 =	vmov s31;
	v12 =	vmov s0  }
0x292: {  	v10 =	vand.u32 $0x400, v10;
	v13 =	vand.u32 $0x7D, v11;
	v14 =	vadd.f32 v51, v52;
	v9 =	vld.idx.msk [tilespmem:v9+s4+$0x0], $0xffff  }
0x293: {  	v11 =	vshll.u32 v11, $0x3;
	v15 =	vshll.u32 v12, $0x3;
	v10 =	vor.u32 v10, v53  }
0x294: {  	v11 =	vand.u32 $0x400, v11;
	v7 =	vmul.f32 v14, v7;
	v16 =	vld.idx.msk [tilespmem:v50+s4+$0x0], $0xffff;
	v8 =	vmul.f32 v14, v8  }
0x295: {  	s0 =	sadd.s32 $0x3, s28;
	s28 =	smov.u32 s30;
	v10 =	vor.u32 v36, v10;
	v17 =	vbroadcast v6, $0x0;
	v18 =	vbroadcast v6, $0x1  }
0x296: {  	v20 =	vmov s0;
	v19 =	vbroadcast v6, $0x2;
	v49 =	vadd.f32 v8, v49  }
0x297: {  	v8 =	vmul.f32 v17, v43;
	v17 =	vmul.f32 v18, v45;
	v18 =	vshll.u32 v20, $0x3  }
0x298: {  	v20 =	vand.u32 $0x7F, v20;
	v9 =	vmul.f32 v14, v9;
	v18 =	vand.u32 $0x400, v18  }
0x299: {  	v8 =	vadd.f32 v17, v8;
	v17 =	vmul.f32 v19, v44;
	v19 =	vbroadcast v6, $0x3  }
0x29a: {  	v5 =	vadd.f32 v7, v5;
	v18 =	vor.u32 v18, v20;
	v7 =	vmul.f32 v14, v16  }
0x29b: {  	v16 =	vbroadcast v6, $0x4;
	v8 =	vadd.f32 v8, v17;
	v14 =	vmul.f32 v19, v42  }
0x29c: {  	v4 =	vadd.f32 v9, v4;
	v17 =	vor.u32 v36, v18;
	v3 =	vadd.f32 v7, v3  }
0x29d: {  	v9 =	vbroadcast v6, $0x5;
	v7 =	vadd.f32 v8, v14;
	v8 =	vmul.f32 v16, v41  }
0x29e: {  	v12 =	vand.u32 $0x7E, v12;
	v11 =	vor.u32 v11, v13;
	v13 =	vand.u32 $0x400, v15  }
.Ltmp1:
0x29f: {  	v15 =	vbroadcast v6, $0x6;
	v14 =	vmul.f32 v9, v46;
	v8 =	vadd.f32 v7, v8;
	(pc) =	sbr.rel @p0 .LBB2_6-.Ltmp1, $4  }
0x2a0: {  	v9 =	vor.u32 v36, v11;
	v7 =	vld.idx.msk [tilespmem:v10+s4+$0x0], $0xffff;
	v10 =	vor.u32 v13, v12  }
0x2a1: {  	v12 =	vmul.f32 v15, v47;
	v13 =	vbroadcast v6, $0x7;
	v11 =	vadd.f32 v8, v14;
	v8 =	vld.idx.msk [tilespmem:v17+s4+$0x0], $0xffff  }
0x2a2: {  	v54 =	vmov s30;
	s29 =	sadd.s32 $0x80, s29;
	v50 =	vor.u32 v36, v10  }
0x2a3: {  	s30 =	sadd.s32 $0x4, s30;
	s31 =	sadd.s32 $0x1, s28;
	s0 =	sadd.s32 $0x2, s28;
	v53 =	vand.u32 $0x7C, v54;
	v52 =	vmul.f32 v13, v48;
	v6 =	vld [tilespmem:s29+$0x0];
	v51 =	vadd.f32 v11, v12  }
0x2a4: {  	_ =	sdelay $0x1  }
0x2a5: {  	v10 =	vshll.u32 v54, $0x3;
	v11 =	vmov s31  }
0x2a6: {  	v12 =	vmov s0;
	s31 =	sadd.s32 $0x3, s28;
	v10 =	vand.u32 $0x400, v10;
	v15 =	vand.u32 $0x7D, v11  }
0x2a7: {  	v17 =	vmov s31;
	v13 =	vbroadcast v6, $0x0;
	v14 =	vbroadcast v6, $0x1  }
0x2a8: {  	v11 =	vshll.u32 v11, $0x3;
	v19 =	vshll.u32 v12, $0x3;
	v16 =	vbroadcast v6, $0x2  }
0x2a9: {  	v12 =	vand.u32 $0x7E, v12;
	v13 =	vmul.f32 v13, v43;
	v14 =	vmul.f32 v14, v45  }
0x2aa: {  	v10 =	vor.u32 v10, v53;
	v18 =	vshll.u32 v17, $0x3;
	v17 =	vand.u32 $0x7F, v17  }
0x2ab: {  	v22 =	vbroadcast v6, $0x3;
	v21 =	vmul.f32 v16, v44;
	v13 =	vadd.f32 v14, v13  }
0x2ac: {  	v11 =	vand.u32 $0x400, v11;
	v18 =	vand.u32 $0x400, v18;
	v10 =	vor.u32 v36, v10  }
0x2ad: {  	v23 =	vmul.f32 v22, v42;
	v42 =	vbroadcast v6, $0x4;
	v13 =	vadd.f32 v13, v21  }
0x2ae: {  	v11 =	vor.u32 v11, v15;
	v17 =	vor.u32 v18, v17;
	v44 =	vbroadcast v6, $0x5  }
0x2af: {  	v45 =	vand.u32 $0x400, v19;
	v43 =	vmul.f32 v42, v41;
	v13 =	vadd.f32 v13, v23  }
0x2b0: {  	v11 =	vor.u32 v36, v11;
	v53 =	vbroadcast v6, $0x6;
	v12 =	vor.u32 v45, v12  }
0x2b1: {  	v46 =	vmul.f32 v44, v46;
	v12 =	vor.u32 v36, v12;
	v13 =	vadd.f32 v13, v43  }
0x2b2: {  	v9 =	vld.idx.msk [tilespmem:v9+s4+$0x0], $0xffff;
	v54 =	vor.u32 v36, v17  }
0x2b3: {  	v55 =	vld.idx.msk [tilespmem:v50+s4+$0x0], $0xffff;
	v57 =	vbroadcast v6, $0x7;
	v56 =	vmul.f32 v53, v47;
	v13 =	vadd.f32 v13, v46  }
0x2b4: {  	v10 =	vld.idx.msk [tilespmem:v10+s4+$0x0], $0xffff  }
0x2b5: {  	v58 =	vadd.f32 v51, v52;
	v6 =	vmul.f32 v57, v48;
	v11 =	vld.idx.msk [tilespmem:v11+s4+$0x0], $0xffff;
	v13 =	vadd.f32 v13, v56  }
0x2b6: {  	v12 =	vld.idx.msk [tilespmem:v12+s4+$0x0], $0xffff  }
0x2b7: {  	v7 =	vmul.f32 v58, v7;
	v59 =	vld.idx.msk [tilespmem:v54+s4+$0x0], $0xffff;
	v6 =	vadd.f32 v13, v6  }
0x2b8: {  	v9 =	vmul.f32 v58, v9  }
0x2b9: {  	v5 =	vadd.f32 v7, v5;
	v60 =	vmul.f32 v58, v55;
	v10 =	vmul.f32 v6, v10  }
0x2ba: {  	s26 =	sadd.s32 $0x1, s26;
	v8 =	vmul.f32 v58, v8;
	v4 =	vadd.f32 v9, v4;
	v61 =	vmul.f32 v6, v11  }
0x2bb: {  	p0 =	sne.s32 s26, $0x8;
	v3 =	vadd.f32 v60, v3;
	v62 =	vmul.f32 v6, v12;
	v5 =	vadd.f32 v10, v5  }
.Ltmp2:
0x2bc: {  	v8 =	vadd.f32 v8, v49;
	v6 =	vmul.f32 v6, v59;
	v4 =	vadd.f32 v61, v4;
	(pc) =	sbr.rel @p0 .LBB2_3-.Ltmp2, $4  }
0x2bd: {  	v3 =	vadd.f32 v62, v3;
	[tilespmem:v37+s19+$0x0] =	vst.idx.msk $0xffff, v5  }
0x2be: {  	v63 =	vadd.f32 v6, v8;
	[tilespmem:v40+s19+$0x0] =	vst.idx.msk $0xffff, v4  }
0x2bf: {  	[tilespmem:v39+s19+$0x0] =	vst.idx.msk $0xffff, v3  }
0x2c0: {  	[tilespmem:v38+s19+$0x0] =	vst.idx.msk $0xffff, v63  }
0x2c1: {  	s23 =	sadd.s32 $0x1, s23  }
0x2c2: {  	s0 =	sshll.u32 s24, $0x4;
	p0 =	sne.s32 s23, $0x4  }
.Ltmp3:
0x2c3: {  	s0 =	sadd.s32 s8, s0;
	(pc) =	sbr.rel @p0 .LBB2_2-.Ltmp3, $4  }
0x2c4: {  	[hbm4b:s0+s4] =	stream.linear.scatter [tilespmem:s19], [sflag:$0x1], $0x4000, $0x38;
	[tilespmem:$0x1AC80] =	vst v63  }
0x2c5: {  	_ =	swait.ge [sflag:s14], $0x4000  }
0x2c6: {  	[sflag:s14] =	ssyncset.done $0x0  }
0x2c7: {  	[sflag:s14] =	ssyncadd.s32 $0xFFFFC000  }
0x2c8: {  	[hbm4b:s10+s4] =	stream.linear.scatter [tilespmem:s20], [sflag:$0x1], $0x400, $0x38;
	[tilespmem:$0x1AC80] =	vst v63  }
0x2c9: {  	s22 =	sadd.s32 $0x1, s22;
	_ =	swait.ge [sflag:s14], $0x400  }
0x2ca: {  	p0 =	sne.s32 s22, s12;
	[sflag:s14] =	ssyncset.done $0x0  }
.Ltmp4:
0x2cb: {  	[sflag:s14] =	ssyncadd.s32 $0xFFFFFC00;
	(pc) =	sbr.rel @p0 .LBB2_1-.Ltmp4, $4  }
0x2cc: {  	[hbm4b:s11+s4] =	stream.linear.scatter [tilespmem:s21], [sflag:$0x1], $0x400, $0x38;
	[tilespmem:$0x1AC80] =	vst v63  }
0x2cd: {  	_ =	swait.ge [sflag:s14], $0x400  }
0x2ce: {  	[sflag:s14] =	ssyncset.done $0x0  }
0x2cf: {  	[sflag:s14] =	ssyncadd.s32 $0xFFFFFC00  }
0x2d0: {  	_ =	sfence.sel $0x180000  }
0x2d1: {  	[bflag:$0x0] =	sbarrier.arrive $0xFFFF  }
0x2d2: {  	_ =	strace $0x90000047  }
0x2d3: {  	[bflag:$0x2] =	sbarrier.arrive $0xFFFF  }
0x2d4: {  	p0 =	sne.s32 s5, $0x0;
	s0 =	rddreg [dreg:$0x4]  }
0x2d5: {  	s0 =	sadd.s32 @!p0 $0x100000, s0  }
0x2d6: {  	[sflag:s0] =	ssyncadd.tile.s32 @!p0 $0x1;
	_ =	shalt  }
.Lfunc_end2:
_tile_overlayer_lowered:
.L_overlay_start_2:
0x2d7: {  	(tag) =	ssettag $0x2  }
0x2d8: {  	s0 =	rddreg [dreg:$0x0];
	s2 =	stileid.u32  }
0x2d9: {  	s1 =	rddreg [dreg:$0x1];
	p0 =	sne.s32 s2, $0x0  }
0x2da: {  	s3 =	rddreg [dreg:$0x2];
	[bflag:$0x3] =	sbarrier.arrive $0xFFFF;
	s2 =	simm.s32 @!p0 $0x1C01  }
0x2db: {  	[timem:s3], [sflag:s2] =	dma.local @!p0 [hbm:s0], s1  }
0x2dc: {  	s0 =	simm.s32 @!p0 $0x1  }
0x2dd: {  	_ =	swait.ge @!p0 [sflag:s0], s1  }
0x2de: {  	s1 =	ssub.s32 @!p0 $0x0, s1;
	[sflag:s0] =	ssyncset.done @!p0 $0x0  }
0x2df: {  	[sflag:s0] =	ssyncadd.s32 @!p0 s1  }
0x2e0: {  	[bflag:$0x3] =	sbarrier.arrive $0xFFFF  }
0x2e1: {  	_ =	shalt  }

</sc_bundles>
